<compile_context>
chip_gen: v7x
topology: tpu7x:2x2x1
jax: 0.10.2.dev20260603
libtpu: 0.0.44.dev20260713+nightly
codegen_flags: <defaults>
</compile_context>

<pallas_src>
import functools
import math

import jax
import jax.numpy as jnp
from jax import lax
from jax.experimental import pallas as pl
from jax.experimental.pallas import tpu as pltpu
from jax.experimental.pallas import tpu_sc as plsc

D = 128
SCALE = math.sqrt(128.0)

_info = plsc.get_sparse_core_info()
_NC = _info.num_cores
_NS = _info.num_subcores
_NW = _NC * _NS
_L = _info.num_lanes

CH = 128
NBUF = 5


@functools.lru_cache(maxsize=None)
def _emb_call(n_chunks):
    n = _NW * n_chunks * CH
    mesh = plsc.VectorSubcoreMesh(core_axis_name="c", subcore_axis_name="s")

    @functools.partial(
        pl.kernel,
        mesh=mesh,
        out_type=jax.ShapeDtypeStruct((n, D), jnp.float32),
        scratch_types=(
            [pltpu.VMEM((n_chunks, CH), jnp.int32)]
            + [pltpu.VMEM((CH, D), jnp.float32)] * NBUF
            + [pltpu.SemaphoreType.DMA] * (2 * NBUF)
        ),
    )
    def k(idx_hbm, lut_hbm, out_hbm, idx_v, *rest):
        rows = rest[:NBUF]
        gsem = rest[NBUF:2 * NBUF]
        ssem = rest[2 * NBUF:3 * NBUF]

        wid = lax.axis_index("s") * _NC + lax.axis_index("c")
        pltpu.sync_copy(idx_hbm.at[wid], idx_v)
        base = wid * (n_chunks * CH)

        def start_gather(b, j):
            pltpu.async_copy(lut_hbm.at[idx_v.at[j]], rows[b], gsem[b])

        def wait_gather(b):
            pltpu.make_async_copy(lut_hbm.at[idx_v.at[0]], rows[b],
                                  gsem[b]).wait()

        def start_store(b, j):
            pltpu.async_copy(rows[b], out_hbm.at[pl.ds(base + j * CH, CH)],
                             ssem[b])

        def wait_store(b):
            pltpu.make_async_copy(rows[b], out_hbm.at[pl.ds(base, CH)],
                                  ssem[b]).wait()

        for b in range(NBUF):
            start_gather(b, b)

        def group_body(g, carry):
            for b in range(NBUF):
                j = g * NBUF + b
                wait_gather(b)

                def scale_body(r, c2, _b=b):
                    for u in range(4):
                        rr = r * 4 + u
                        for c in range(D // _L):
                            sl = pl.ds(c * _L, _L)
                            rows[_b][rr, sl] = rows[_b][rr, sl] * SCALE
                    return c2

                lax.fori_loop(0, CH // 4, scale_body, 0)
                start_store(b, j)

                q = j + NBUF - 1
                pb = (b - 1) % NBUF

                @pl.when(jnp.logical_and(q >= NBUF, q < n_chunks))
                def _():
                    wait_store(pb)
                    start_gather(pb, q)

            return carry

        lax.fori_loop(0, n_chunks // NBUF, group_body, 0)
        for b in range(NBUF):
            wait_store(b)

    return k


def kernel(x, lut):
    b, h = x.shape
    n = b * h
    n_chunks = n // (_NW * CH)
    idx = jnp.transpose(x).reshape(_NW, n_chunks, CH)
    out = _emb_call(n_chunks)(idx, lut)
    return out.reshape(h, b, D).transpose(1, 0, 2)

# --- scband reference (transcript-rebuilt; emitter-appended) ---
"""Pipeline reference for scband-embeddings-43671227466148 (READ-ONLY COPY).

The authoritative reference and input builder live on the scoring server;
editing this copy changes nothing except your own understanding.
"""

import jax, jax.numpy as jnp
import numpy as np

VOCAB_SIZE = 100000
DIM_MODEL = 128
BATCH = 4096
HIST_LEN = 50


def setup_inputs(seed: int = 0) -> dict:
    key = jax.random.key(seed)
    k1, k2 = jax.random.split(key)
    x = jax.random.randint(k1, (BATCH, HIST_LEN), 0, VOCAB_SIZE, dtype=jnp.int32)
    # Learned embedding table (nn.Embedding weight), N(0,1) init like torch default
    lut = jax.random.normal(k2, (VOCAB_SIZE, DIM_MODEL), dtype=jnp.float32)
    return {"x": x, "lut": lut}


def reference(x, lut):
    # Embeddings.forward: self.lut(x) * sqrt(dim_model)
    emb = jnp.take(lut, x, axis=0)
    return emb * np.sqrt(DIM_MODEL)

if __name__ == "__main__":
    import jax
    _d = setup_inputs()
    print(jax.jit(kernel)(*tuple(_d.values())))

</pallas_src>

<mosaic_0001>
#map = affine_map<(d0, d1) -> (0, 0, 0)>
#map1 = affine_map<(d0, d1) -> (0, 0)>
module attributes {stable_mosaic.version = 14 : i64} {
  func.func @k(%arg0: i32, %arg1: i32, %arg2: memref<32x50x128xi32, #tpu.memory_space<hbm>>, %arg3: memref<100000x128xf32, #tpu.memory_space<hbm>>, %arg4: memref<204800x128xf32, #tpu.memory_space<hbm>>, %arg5: memref<50x128xi32, #tpu.memory_space<vmem>>, %arg6: memref<128x128xf32, #tpu.memory_space<vmem>>, %arg7: memref<128x128xf32, #tpu.memory_space<vmem>>, %arg8: memref<128x128xf32, #tpu.memory_space<vmem>>, %arg9: memref<128x128xf32, #tpu.memory_space<vmem>>, %arg10: memref<128x128xf32, #tpu.memory_space<vmem>>, %arg11: memref<!tpu.dma_semaphore, #tpu.memory_space<semaphore_mem>>, %arg12: memref<!tpu.dma_semaphore, #tpu.memory_space<semaphore_mem>>, %arg13: memref<!tpu.dma_semaphore, #tpu.memory_space<semaphore_mem>>, %arg14: memref<!tpu.dma_semaphore, #tpu.memory_space<semaphore_mem>>, %arg15: memref<!tpu.dma_semaphore, #tpu.memory_space<semaphore_mem>>, %arg16: memref<!tpu.dma_semaphore, #tpu.memory_space<semaphore_mem>>, %arg17: memref<!tpu.dma_semaphore, #tpu.memory_space<semaphore_mem>>, %arg18: memref<!tpu.dma_semaphore, #tpu.memory_space<semaphore_mem>>, %arg19: memref<!tpu.dma_semaphore, #tpu.memory_space<semaphore_mem>>, %arg20: memref<!tpu.dma_semaphore, #tpu.memory_space<semaphore_mem>>) attributes {dimension_semantics = [#tpu.dimension_semantics<core_parallel>, #tpu.dimension_semantics<subcore_parallel>], iteration_bounds = array<i64: 2, 16>, scalar_prefetch = 0 : i64, scratch_operands = 16 : i64, tpu.core_type = #tpu.core_type<sc_vector_subcore>, window_params = [{transform_indices = #map}, {transform_indices = #map1}, {transform_indices = #map1}]} {
    %mul3A = arith.constant 2 : i32
    %mul3A_0 = arith.muli %arg1, %mul3A : i32
    %add3A = arith.addi %mul3A_0, %arg0 : i32
    "tpu.region"() ({
      %run_scoped3A = tpu.sem_alloc : memref<!tpu.dma_semaphore, #tpu.memory_space<semaphore_mem>>
      %dma_start3A_61 = arith.constant 0 : i32
      %dma_start3A_62 = arith.constant 0 : i32
      %dma_start3A_63 = tpu.memref_slice %arg2[%add3A, %dma_start3A_61, %dma_start3A_62] : memref<32x50x128xi32, #tpu.memory_space<hbm>> -> memref<1x50x128xi32, #tpu.memory_space<hbm>>
      %dma_start3A_64 = tpu.memref_squeeze %dma_start3A_63 : memref<1x50x128xi32, #tpu.memory_space<hbm>> -> memref<50x128xi32, #tpu.memory_space<hbm>>
      %dma_start3A_65 = arith.constant 0 : i32
      %dma_start3A_66 = arith.constant 0 : i32
      %dma_start3A_67 = tpu.memref_slice %arg2[%add3A, %dma_start3A_65, %dma_start3A_66] : memref<32x50x128xi32, #tpu.memory_space<hbm>> -> memref<1x50x128xi32, #tpu.memory_space<hbm>>
      %dma_start3A_68 = tpu.memref_squeeze %dma_start3A_67 : memref<1x50x128xi32, #tpu.memory_space<hbm>> -> memref<50x128xi32, #tpu.memory_space<hbm>>
      tpu.enqueue_dma source(%dma_start3A_68 : memref<50x128xi32, #tpu.memory_space<hbm>>) target(%arg5 : memref<50x128xi32, #tpu.memory_space<vmem>>) target_semaphore(%run_scoped3A : memref<!tpu.dma_semaphore, #tpu.memory_space<semaphore_mem>>)
      %dma_wait3A_69 = arith.constant 0 : i32
      %dma_wait3A_70 = arith.constant 0 : i32
      %dma_wait3A_71 = tpu.memref_slice %arg2[%add3A, %dma_wait3A_69, %dma_wait3A_70] : memref<32x50x128xi32, #tpu.memory_space<hbm>> -> memref<1x50x128xi32, #tpu.memory_space<hbm>>
      %dma_wait3A_72 = tpu.memref_squeeze %dma_wait3A_71 : memref<1x50x128xi32, #tpu.memory_space<hbm>> -> memref<50x128xi32, #tpu.memory_space<hbm>>
      %dma_wait3A_73 = arith.constant 0 : i32
      %dma_wait3A_74 = arith.constant 0 : i32
      %dma_wait3A_75 = tpu.memref_slice %arg2[%add3A, %dma_wait3A_73, %dma_wait3A_74] : memref<32x50x128xi32, #tpu.memory_space<hbm>> -> memref<1x50x128xi32, #tpu.memory_space<hbm>>
      %dma_wait3A_76 = tpu.memref_squeeze %dma_wait3A_75 : memref<1x50x128xi32, #tpu.memory_space<hbm>> -> memref<50x128xi32, #tpu.memory_space<hbm>>
      tpu.wait_dma2 semaphore(%run_scoped3A : memref<!tpu.dma_semaphore, #tpu.memory_space<semaphore_mem>>) src(%dma_wait3A_76 : memref<50x128xi32, #tpu.memory_space<hbm>>) dst(%arg5 : memref<50x128xi32, #tpu.memory_space<vmem>>)
      tpu.yield
    }) : () -> ()
    %mul3A_1 = arith.constant 6400 : i32
    %mul3A_2 = arith.muli %add3A, %mul3A_1 : i32
    %dma_start3A = arith.constant 0 : i32
    %dma_start3A_3 = arith.constant 0 : i32
    %dma_start3A_4 = tpu.memref_slice %arg5[%dma_start3A, %dma_start3A_3] : memref<50x128xi32, #tpu.memory_space<vmem>> -> memref<1x128xi32, #tpu.memory_space<vmem>>
    %dma_start3A_5 = tpu.memref_squeeze %dma_start3A_4 : memref<1x128xi32, #tpu.memory_space<vmem>> -> memref<128xi32, #tpu.memory_space<vmem>>
    %dma_start3A_6 = arith.constant 0 : i32
    %dma_start3A_7 = arith.constant 0 : i32
    %dma_start3A_8 = tpu.memref_slice %arg3[%dma_start3A_6, %dma_start3A_7] : memref<100000x128xf32, #tpu.memory_space<hbm>> -> memref<100000x128xf32, #tpu.memory_space<hbm>>
    tpu.enqueue_indirect_dma source(%dma_start3A_8 : memref<100000x128xf32, #tpu.memory_space<hbm>>) target(%arg6 : memref<128x128xf32, #tpu.memory_space<vmem>>) offsets(%dma_start3A_5 : memref<128xi32, #tpu.memory_space<vmem>>) semaphore(%arg11 : memref<!tpu.dma_semaphore, #tpu.memory_space<semaphore_mem>>)
    %dma_start3A_9 = arith.constant 1 : i32
    %dma_start3A_10 = arith.constant 0 : i32
    %dma_start3A_11 = tpu.memref_slice %arg5[%dma_start3A_9, %dma_start3A_10] : memref<50x128xi32, #tpu.memory_space<vmem>> -> memref<1x128xi32, #tpu.memory_space<vmem>>
    %dma_start3A_12 = tpu.memref_squeeze %dma_start3A_11 : memref<1x128xi32, #tpu.memory_space<vmem>> -> memref<128xi32, #tpu.memory_space<vmem>>
    %dma_start3A_13 = arith.constant 0 : i32
    %dma_start3A_14 = arith.constant 0 : i32
    %dma_start3A_15 = tpu.memref_slice %arg3[%dma_start3A_13, %dma_start3A_14] : memref<100000x128xf32, #tpu.memory_space<hbm>> -> memref<100000x128xf32, #tpu.memory_space<hbm>>
    tpu.enqueue_indirect_dma source(%dma_start3A_15 : memref<100000x128xf32, #tpu.memory_space<hbm>>) target(%arg7 : memref<128x128xf32, #tpu.memory_space<vmem>>) offsets(%dma_start3A_12 : memref<128xi32, #tpu.memory_space<vmem>>) semaphore(%arg12 : memref<!tpu.dma_semaphore, #tpu.memory_space<semaphore_mem>>)
    %dma_start3A_16 = arith.constant 2 : i32
    %dma_start3A_17 = arith.constant 0 : i32
    %dma_start3A_18 = tpu.memref_slice %arg5[%dma_start3A_16, %dma_start3A_17] : memref<50x128xi32, #tpu.memory_space<vmem>> -> memref<1x128xi32, #tpu.memory_space<vmem>>
    %dma_start3A_19 = tpu.memref_squeeze %dma_start3A_18 : memref<1x128xi32, #tpu.memory_space<vmem>> -> memref<128xi32, #tpu.memory_space<vmem>>
    %dma_start3A_20 = arith.constant 0 : i32
    %dma_start3A_21 = arith.constant 0 : i32
    %dma_start3A_22 = tpu.memref_slice %arg3[%dma_start3A_20, %dma_start3A_21] : memref<100000x128xf32, #tpu.memory_space<hbm>> -> memref<100000x128xf32, #tpu.memory_space<hbm>>
    tpu.enqueue_indirect_dma source(%dma_start3A_22 : memref<100000x128xf32, #tpu.memory_space<hbm>>) target(%arg8 : memref<128x128xf32, #tpu.memory_space<vmem>>) offsets(%dma_start3A_19 : memref<128xi32, #tpu.memory_space<vmem>>) semaphore(%arg13 : memref<!tpu.dma_semaphore, #tpu.memory_space<semaphore_mem>>)
    %dma_start3A_23 = arith.constant 3 : i32
    %dma_start3A_24 = arith.constant 0 : i32
    %dma_start3A_25 = tpu.memref_slice %arg5[%dma_start3A_23, %dma_start3A_24] : memref<50x128xi32, #tpu.memory_space<vmem>> -> memref<1x128xi32, #tpu.memory_space<vmem>>
    %dma_start3A_26 = tpu.memref_squeeze %dma_start3A_25 : memref<1x128xi32, #tpu.memory_space<vmem>> -> memref<128xi32, #tpu.memory_space<vmem>>
    %dma_start3A_27 = arith.constant 0 : i32
    %dma_start3A_28 = arith.constant 0 : i32
    %dma_start3A_29 = tpu.memref_slice %arg3[%dma_start3A_27, %dma_start3A_28] : memref<100000x128xf32, #tpu.memory_space<hbm>> -> memref<100000x128xf32, #tpu.memory_space<hbm>>
    tpu.enqueue_indirect_dma source(%dma_start3A_29 : memref<100000x128xf32, #tpu.memory_space<hbm>>) target(%arg9 : memref<128x128xf32, #tpu.memory_space<vmem>>) offsets(%dma_start3A_26 : memref<128xi32, #tpu.memory_space<vmem>>) semaphore(%arg14 : memref<!tpu.dma_semaphore, #tpu.memory_space<semaphore_mem>>)
    %dma_start3A_30 = arith.constant 4 : i32
    %dma_start3A_31 = arith.constant 0 : i32
    %dma_start3A_32 = tpu.memref_slice %arg5[%dma_start3A_30, %dma_start3A_31] : memref<50x128xi32, #tpu.memory_space<vmem>> -> memref<1x128xi32, #tpu.memory_space<vmem>>
    %dma_start3A_33 = tpu.memref_squeeze %dma_start3A_32 : memref<1x128xi32, #tpu.memory_space<vmem>> -> memref<128xi32, #tpu.memory_space<vmem>>
    %dma_start3A_34 = arith.constant 0 : i32
    %dma_start3A_35 = arith.constant 0 : i32
    %dma_start3A_36 = tpu.memref_slice %arg3[%dma_start3A_34, %dma_start3A_35] : memref<100000x128xf32, #tpu.memory_space<hbm>> -> memref<100000x128xf32, #tpu.memory_space<hbm>>
    tpu.enqueue_indirect_dma source(%dma_start3A_36 : memref<100000x128xf32, #tpu.memory_space<hbm>>) target(%arg10 : memref<128x128xf32, #tpu.memory_space<vmem>>) offsets(%dma_start3A_33 : memref<128xi32, #tpu.memory_space<vmem>>) semaphore(%arg15 : memref<!tpu.dma_semaphore, #tpu.memory_space<semaphore_mem>>)
    %scan3A = arith.constant 0 : i32
    %scan3A_37 = arith.constant 0 : i32
    %scan3A_38 = arith.constant 10 : i32
    %scan3A_39 = arith.addi %scan3A_37, %scan3A_38 : i32
    %scan3A_40 = arith.constant 1 : i32
    scf.for %scan3A_61 = %scan3A_37 to %scan3A_39 step %scan3A_40  : i32 {
      %mul3A_62 = arith.constant 5 : i32
      %mul3A_63 = arith.muli %scan3A_61, %mul3A_62 : i32
      %add3A_64 = arith.constant 0 : i32
      %add3A_65 = arith.addi %mul3A_63, %add3A_64 : i32
      %dma_wait3A_66 = arith.constant 0 : i32
      %dma_wait3A_67 = arith.constant 0 : i32
      %dma_wait3A_68 = tpu.memref_slice %arg5[%dma_wait3A_66, %dma_wait3A_67] : memref<50x128xi32, #tpu.memory_space<vmem>> -> memref<1x128xi32, #tpu.memory_space<vmem>>
      %dma_wait3A_69 = tpu.memref_squeeze %dma_wait3A_68 : memref<1x128xi32, #tpu.memory_space<vmem>> -> memref<128xi32, #tpu.memory_space<vmem>>
      %dma_wait3A_70 = arith.constant 0 : i32
      %dma_wait3A_71 = arith.constant 0 : i32
      %dma_wait3A_72 = tpu.memref_slice %arg3[%dma_wait3A_70, %dma_wait3A_71] : memref<100000x128xf32, #tpu.memory_space<hbm>> -> memref<100000x128xf32, #tpu.memory_space<hbm>>
      tpu.wait_indirect_dma semaphore(%arg11 : memref<!tpu.dma_semaphore, #tpu.memory_space<semaphore_mem>>) src(%dma_wait3A_72 : memref<100000x128xf32, #tpu.memory_space<hbm>>) dst(%arg6 : memref<128x128xf32, #tpu.memory_space<vmem>>)
      %scan3A_73 = arith.constant 0 : i32
      %scan3A_74 = arith.constant 0 : i32
      %scan3A_75 = arith.constant 32 : i32
      %scan3A_76 = arith.addi %scan3A_74, %scan3A_75 : i32
      %scan3A_77 = arith.constant 1 : i32
      scf.for %scan3A_236 = %scan3A_74 to %scan3A_76 step %scan3A_77  : i32 {
        %mul3A_237 = arith.constant 4 : i32
        %mul3A_238 = arith.muli %scan3A_236, %mul3A_237 : i32
        %add3A_239 = arith.constant 0 : i32
        %add3A_240 = arith.addi %mul3A_238, %add3A_239 : i32
        %get3A = arith.index_cast %add3A_240 : i32 to index
        %get3A_241 = arith.constant 0 : index
        %get3A_242 = tpu.vector_load %arg6[%get3A, %get3A_241] {strides = array<i32>} : memref<128x128xf32, #tpu.memory_space<vmem>>, vector<1x16xf32>,
        %get3A_243 = vector.shape_cast %get3A_242 : vector<1x16xf32> to vector<16xf32>
        %mul3A_244 = arith.constant 11.3137083 : f32
        %mul3A_245 = vector.broadcast %mul3A_244 : f32 to vector<16xf32>
        %mul3A_246 = arith.mulf %get3A_243, %mul3A_245 : vector<16xf32>
        %swap3A = arith.index_cast %add3A_240 : i32 to index
        %swap3A_247 = arith.constant 0 : index
        %swap3A_248 = tpu.vector_load %arg6[%swap3A, %swap3A_247] {strides = array<i32>} : memref<128x128xf32, #tpu.memory_space<vmem>>, vector<1x16xf32>,
        %swap3A_249 = vector.shape_cast %swap3A_248 : vector<1x16xf32> to vector<16xf32>
        %swap3A_250 = vector.shape_cast %mul3A_246 : vector<16xf32> to vector<1x16xf32>
        tpu.vector_store %arg6[%swap3A, %swap3A_247], %swap3A_250 {strides = array<i32>} : memref<128x128xf32, #tpu.memory_space<vmem>>, vector<1x16xf32>,
        %get3A_251 = arith.index_cast %add3A_240 : i32 to index
        %get3A_252 = arith.constant 16 : index
        %get3A_253 = tpu.vector_load %arg6[%get3A_251, %get3A_252] {strides = array<i32>} : memref<128x128xf32, #tpu.memory_space<vmem>>, vector<1x16xf32>,
        %get3A_254 = vector.shape_cast %get3A_253 : vector<1x16xf32> to vector<16xf32>
        %mul3A_255 = arith.constant 11.3137083 : f32
        %mul3A_256 = vector.broadcast %mul3A_255 : f32 to vector<16xf32>
        %mul3A_257 = arith.mulf %get3A_254, %mul3A_256 : vector<16xf32>
        %swap3A_258 = arith.index_cast %add3A_240 : i32 to index
        %swap3A_259 = arith.constant 16 : index
        %swap3A_260 = tpu.vector_load %arg6[%swap3A_258, %swap3A_259] {strides = array<i32>} : memref<128x128xf32, #tpu.memory_space<vmem>>, vector<1x16xf32>,
        %swap3A_261 = vector.shape_cast %swap3A_260 : vector<1x16xf32> to vector<16xf32>
        %swap3A_262 = vector.shape_cast %mul3A_257 : vector<16xf32> to vector<1x16xf32>
        tpu.vector_store %arg6[%swap3A_258, %swap3A_259], %swap3A_262 {strides = array<i32>} : memref<128x128xf32, #tpu.memory_space<vmem>>, vector<1x16xf32>,
        %get3A_263 = arith.index_cast %add3A_240 : i32 to index
        %get3A_264 = arith.constant 32 : index
        %get3A_265 = tpu.vector_load %arg6[%get3A_263, %get3A_264] {strides = array<i32>} : memref<128x128xf32, #tpu.memory_space<vmem>>, vector<1x16xf32>,
        %get3A_266 = vector.shape_cast %get3A_265 : vector<1x16xf32> to vector<16xf32>
        %mul3A_267 = arith.constant 11.3137083 : f32
        %mul3A_268 = vector.broadcast %mul3A_267 : f32 to vector<16xf32>
        %mul3A_269 = arith.mulf %get3A_266, %mul3A_268 : vector<16xf32>
        %swap3A_270 = arith.index_cast %add3A_240 : i32 to index
        %swap3A_271 = arith.constant 32 : index
        %swap3A_272 = tpu.vector_load %arg6[%swap3A_270, %swap3A_271] {strides = array<i32>} : memref<128x128xf32, #tpu.memory_space<vmem>>, vector<1x16xf32>,
        %swap3A_273 = vector.shape_cast %swap3A_272 : vector<1x16xf32> to vector<16xf32>
        %swap3A_274 = vector.shape_cast %mul3A_269 : vector<16xf32> to vector<1x16xf32>
        tpu.vector_store %arg6[%swap3A_270, %swap3A_271], %swap3A_274 {strides = array<i32>} : memref<128x128xf32, #tpu.memory_space<vmem>>, vector<1x16xf32>,
        %get3A_275 = arith.index_cast %add3A_240 : i32 to index
        %get3A_276 = arith.constant 48 : index
        %get3A_277 = tpu.vector_load %arg6[%get3A_275, %get3A_276] {strides = array<i32>} : memref<128x128xf32, #tpu.memory_space<vmem>>, vector<1x16xf32>,
        %get3A_278 = vector.shape_cast %get3A_277 : vector<1x16xf32> to vector<16xf32>
        %mul3A_279 = arith.constant 11.3137083 : f32
        %mul3A_280 = vector.broadcast %mul3A_279 : f32 to vector<16xf32>
        %mul3A_281 = arith.mulf %get3A_278, %mul3A_280 : vector<16xf32>
        %swap3A_282 = arith.index_cast %add3A_240 : i32 to index
        %swap3A_283 = arith.constant 48 : index
        %swap3A_284 = tpu.vector_load %arg6[%swap3A_282, %swap3A_283] {strides = array<i32>} : memref<128x128xf32, #tpu.memory_space<vmem>>, vector<1x16xf32>,
        %swap3A_285 = vector.shape_cast %swap3A_284 : vector<1x16xf32> to vector<16xf32>
        %swap3A_286 = vector.shape_cast %mul3A_281 : vector<16xf32> to vector<1x16xf32>
        tpu.vector_store %arg6[%swap3A_282, %swap3A_283], %swap3A_286 {strides = array<i32>} : memref<128x128xf32, #tpu.memory_space<vmem>>, vector<1x16xf32>,
        %get3A_287 = arith.index_cast %add3A_240 : i32 to index
        %get3A_288 = arith.constant 64 : index
        %get3A_289 = tpu.vector_load %arg6[%get3A_287, %get3A_288] {strides = array<i32>} : memref<128x128xf32, #tpu.memory_space<vmem>>, vector<1x16xf32>,
        %get3A_290 = vector.shape_cast %get3A_289 : vector<1x16xf32> to vector<16xf32>
        %mul3A_291 = arith.constant 11.3137083 : f32
        %mul3A_292 = vector.broadcast %mul3A_291 : f32 to vector<16xf32>
        %mul3A_293 = arith.mulf %get3A_290, %mul3A_292 : vector<16xf32>
        %swap3A_294 = arith.index_cast %add3A_240 : i32 to index
        %swap3A_295 = arith.constant 64 : index
        %swap3A_296 = tpu.vector_load %arg6[%swap3A_294, %swap3A_295] {strides = array<i32>} : memref<128x128xf32, #tpu.memory_space<vmem>>, vector<1x16xf32>,
        %swap3A_297 = vector.shape_cast %swap3A_296 : vector<1x16xf32> to vector<16xf32>
        %swap3A_298 = vector.shape_cast %mul3A_293 : vector<16xf32> to vector<1x16xf32>
        tpu.vector_store %arg6[%swap3A_294, %swap3A_295], %swap3A_298 {strides = array<i32>} : memref<128x128xf32, #tpu.memory_space<vmem>>, vector<1x16xf32>,
        %get3A_299 = arith.index_cast %add3A_240 : i32 to index
        %get3A_300 = arith.constant 80 : index
        %get3A_301 = tpu.vector_load %arg6[%get3A_299, %get3A_300] {strides = array<i32>} : memref<128x128xf32, #tpu.memory_space<vmem>>, vector<1x16xf32>,
        %get3A_302 = vector.shape_cast %get3A_301 : vector<1x16xf32> to vector<16xf32>
        %mul3A_303 = arith.constant 11.3137083 : f32
        %mul3A_304 = vector.broadcast %mul3A_303 : f32 to vector<16xf32>
        %mul3A_305 = arith.mulf %get3A_302, %mul3A_304 : vector<16xf32>
        %swap3A_306 = arith.index_cast %add3A_240 : i32 to index
        %swap3A_307 = arith.constant 80 : index
        %swap3A_308 = tpu.vector_load %arg6[%swap3A_306, %swap3A_307] {strides = array<i32>} : memref<128x128xf32, #tpu.memory_space<vmem>>, vector<1x16xf32>,
        %swap3A_309 = vector.shape_cast %swap3A_308 : vector<1x16xf32> to vector<16xf32>
        %swap3A_310 = vector.shape_cast %mul3A_305 : vector<16xf32> to vector<1x16xf32>
        tpu.vector_store %arg6[%swap3A_306, %swap3A_307], %swap3A_310 {strides = array<i32>} : memref<128x128xf32, #tpu.memory_space<vmem>>, vector<1x16xf32>,
        %get3A_311 = arith.index_cast %add3A_240 : i32 to index
        %get3A_312 = arith.constant 96 : index
        %get3A_313 = tpu.vector_load %arg6[%get3A_311, %get3A_312] {strides = array<i32>} : memref<128x128xf32, #tpu.memory_space<vmem>>, vector<1x16xf32>,
        %get3A_314 = vector.shape_cast %get3A_313 : vector<1x16xf32> to vector<16xf32>
        %mul3A_315 = arith.constant 11.3137083 : f32
        %mul3A_316 = vector.broadcast %mul3A_315 : f32 to vector<16xf32>
        %mul3A_317 = arith.mulf %get3A_314, %mul3A_316 : vector<16xf32>
        %swap3A_318 = arith.index_cast %add3A_240 : i32 to index
        %swap3A_319 = arith.constant 96 : index
        %swap3A_320 = tpu.vector_load %arg6[%swap3A_318, %swap3A_319] {strides = array<i32>} : memref<128x128xf32, #tpu.memory_space<vmem>>, vector<1x16xf32>,
        %swap3A_321 = vector.shape_cast %swap3A_320 : vector<1x16xf32> to vector<16xf32>
        %swap3A_322 = vector.shape_cast %mul3A_317 : vector<16xf32> to vector<1x16xf32>
        tpu.vector_store %arg6[%swap3A_318, %swap3A_319], %swap3A_322 {strides = array<i32>} : memref<128x128xf32, #tpu.memory_space<vmem>>, vector<1x16xf32>,
        %get3A_323 = arith.index_cast %add3A_240 : i32 to index
        %get3A_324 = arith.constant 112 : index
        %get3A_325 = tpu.vector_load %arg6[%get3A_323, %get3A_324] {strides = array<i32>} : memref<128x128xf32, #tpu.memory_space<vmem>>, vector<1x16xf32>,
        %get3A_326 = vector.shape_cast %get3A_325 : vector<1x16xf32> to vector<16xf32>
        %mul3A_327 = arith.constant 11.3137083 : f32
        %mul3A_328 = vector.broadcast %mul3A_327 : f32 to vector<16xf32>
        %mul3A_329 = arith.mulf %get3A_326, %mul3A_328 : vector<16xf32>
        %swap3A_330 = arith.index_cast %add3A_240 : i32 to index
        %swap3A_331 = arith.constant 112 : index
        %swap3A_332 = tpu.vector_load %arg6[%swap3A_330, %swap3A_331] {strides = array<i32>} : memref<128x128xf32, #tpu.memory_space<vmem>>, vector<1x16xf32>,
        %swap3A_333 = vector.shape_cast %swap3A_332 : vector<1x16xf32> to vector<16xf32>
        %swap3A_334 = vector.shape_cast %mul3A_329 : vector<16xf32> to vector<1x16xf32>
        tpu.vector_store %arg6[%swap3A_330, %swap3A_331], %swap3A_334 {strides = array<i32>} : memref<128x128xf32, #tpu.memory_space<vmem>>, vector<1x16xf32>,
        %mul3A_335 = arith.constant 4 : i32
        %mul3A_336 = arith.muli %scan3A_236, %mul3A_335 : i32
        %add3A_337 = arith.constant 1 : i32
        %add3A_338 = arith.addi %mul3A_336, %add3A_337 : i32
        %get3A_339 = arith.index_cast %add3A_338 : i32 to index
        %get3A_340 = arith.constant 0 : index
        %get3A_341 = tpu.vector_load %arg6[%get3A_339, %get3A_340] {strides = array<i32>} : memref<128x128xf32, #tpu.memory_space<vmem>>, vector<1x16xf32>,
        %get3A_342 = vector.shape_cast %get3A_341 : vector<1x16xf32> to vector<16xf32>
        %mul3A_343 = arith.constant 11.3137083 : f32
        %mul3A_344 = vector.broadcast %mul3A_343 : f32 to vector<16xf32>
        %mul3A_345 = arith.mulf %get3A_342, %mul3A_344 : vector<16xf32>
        %swap3A_346 = arith.index_cast %add3A_338 : i32 to index
        %swap3A_347 = arith.constant 0 : index
        %swap3A_348 = tpu.vector_load %arg6[%swap3A_346, %swap3A_347] {strides = array<i32>} : memref<128x128xf32, #tpu.memory_space<vmem>>, vector<1x16xf32>,
        %swap3A_349 = vector.shape_cast %swap3A_348 : vector<1x16xf32> to vector<16xf32>
        %swap3A_350 = vector.shape_cast %mul3A_345 : vector<16xf32> to vector<1x16xf32>
        tpu.vector_store %arg6[%swap3A_346, %swap3A_347], %swap3A_350 {strides = array<i32>} : memref<128x128xf32, #tpu.memory_space<vmem>>, vector<1x16xf32>,
        %get3A_351 = arith.index_cast %add3A_338 : i32 to index
        %get3A_352 = arith.constant 16 : index
        %get3A_353 = tpu.vector_load %arg6[%get3A_351, %get3A_352] {strides = array<i32>} : memref<128x128xf32, #tpu.memory_space<vmem>>, vector<1x16xf32>,
        %get3A_354 = vector.shape_cast %get3A_353 : vector<1x16xf32> to vector<16xf32>
        %mul3A_355 = arith.constant 11.3137083 : f32
        %mul3A_356 = vector.broadcast %mul3A_355 : f32 to vector<16xf32>
        %mul3A_357 = arith.mulf %get3A_354, %mul3A_356 : vector<16xf32>
        %swap3A_358 = arith.index_cast %add3A_338 : i32 to index
        %swap3A_359 = arith.constant 16 : index
        %swap3A_360 = tpu.vector_load %arg6[%swap3A_358, %swap3A_359] {strides = array<i32>} : memref<128x128xf32, #tpu.memory_space<vmem>>, vector<1x16xf32>,
        %swap3A_361 = vector.shape_cast %swap3A_360 : vector<1x16xf32> to vector<16xf32>
        %swap3A_362 = vector.shape_cast %mul3A_357 : vector<16xf32> to vector<1x16xf32>
        tpu.vector_store %arg6[%swap3A_358, %swap3A_359], %swap3A_362 {strides = array<i32>} : memref<128x128xf32, #tpu.memory_space<vmem>>, vector<1x16xf32>,
        %get3A_363 = arith.index_cast %add3A_338 : i32 to index
        %get3A_364 = arith.constant 32 : index
        %get3A_365 = tpu.vector_load %arg6[%get3A_363, %get3A_364] {strides = array<i32>} : memref<128x128xf32, #tpu.memory_space<vmem>>, vector<1x16xf32>,
        %get3A_366 = vector.shape_cast %get3A_365 : vector<1x16xf32> to vector<16xf32>
        %mul3A_367 = arith.constant 11.3137083 : f32
        %mul3A_368 = vector.broadcast %mul3A_367 : f32 to vector<16xf32>
        %mul3A_369 = arith.mulf %get3A_366, %mul3A_368 : vector<16xf32>
        %swap3A_370 = arith.index_cast %add3A_338 : i32 to index
        %swap3A_371 = arith.constant 32 : index
        %swap3A_372 = tpu.vector_load %arg6[%swap3A_370, %swap3A_371] {strides = array<i32>} : memref<128x128xf32, #tpu.memory_space<vmem>>, vector<1x16xf32>,
        %swap3A_373 = vector.shape_cast %swap3A_372 : vector<1x16xf32> to vector<16xf32>
        %swap3A_374 = vector.shape_cast %mul3A_369 : vector<16xf32> to vector<1x16xf32>
        tpu.vector_store %arg6[%swap3A_370, %swap3A_371], %swap3A_374 {strides = array<i32>} : memref<128x128xf32, #tpu.memory_space<vmem>>, vector<1x16xf32>,
        %get3A_375 = arith.index_cast %add3A_338 : i32 to index
        %get3A_376 = arith.constant 48 : index
        %get3A_377 = tpu.vector_load %arg6[%get3A_375, %get3A_376] {strides = array<i32>} : memref<128x128xf32, #tpu.memory_space<vmem>>, vector<1x16xf32>,
        %get3A_378 = vector.shape_cast %get3A_377 : vector<1x16xf32> to vector<16xf32>
        %mul3A_379 = arith.constant 11.3137083 : f32
        %mul3A_380 = vector.broadcast %mul3A_379 : f32 to vector<16xf32>
        %mul3A_381 = arith.mulf %get3A_378, %mul3A_380 : vector<16xf32>
        %swap3A_382 = arith.index_cast %add3A_338 : i32 to index
        %swap3A_383 = arith.constant 48 : index
        %swap3A_384 = tpu.vector_load %arg6[%swap3A_382, %swap3A_383] {strides = array<i32>} : memref<128x128xf32, #tpu.memory_space<vmem>>, vector<1x16xf32>,
        %swap3A_385 = vector.shape_cast %swap3A_384 : vector<1x16xf32> to vector<16xf32>
        %swap3A_386 = vector.shape_cast %mul3A_381 : vector<16xf32> to vector<1x16xf32>
        tpu.vector_store %arg6[%swap3A_382, %swap3A_383], %swap3A_386 {strides = array<i32>} : memref<128x128xf32, #tpu.memory_space<vmem>>, vector<1x16xf32>,
        %get3A_387 = arith.index_cast %add3A_338 : i32 to index
        %get3A_388 = arith.constant 64 : index
        %get3A_389 = tpu.vector_load %arg6[%get3A_387, %get3A_388] {strides = array<i32>} : memref<128x128xf32, #tpu.memory_space<vmem>>, vector<1x16xf32>,
        %get3A_390 = vector.shape_cast %get3A_389 : vector<1x16xf32> to vector<16xf32>
        %mul3A_391 = arith.constant 11.3137083 : f32
        %mul3A_392 = vector.broadcast %mul3A_391 : f32 to vector<16xf32>
        %mul3A_393 = arith.mulf %get3A_390, %mul3A_392 : vector<16xf32>
        %swap3A_394 = arith.index_cast %add3A_338 : i32 to index
        %swap3A_395 = arith.constant 64 : index
        %swap3A_396 = tpu.vector_load %arg6[%swap3A_394, %swap3A_395] {strides = array<i32>} : memref<128x128xf32, #tpu.memory_space<vmem>>, vector<1x16xf32>,
        %swap3A_397 = vector.shape_cast %swap3A_396 : vector<1x16xf32> to vector<16xf32>
        %swap3A_398 = vector.shape_cast %mul3A_393 : vector<16xf32> to vector<1x16xf32>
        tpu.vector_store %arg6[%swap3A_394, %swap3A_395], %swap3A_398 {strides = array<i32>} : memref<128x128xf32, #tpu.memory_space<vmem>>, vector<1x16xf32>,
        %get3A_399 = arith.index_cast %add3A_338 : i32 to index
        %get3A_400 = arith.constant 80 : index
        %get3A_401 = tpu.vector_load %arg6[%get3A_399, %get3A_400] {strides = array<i32>} : memref<128x128xf32, #tpu.memory_space<vmem>>, vector<1x16xf32>,
        %get3A_402 = vector.shape_cast %get3A_401 : vector<1x16xf32> to vector<16xf32>
        %mul3A_403 = arith.constant 11.3137083 : f32
        %mul3A_404 = vector.broadcast %mul3A_403 : f32 to vector<16xf32>
        %mul3A_405 = arith.mulf %get3A_402, %mul3A_404 : vector<16xf32>
        %swap3A_406 = arith.index_cast %add3A_338 : i32 to index
        %swap3A_407 = arith.constant 80 : index
        %swap3A_408 = tpu.vector_load %arg6[%swap3A_406, %swap3A_407] {strides = array<i32>} : memref<128x128xf32, #tpu.memory_space<vmem>>, vector<1x16xf32>,
        %swap3A_409 = vector.shape_cast %swap3A_408 : vector<1x16xf32> to vector<16xf32>
        %swap3A_410 = vector.shape_cast %mul3A_405 : vector<16xf32> to vector<1x16xf32>
        tpu.vector_store %arg6[%swap3A_406, %swap3A_407], %swap3A_410 {strides = array<i32>} : memref<128x128xf32, #tpu.memory_space<vmem>>, vector<1x16xf32>,
        %get3A_411 = arith.index_cast %add3A_338 : i32 to index
        %get3A_412 = arith.constant 96 : index
        %get3A_413 = tpu.vector_load %arg6[%get3A_411, %get3A_412] {strides = array<i32>} : memref<128x128xf32, #tpu.memory_space<vmem>>, vector<1x16xf32>,
        %get3A_414 = vector.shape_cast %get3A_413 : vector<1x16xf32> to vector<16xf32>
        %mul3A_415 = arith.constant 11.3137083 : f32
        %mul3A_416 = vector.broadcast %mul3A_415 : f32 to vector<16xf32>
        %mul3A_417 = arith.mulf %get3A_414, %mul3A_416 : vector<16xf32>
        %swap3A_418 = arith.index_cast %add3A_338 : i32 to index
        %swap3A_419 = arith.constant 96 : index
        %swap3A_420 = tpu.vector_load %arg6[%swap3A_418, %swap3A_419] {strides = array<i32>} : memref<128x128xf32, #tpu.memory_space<vmem>>, vector<1x16xf32>,
        %swap3A_421 = vector.shape_cast %swap3A_420 : vector<1x16xf32> to vector<16xf32>
        %swap3A_422 = vector.shape_cast %mul3A_417 : vector<16xf32> to vector<1x16xf32>
        tpu.vector_store %arg6[%swap3A_418, %swap3A_419], %swap3A_422 {strides = array<i32>} : memref<128x128xf32, #tpu.memory_space<vmem>>, vector<1x16xf32>,
        %get3A_423 = arith.index_cast %add3A_338 : i32 to index
        %get3A_424 = arith.constant 112 : index
        %get3A_425 = tpu.vector_load %arg6[%get3A_423, %get3A_424] {strides = array<i32>} : memref<128x128xf32, #tpu.memory_space<vmem>>, vector<1x16xf32>,
        %get3A_426 = vector.shape_cast %get3A_425 : vector<1x16xf32> to vector<16xf32>
        %mul3A_427 = arith.constant 11.3137083 : f32
        %mul3A_428 = vector.broadcast %mul3A_427 : f32 to vector<16xf32>
        %mul3A_429 = arith.mulf %get3A_426, %mul3A_428 : vector<16xf32>
        %swap3A_430 = arith.index_cast %add3A_338 : i32 to index
        %swap3A_431 = arith.constant 112 : index
        %swap3A_432 = tpu.vector_load %arg6[%swap3A_430, %swap3A_431] {strides = array<i32>} : memref<128x128xf32, #tpu.memory_space<vmem>>, vector<1x16xf32>,
        %swap3A_433 = vector.shape_cast %swap3A_432 : vector<1x16xf32> to vector<16xf32>
        %swap3A_434 = vector.shape_cast %mul3A_429 : vector<16xf32> to vector<1x16xf32>
        tpu.vector_store %arg6[%swap3A_430, %swap3A_431], %swap3A_434 {strides = array<i32>} : memref<128x128xf32, #tpu.memory_space<vmem>>, vector<1x16xf32>,
        %mul3A_435 = arith.constant 4 : i32
        %mul3A_436 = arith.muli %scan3A_236, %mul3A_435 : i32
        %add3A_437 = arith.constant 2 : i32
        %add3A_438 = arith.addi %mul3A_436, %add3A_437 : i32
        %get3A_439 = arith.index_cast %add3A_438 : i32 to index
        %get3A_440 = arith.constant 0 : index
        %get3A_441 = tpu.vector_load %arg6[%get3A_439, %get3A_440] {strides = array<i32>} : memref<128x128xf32, #tpu.memory_space<vmem>>, vector<1x16xf32>,
        %get3A_442 = vector.shape_cast %get3A_441 : vector<1x16xf32> to vector<16xf32>
        %mul3A_443 = arith.constant 11.3137083 : f32
        %mul3A_444 = vector.broadcast %mul3A_443 : f32 to vector<16xf32>
        %mul3A_445 = arith.mulf %get3A_442, %mul3A_444 : vector<16xf32>
        %swap3A_446 = arith.index_cast %add3A_438 : i32 to index
        %swap3A_447 = arith.constant 0 : index
        %swap3A_448 = tpu.vector_load %arg6[%swap3A_446, %swap3A_447] {strides = array<i32>} : memref<128x128xf32, #tpu.memory_space<vmem>>, vector<1x16xf32>,
        %swap3A_449 = vector.shape_cast %swap3A_448 : vector<1x16xf32> to vector<16xf32>
        %swap3A_450 = vector.shape_cast %mul3A_445 : vector<16xf32> to vector<1x16xf32>
        tpu.vector_store %arg6[%swap3A_446, %swap3A_447], %swap3A_450 {strides = array<i32>} : memref<128x128xf32, #tpu.memory_space<vmem>>, vector<1x16xf32>,
        %get3A_451 = arith.index_cast %add3A_438 : i32 to index
        %get3A_452 = arith.constant 16 : index
        %get3A_453 = tpu.vector_load %arg6[%get3A_451, %get3A_452] {strides = array<i32>} : memref<128x128xf32, #tpu.memory_space<vmem>>, vector<1x16xf32>,
        %get3A_454 = vector.shape_cast %get3A_453 : vector<1x16xf32> to vector<16xf32>
        %mul3A_455 = arith.constant 11.3137083 : f32
        %mul3A_456 = vector.broadcast %mul3A_455 : f32 to vector<16xf32>
        %mul3A_457 = arith.mulf %get3A_454, %mul3A_456 : vector<16xf32>
        %swap3A_458 = arith.index_cast %add3A_438 : i32 to index
        %swap3A_459 = arith.constant 16 : index
        %swap3A_460 = tpu.vector_load %arg6[%swap3A_458, %swap3A_459] {strides = array<i32>} : memref<128x128xf32, #tpu.memory_space<vmem>>, vector<1x16xf32>,
        %swap3A_461 = vector.shape_cast %swap3A_460 : vector<1x16xf32> to vector<16xf32>
        %swap3A_462 = vector.shape_cast %mul3A_457 : vector<16xf32> to vector<1x16xf32>
        tpu.vector_store %arg6[%swap3A_458, %swap3A_459], %swap3A_462 {strides = array<i32>} : memref<128x128xf32, #tpu.memory_space<vmem>>, vector<1x16xf32>,
        %get3A_463 = arith.index_cast %add3A_438 : i32 to index
        %get3A_464 = arith.constant 32 : index
        %get3A_465 = tpu.vector_load %arg6[%get3A_463, %get3A_464] {strides = array<i32>} : memref<128x128xf32, #tpu.memory_space<vmem>>, vector<1x16xf32>,
        %get3A_466 = vector.shape_cast %get3A_465 : vector<1x16xf32> to vector<16xf32>
        %mul3A_467 = arith.constant 11.3137083 : f32
        %mul3A_468 = vector.broadcast %mul3A_467 : f32 to vector<16xf32>
        %mul3A_469 = arith.mulf %get3A_466, %mul3A_468 : vector<16xf32>
        %swap3A_470 = arith.index_cast %add3A_438 : i32 to index
        %swap3A_471 = arith.constant 32 : index
        %swap3A_472 = tpu.vector_load %arg6[%swap3A_470, %swap3A_471] {strides = array<i32>} : memref<128x128xf32, #tpu.memory_space<vmem>>, vector<1x16xf32>,
        %swap3A_473 = vector.shape_cast %swap3A_472 : vector<1x16xf32> to vector<16xf32>
        %swap3A_474 = vector.shape_cast %mul3A_469 : vector<16xf32> to vector<1x16xf32>
        tpu.vector_store %arg6[%swap3A_470, %swap3A_471], %swap3A_474 {strides = array<i32>} : memref<128x128xf32, #tpu.memory_space<vmem>>, vector<1x16xf32>,
        %get3A_475 = arith.index_cast %add3A_438 : i32 to index
        %get3A_476 = arith.constant 48 : index
        %get3A_477 = tpu.vector_load %arg6[%get3A_475, %get3A_476] {strides = array<i32>} : memref<128x128xf32, #tpu.memory_space<vmem>>, vector<1x16xf32>,
        %get3A_478 = vector.shape_cast %get3A_477 : vector<1x16xf32> to vector<16xf32>
        %mul3A_479 = arith.constant 11.3137083 : f32
        %mul3A_480 = vector.broadcast %mul3A_479 : f32 to vector<16xf32>
        %mul3A_481 = arith.mulf %get3A_478, %mul3A_480 : vector<16xf32>
        %swap3A_482 = arith.index_cast %add3A_438 : i32 to index
        %swap3A_483 = arith.constant 48 : index
        %swap3A_484 = tpu.vector_load %arg6[%swap3A_482, %swap3A_483] {strides = array<i32>} : memref<128x128xf32, #tpu.memory_space<vmem>>, vector<1x16xf32>,
        %swap3A_485 = vector.shape_cast %swap3A_484 : vector<1x16xf32> to vector<16xf32>
        %swap3A_486 = vector.shape_cast %mul3A_481 : vector<16xf32> to vector<1x16xf32>
        tpu.vector_store %arg6[%swap3A_482, %swap3A_483], %swap3A_486 {strides = array<i32>} : memref<128x128xf32, #tpu.memory_space<vmem>>, vector<1x16xf32>,
        %get3A_487 = arith.index_cast %add3A_438 : i32 to index
        %get3A_488 = arith.constant 64 : index
        %get3A_489 = tpu.vector_load %arg6[%get3A_487, %get3A_488] {strides = array<i32>} : memref<128x128xf32, #tpu.memory_space<vmem>>, vector<1x16xf32>,
        %get3A_490 = vector.shape_cast %get3A_489 : vector<1x16xf32> to vector<16xf32>
        %mul3A_491 = arith.constant 11.3137083 : f32
        %mul3A_492 = vector.broadcast %mul3A_491 : f32 to vector<16xf32>
        %mul3A_493 = arith.mulf %get3A_490, %mul3A_492 : vector<16xf32>
        %swap3A_494 = arith.index_cast %add3A_438 : i32 to index
        %swap3A_495 = arith.constant 64 : index
        %swap3A_496 = tpu.vector_load %arg6[%swap3A_494, %swap3A_495] {strides = array<i32>} : memref<128x128xf32, #tpu.memory_space<vmem>>, vector<1x16xf32>,
        %swap3A_497 = vector.shape_cast %swap3A_496 : vector<1x16xf32> to vector<16xf32>
        %swap3A_498 = vector.shape_cast %mul3A_493 : vector<16xf32> to vector<1x16xf32>
        tpu.vector_store %arg6[%swap3A_494, %swap3A_495], %swap3A_498 {strides = array<i32>} : memref<128x128xf32, #tpu.memory_space<vmem>>, vector<1x16xf32>,
        %get3A_499 = arith.index_cast %add3A_438 : i32 to index
        %get3A_500 = arith.constant 80 : index
        %get3A_501 = tpu.vector_load %arg6[%get3A_499, %get3A_500] {strides = array<i32>} : memref<128x128xf32, #tpu.memory_space<vmem>>, vector<1x16xf32>,
        %get3A_502 = vector.shape_cast %get3A_501 : vector<1x16xf32> to vector<16xf32>
        %mul3A_503 = arith.constant 11.3137083 : f32
        %mul3A_504 = vector.broadcast %mul3A_503 : f32 to vector<16xf32>
        %mul3A_505 = arith.mulf %get3A_502, %mul3A_504 : vector<16xf32>
        %swap3A_506 = arith.index_cast %add3A_438 : i32 to index
        %swap3A_507 = arith.constant 80 : index
        %swap3A_508 = tpu.vector_load %arg6[%swap3A_506, %swap3A_507] {strides = array<i32>} : memref<128x128xf32, #tpu.memory_space<vmem>>, vector<1x16xf32>,
        %swap3A_509 = vector.shape_cast %swap3A_508 : vector<1x16xf32> to vector<16xf32>
        %swap3A_510 = vector.shape_cast %mul3A_505 : vector<16xf32> to vector<1x16xf32>
        tpu.vector_store %arg6[%swap3A_506, %swap3A_507], %swap3A_510 {strides = array<i32>} : memref<128x128xf32, #tpu.memory_space<vmem>>, vector<1x16xf32>,
        %get3A_511 = arith.index_cast %add3A_438 : i32 to index
        %get3A_512 = arith.constant 96 : index
        %get3A_513 = tpu.vector_load %arg6[%get3A_511, %get3A_512] {strides = array<i32>} : memref<128x128xf32, #tpu.memory_space<vmem>>, vector<1x16xf32>,
        %get3A_514 = vector.shape_cast %get3A_513 : vector<1x16xf32> to vector<16xf32>
        %mul3A_515 = arith.constant 11.3137083 : f32
        %mul3A_516 = vector.broadcast %mul3A_515 : f32 to vector<16xf32>
        %mul3A_517 = arith.mulf %get3A_514, %mul3A_516 : vector<16xf32>
        %swap3A_518 = arith.index_cast %add3A_438 : i32 to index
        %swap3A_519 = arith.constant 96 : index
        %swap3A_520 = tpu.vector_load %arg6[%swap3A_518, %swap3A_519] {strides = array<i32>} : memref<128x128xf32, #tpu.memory_space<vmem>>, vector<1x16xf32>,
        %swap3A_521 = vector.shape_cast %swap3A_520 : vector<1x16xf32> to vector<16xf32>
        %swap3A_522 = vector.shape_cast %mul3A_517 : vector<16xf32> to vector<1x16xf32>
        tpu.vector_store %arg6[%swap3A_518, %swap3A_519], %swap3A_522 {strides = array<i32>} : memref<128x128xf32, #tpu.memory_space<vmem>>, vector<1x16xf32>,
        %get3A_523 = arith.index_cast %add3A_438 : i32 to index
        %get3A_524 = arith.constant 112 : index
        %get3A_525 = tpu.vector_load %arg6[%get3A_523, %get3A_524] {strides = array<i32>} : memref<128x128xf32, #tpu.memory_space<vmem>>, vector<1x16xf32>,
        %get3A_526 = vector.shape_cast %get3A_525 : vector<1x16xf32> to vector<16xf32>
        %mul3A_527 = arith.constant 11.3137083 : f32
        %mul3A_528 = vector.broadcast %mul3A_527 : f32 to vector<16xf32>
        %mul3A_529 = arith.mulf %get3A_526, %mul3A_528 : vector<16xf32>
        %swap3A_530 = arith.index_cast %add3A_438 : i32 to index
        %swap3A_531 = arith.constant 112 : index
        %swap3A_532 = tpu.vector_load %arg6[%swap3A_530, %swap3A_531] {strides = array<i32>} : memref<128x128xf32, #tpu.memory_space<vmem>>, vector<1x16xf32>,
        %swap3A_533 = vector.shape_cast %swap3A_532 : vector<1x16xf32> to vector<16xf32>
        %swap3A_534 = vector.shape_cast %mul3A_529 : vector<16xf32> to vector<1x16xf32>
        tpu.vector_store %arg6[%swap3A_530, %swap3A_531], %swap3A_534 {strides = array<i32>} : memref<128x128xf32, #tpu.memory_space<vmem>>, vector<1x16xf32>,
        %mul3A_535 = arith.constant 4 : i32
        %mul3A_536 = arith.muli %scan3A_236, %mul3A_535 : i32
        %add3A_537 = arith.constant 3 : i32
        %add3A_538 = arith.addi %mul3A_536, %add3A_537 : i32
        %get3A_539 = arith.index_cast %add3A_538 : i32 to index
        %get3A_540 = arith.constant 0 : index
        %get3A_541 = tpu.vector_load %arg6[%get3A_539, %get3A_540] {strides = array<i32>} : memref<128x128xf32, #tpu.memory_space<vmem>>, vector<1x16xf32>,
        %get3A_542 = vector.shape_cast %get3A_541 : vector<1x16xf32> to vector<16xf32>
        %mul3A_543 = arith.constant 11.3137083 : f32
        %mul3A_544 = vector.broadcast %mul3A_543 : f32 to vector<16xf32>
        %mul3A_545 = arith.mulf %get3A_542, %mul3A_544 : vector<16xf32>
        %swap3A_546 = arith.index_cast %add3A_538 : i32 to index
        %swap3A_547 = arith.constant 0 : index
        %swap3A_548 = tpu.vector_load %arg6[%swap3A_546, %swap3A_547] {strides = array<i32>} : memref<128x128xf32, #tpu.memory_space<vmem>>, vector<1x16xf32>,
        %swap3A_549 = vector.shape_cast %swap3A_548 : vector<1x16xf32> to vector<16xf32>
        %swap3A_550 = vector.shape_cast %mul3A_545 : vector<16xf32> to vector<1x16xf32>
        tpu.vector_store %arg6[%swap3A_546, %swap3A_547], %swap3A_550 {strides = array<i32>} : memref<128x128xf32, #tpu.memory_space<vmem>>, vector<1x16xf32>,
        %get3A_551 = arith.index_cast %add3A_538 : i32 to index
        %get3A_552 = arith.constant 16 : index
        %get3A_553 = tpu.vector_load %arg6[%get3A_551, %get3A_552] {strides = array<i32>} : memref<128x128xf32, #tpu.memory_space<vmem>>, vector<1x16xf32>,
        %get3A_554 = vector.shape_cast %get3A_553 : vector<1x16xf32> to vector<16xf32>
        %mul3A_555 = arith.constant 11.3137083 : f32
        %mul3A_556 = vector.broadcast %mul3A_555 : f32 to vector<16xf32>
        %mul3A_557 = arith.mulf %get3A_554, %mul3A_556 : vector<16xf32>
        %swap3A_558 = arith.index_cast %add3A_538 : i32 to index
        %swap3A_559 = arith.constant 16 : index
        %swap3A_560 = tpu.vector_load %arg6[%swap3A_558, %swap3A_559] {strides = array<i32>} : memref<128x128xf32, #tpu.memory_space<vmem>>, vector<1x16xf32>,
        %swap3A_561 = vector.shape_cast %swap3A_560 : vector<1x16xf32> to vector<16xf32>
        %swap3A_562 = vector.shape_cast %mul3A_557 : vector<16xf32> to vector<1x16xf32>
        tpu.vector_store %arg6[%swap3A_558, %swap3A_559], %swap3A_562 {strides = array<i32>} : memref<128x128xf32, #tpu.memory_space<vmem>>, vector<1x16xf32>,
        %get3A_563 = arith.index_cast %add3A_538 : i32 to index
        %get3A_564 = arith.constant 32 : index
        %get3A_565 = tpu.vector_load %arg6[%get3A_563, %get3A_564] {strides = array<i32>} : memref<128x128xf32, #tpu.memory_space<vmem>>, vector<1x16xf32>,
        %get3A_566 = vector.shape_cast %get3A_565 : vector<1x16xf32> to vector<16xf32>
        %mul3A_567 = arith.constant 11.3137083 : f32
        %mul3A_568 = vector.broadcast %mul3A_567 : f32 to vector<16xf32>
        %mul3A_569 = arith.mulf %get3A_566, %mul3A_568 : vector<16xf32>
        %swap3A_570 = arith.index_cast %add3A_538 : i32 to index
        %swap3A_571 = arith.constant 32 : index
        %swap3A_572 = tpu.vector_load %arg6[%swap3A_570, %swap3A_571] {strides = array<i32>} : memref<128x128xf32, #tpu.memory_space<vmem>>, vector<1x16xf32>,
        %swap3A_573 = vector.shape_cast %swap3A_572 : vector<1x16xf32> to vector<16xf32>
        %swap3A_574 = vector.shape_cast %mul3A_569 : vector<16xf32> to vector<1x16xf32>
        tpu.vector_store %arg6[%swap3A_570, %swap3A_571], %swap3A_574 {strides = array<i32>} : memref<128x128xf32, #tpu.memory_space<vmem>>, vector<1x16xf32>,
        %get3A_575 = arith.index_cast %add3A_538 : i32 to index
        %get3A_576 = arith.constant 48 : index
        %get3A_577 = tpu.vector_load %arg6[%get3A_575, %get3A_576] {strides = array<i32>} : memref<128x128xf32, #tpu.memory_space<vmem>>, vector<1x16xf32>,
        %get3A_578 = vector.shape_cast %get3A_577 : vector<1x16xf32> to vector<16xf32>
        %mul3A_579 = arith.constant 11.3137083 : f32
        %mul3A_580 = vector.broadcast %mul3A_579 : f32 to vector<16xf32>
        %mul3A_581 = arith.mulf %get3A_578, %mul3A_580 : vector<16xf32>
        %swap3A_582 = arith.index_cast %add3A_538 : i32 to index
        %swap3A_583 = arith.constant 48 : index
        %swap3A_584 = tpu.vector_load %arg6[%swap3A_582, %swap3A_583] {strides = array<i32>} : memref<128x128xf32, #tpu.memory_space<vmem>>, vector<1x16xf32>,
        %swap3A_585 = vector.shape_cast %swap3A_584 : vector<1x16xf32> to vector<16xf32>
        %swap3A_586 = vector.shape_cast %mul3A_581 : vector<16xf32> to vector<1x16xf32>
        tpu.vector_store %arg6[%swap3A_582, %swap3A_583], %swap3A_586 {strides = array<i32>} : memref<128x128xf32, #tpu.memory_space<vmem>>, vector<1x16xf32>,
        %get3A_587 = arith.index_cast %add3A_538 : i32 to index
        %get3A_588 = arith.constant 64 : index
        %get3A_589 = tpu.vector_load %arg6[%get3A_587, %get3A_588] {strides = array<i32>} : memref<128x128xf32, #tpu.memory_space<vmem>>, vector<1x16xf32>,
        %get3A_590 = vector.shape_cast %get3A_589 : vector<1x16xf32> to vector<16xf32>
        %mul3A_591 = arith.constant 11.3137083 : f32
        %mul3A_592 = vector.broadcast %mul3A_591 : f32 to vector<16xf32>
        %mul3A_593 = arith.mulf %get3A_590, %mul3A_592 : vector<16xf32>
        %swap3A_594 = arith.index_cast %add3A_538 : i32 to index
        %swap3A_595 = arith.constant 64 : index
        %swap3A_596 = tpu.vector_load %arg6[%swap3A_594, %swap3A_595] {strides = array<i32>} : memref<128x128xf32, #tpu.memory_space<vmem>>, vector<1x16xf32>,
        %swap3A_597 = vector.shape_cast %swap3A_596 : vector<1x16xf32> to vector<16xf32>
        %swap3A_598 = vector.shape_cast %mul3A_593 : vector<16xf32> to vector<1x16xf32>
        tpu.vector_store %arg6[%swap3A_594, %swap3A_595], %swap3A_598 {strides = array<i32>} : memref<128x128xf32, #tpu.memory_space<vmem>>, vector<1x16xf32>,
        %get3A_599 = arith.index_cast %add3A_538 : i32 to index
        %get3A_600 = arith.constant 80 : index
        %get3A_601 = tpu.vector_load %arg6[%get3A_599, %get3A_600] {strides = array<i32>} : memref<128x128xf32, #tpu.memory_space<vmem>>, vector<1x16xf32>,
        %get3A_602 = vector.shape_cast %get3A_601 : vector<1x16xf32> to vector<16xf32>
        %mul3A_603 = arith.constant 11.3137083 : f32
        %mul3A_604 = vector.broadcast %mul3A_603 : f32 to vector<16xf32>
        %mul3A_605 = arith.mulf %get3A_602, %mul3A_604 : vector<16xf32>
        %swap3A_606 = arith.index_cast %add3A_538 : i32 to index
        %swap3A_607 = arith.constant 80 : index
        %swap3A_608 = tpu.vector_load %arg6[%swap3A_606, %swap3A_607] {strides = array<i32>} : memref<128x128xf32, #tpu.memory_space<vmem>>, vector<1x16xf32>,
        %swap3A_609 = vector.shape_cast %swap3A_608 : vector<1x16xf32> to vector<16xf32>
        %swap3A_610 = vector.shape_cast %mul3A_605 : vector<16xf32> to vector<1x16xf32>
        tpu.vector_store %arg6[%swap3A_606, %swap3A_607], %swap3A_610 {strides = array<i32>} : memref<128x128xf32, #tpu.memory_space<vmem>>, vector<1x16xf32>,
        %get3A_611 = arith.index_cast %add3A_538 : i32 to index
        %get3A_612 = arith.constant 96 : index
        %get3A_613 = tpu.vector_load %arg6[%get3A_611, %get3A_612] {strides = array<i32>} : memref<128x128xf32, #tpu.memory_space<vmem>>, vector<1x16xf32>,
        %get3A_614 = vector.shape_cast %get3A_613 : vector<1x16xf32> to vector<16xf32>
        %mul3A_615 = arith.constant 11.3137083 : f32
        %mul3A_616 = vector.broadcast %mul3A_615 : f32 to vector<16xf32>
        %mul3A_617 = arith.mulf %get3A_614, %mul3A_616 : vector<16xf32>
        %swap3A_618 = arith.index_cast %add3A_538 : i32 to index
        %swap3A_619 = arith.constant 96 : index
        %swap3A_620 = tpu.vector_load %arg6[%swap3A_618, %swap3A_619] {strides = array<i32>} : memref<128x128xf32, #tpu.memory_space<vmem>>, vector<1x16xf32>,
        %swap3A_621 = vector.shape_cast %swap3A_620 : vector<1x16xf32> to vector<16xf32>
        %swap3A_622 = vector.shape_cast %mul3A_617 : vector<16xf32> to vector<1x16xf32>
        tpu.vector_store %arg6[%swap3A_618, %swap3A_619], %swap3A_622 {strides = array<i32>} : memref<128x128xf32, #tpu.memory_space<vmem>>, vector<1x16xf32>,
        %get3A_623 = arith.index_cast %add3A_538 : i32 to index
        %get3A_624 = arith.constant 112 : index
        %get3A_625 = tpu.vector_load %arg6[%get3A_623, %get3A_624] {strides = array<i32>} : memref<128x128xf32, #tpu.memory_space<vmem>>, vector<1x16xf32>,
        %get3A_626 = vector.shape_cast %get3A_625 : vector<1x16xf32> to vector<16xf32>
        %mul3A_627 = arith.constant 11.3137083 : f32
        %mul3A_628 = vector.broadcast %mul3A_627 : f32 to vector<16xf32>
        %mul3A_629 = arith.mulf %get3A_626, %mul3A_628 : vector<16xf32>
        %swap3A_630 = arith.index_cast %add3A_538 : i32 to index
        %swap3A_631 = arith.constant 112 : index
        %swap3A_632 = tpu.vector_load %arg6[%swap3A_630, %swap3A_631] {strides = array<i32>} : memref<128x128xf32, #tpu.memory_space<vmem>>, vector<1x16xf32>,
        %swap3A_633 = vector.shape_cast %swap3A_632 : vector<1x16xf32> to vector<16xf32>
        %swap3A_634 = vector.shape_cast %mul3A_629 : vector<16xf32> to vector<1x16xf32>
        tpu.vector_store %arg6[%swap3A_630, %swap3A_631], %swap3A_634 {strides = array<i32>} : memref<128x128xf32, #tpu.memory_space<vmem>>, vector<1x16xf32>,
      }
      %scan3A_78 = arith.constant 32 : i32
      %mul3A_79 = arith.constant 128 : i32
      %mul3A_80 = arith.muli %add3A_65, %mul3A_79 : i32
      %add3A_81 = arith.addi %mul3A_2, %mul3A_80 : i32
      %dma_start3A_82 = arith.constant 0 : i32
      %dma_start3A_83 = tpu.memref_slice %arg4[%add3A_81, %dma_start3A_82] : memref<204800x128xf32, #tpu.memory_space<hbm>> -> memref<128x128xf32, #tpu.memory_space<hbm>>
      %dma_start3A_84 = arith.constant 0 : i32
      %dma_start3A_85 = tpu.memref_slice %arg4[%add3A_81, %dma_start3A_84] : memref<204800x128xf32, #tpu.memory_space<hbm>> -> memref<128x128xf32, #tpu.memory_space<hbm>>
      tpu.enqueue_dma source(%arg6 : memref<128x128xf32, #tpu.memory_space<vmem>>) target(%dma_start3A_85 : memref<128x128xf32, #tpu.memory_space<hbm>>) target_semaphore(%arg16 : memref<!tpu.dma_semaphore, #tpu.memory_space<semaphore_mem>>)
      %add3A_86 = arith.constant 5 : i32
      %add3A_87 = arith.addi %add3A_65, %add3A_86 : i32
      %sub3A = arith.constant 1 : i32
      %sub3A_88 = arith.subi %add3A_87, %sub3A : i32
      %ge3A = arith.constant 5 : i32
      %ge3A_89 = arith.cmpi sge, %sub3A_88, %ge3A : i32
      %lt3A = arith.constant 50 : i32
      %lt3A_90 = arith.cmpi slt, %sub3A_88, %lt3A : i32
      %and3A = arith.andi %ge3A_89, %lt3A_90 : i1
      %convert_element_type3A = arith.extui %and3A : i1 to i32
      %cond3A = arith.constant 0 : i32
      %cond3A_91 = arith.cmpi ne, %convert_element_type3A, %cond3A : i32
      scf.if %cond3A_91 {
        %dma_wait3A_236 = arith.constant 0 : i32
        %dma_wait3A_237 = tpu.memref_slice %arg4[%mul3A_2, %dma_wait3A_236] : memref<204800x128xf32, #tpu.memory_space<hbm>> -> memref<128x128xf32, #tpu.memory_space<hbm>>
        %dma_wait3A_238 = arith.constant 0 : i32
        %dma_wait3A_239 = tpu.memref_slice %arg4[%mul3A_2, %dma_wait3A_238] : memref<204800x128xf32, #tpu.memory_space<hbm>> -> memref<128x128xf32, #tpu.memory_space<hbm>>
        tpu.wait_dma2 semaphore(%arg20 : memref<!tpu.dma_semaphore, #tpu.memory_space<semaphore_mem>>) src(%arg10 : memref<128x128xf32, #tpu.memory_space<vmem>>) dst(%dma_wait3A_239 : memref<128x128xf32, #tpu.memory_space<hbm>>)
        %dma_start3A_240 = arith.constant 0 : i32
        %dma_start3A_241 = tpu.memref_slice %arg5[%sub3A_88, %dma_start3A_240] : memref<50x128xi32, #tpu.memory_space<vmem>> -> memref<1x128xi32, #tpu.memory_space<vmem>>
        %dma_start3A_242 = tpu.memref_squeeze %dma_start3A_241 : memref<1x128xi32, #tpu.memory_space<vmem>> -> memref<128xi32, #tpu.memory_space<vmem>>
        %dma_start3A_243 = arith.constant 0 : i32
        %dma_start3A_244 = arith.constant 0 : i32
        %dma_start3A_245 = tpu.memref_slice %arg3[%dma_start3A_243, %dma_start3A_244] : memref<100000x128xf32, #tpu.memory_space<hbm>> -> memref<100000x128xf32, #tpu.memory_space<hbm>>
        tpu.enqueue_indirect_dma source(%dma_start3A_245 : memref<100000x128xf32, #tpu.memory_space<hbm>>) target(%arg10 : memref<128x128xf32, #tpu.memory_space<vmem>>) offsets(%dma_start3A_242 : memref<128xi32, #tpu.memory_space<vmem>>) semaphore(%arg15 : memref<!tpu.dma_semaphore, #tpu.memory_space<semaphore_mem>>)
      } else {
      }
      %mul3A_92 = arith.constant 5 : i32
      %mul3A_93 = arith.muli %scan3A_61, %mul3A_92 : i32
      %add3A_94 = arith.constant 1 : i32
      %add3A_95 = arith.addi %mul3A_93, %add3A_94 : i32
      %dma_wait3A_96 = arith.constant 0 : i32
      %dma_wait3A_97 = arith.constant 0 : i32
      %dma_wait3A_98 = tpu.memref_slice %arg5[%dma_wait3A_96, %dma_wait3A_97] : memref<50x128xi32, #tpu.memory_space<vmem>> -> memref<1x128xi32, #tpu.memory_space<vmem>>
      %dma_wait3A_99 = tpu.memref_squeeze %dma_wait3A_98 : memref<1x128xi32, #tpu.memory_space<vmem>> -> memref<128xi32, #tpu.memory_space<vmem>>
      %dma_wait3A_100 = arith.constant 0 : i32
      %dma_wait3A_101 = arith.constant 0 : i32
      %dma_wait3A_102 = tpu.memref_slice %arg3[%dma_wait3A_100, %dma_wait3A_101] : memref<100000x128xf32, #tpu.memory_space<hbm>> -> memref<100000x128xf32, #tpu.memory_space<hbm>>
      tpu.wait_indirect_dma semaphore(%arg12 : memref<!tpu.dma_semaphore, #tpu.memory_space<semaphore_mem>>) src(%dma_wait3A_102 : memref<100000x128xf32, #tpu.memory_space<hbm>>) dst(%arg7 : memref<128x128xf32, #tpu.memory_space<vmem>>)
      %scan3A_103 = arith.constant 0 : i32
      %scan3A_104 = arith.constant 0 : i32
      %scan3A_105 = arith.constant 32 : i32
      %scan3A_106 = arith.addi %scan3A_104, %scan3A_105 : i32
      %scan3A_107 = arith.constant 1 : i32
      scf.for %scan3A_236 = %scan3A_104 to %scan3A_106 step %scan3A_107  : i32 {
        %mul3A_237 = arith.constant 4 : i32
        %mul3A_238 = arith.muli %scan3A_236, %mul3A_237 : i32
        %add3A_239 = arith.constant 0 : i32
        %add3A_240 = arith.addi %mul3A_238, %add3A_239 : i32
        %get3A = arith.index_cast %add3A_240 : i32 to index
        %get3A_241 = arith.constant 0 : index
        %get3A_242 = tpu.vector_load %arg7[%get3A, %get3A_241] {strides = array<i32>} : memref<128x128xf32, #tpu.memory_space<vmem>>, vector<1x16xf32>,
        %get3A_243 = vector.shape_cast %get3A_242 : vector<1x16xf32> to vector<16xf32>
        %mul3A_244 = arith.constant 11.3137083 : f32
        %mul3A_245 = vector.broadcast %mul3A_244 : f32 to vector<16xf32>
        %mul3A_246 = arith.mulf %get3A_243, %mul3A_245 : vector<16xf32>
        %swap3A = arith.index_cast %add3A_240 : i32 to index
        %swap3A_247 = arith.constant 0 : index
        %swap3A_248 = tpu.vector_load %arg7[%swap3A, %swap3A_247] {strides = array<i32>} : memref<128x128xf32, #tpu.memory_space<vmem>>, vector<1x16xf32>,
        %swap3A_249 = vector.shape_cast %swap3A_248 : vector<1x16xf32> to vector<16xf32>
        %swap3A_250 = vector.shape_cast %mul3A_246 : vector<16xf32> to vector<1x16xf32>
        tpu.vector_store %arg7[%swap3A, %swap3A_247], %swap3A_250 {strides = array<i32>} : memref<128x128xf32, #tpu.memory_space<vmem>>, vector<1x16xf32>,
        %get3A_251 = arith.index_cast %add3A_240 : i32 to index
        %get3A_252 = arith.constant 16 : index
        %get3A_253 = tpu.vector_load %arg7[%get3A_251, %get3A_252] {strides = array<i32>} : memref<128x128xf32, #tpu.memory_space<vmem>>, vector<1x16xf32>,
        %get3A_254 = vector.shape_cast %get3A_253 : vector<1x16xf32> to vector<16xf32>
        %mul3A_255 = arith.constant 11.3137083 : f32
        %mul3A_256 = vector.broadcast %mul3A_255 : f32 to vector<16xf32>
        %mul3A_257 = arith.mulf %get3A_254, %mul3A_256 : vector<16xf32>
        %swap3A_258 = arith.index_cast %add3A_240 : i32 to index
        %swap3A_259 = arith.constant 16 : index
        %swap3A_260 = tpu.vector_load %arg7[%swap3A_258, %swap3A_259] {strides = array<i32>} : memref<128x128xf32, #tpu.memory_space<vmem>>, vector<1x16xf32>,
        %swap3A_261 = vector.shape_cast %swap3A_260 : vector<1x16xf32> to vector<16xf32>
        %swap3A_262 = vector.shape_cast %mul3A_257 : vector<16xf32> to vector<1x16xf32>
        tpu.vector_store %arg7[%swap3A_258, %swap3A_259], %swap3A_262 {strides = array<i32>} : memref<128x128xf32, #tpu.memory_space<vmem>>, vector<1x16xf32>,
        %get3A_263 = arith.index_cast %add3A_240 : i32 to index
        %get3A_264 = arith.constant 32 : index
        %get3A_265 = tpu.vector_load %arg7[%get3A_263, %get3A_264] {strides = array<i32>} : memref<128x128xf32, #tpu.memory_space<vmem>>, vector<1x16xf32>,
        %get3A_266 = vector.shape_cast %get3A_265 : vector<1x16xf32> to vector<16xf32>
        %mul3A_267 = arith.constant 11.3137083 : f32
        %mul3A_268 = vector.broadcast %mul3A_267 : f32 to vector<16xf32>
        %mul3A_269 = arith.mulf %get3A_266, %mul3A_268 : vector<16xf32>
        %swap3A_270 = arith.index_cast %add3A_240 : i32 to index
        %swap3A_271 = arith.constant 32 : index
        %swap3A_272 = tpu.vector_load %arg7[%swap3A_270, %swap3A_271] {strides = array<i32>} : memref<128x128xf32, #tpu.memory_space<vmem>>, vector<1x16xf32>,
        %swap3A_273 = vector.shape_cast %swap3A_272 : vector<1x16xf32> to vector<16xf32>
        %swap3A_274 = vector.shape_cast %mul3A_269 : vector<16xf32> to vector<1x16xf32>
        tpu.vector_store %arg7[%swap3A_270, %swap3A_271], %swap3A_274 {strides = array<i32>} : memref<128x128xf32, #tpu.memory_space<vmem>>, vector<1x16xf32>,
        %get3A_275 = arith.index_cast %add3A_240 : i32 to index
        %get3A_276 = arith.constant 48 : index
        %get3A_277 = tpu.vector_load %arg7[%get3A_275, %get3A_276] {strides = array<i32>} : memref<128x128xf32, #tpu.memory_space<vmem>>, vector<1x16xf32>,
        %get3A_278 = vector.shape_cast %get3A_277 : vector<1x16xf32> to vector<16xf32>
        %mul3A_279 = arith.constant 11.3137083 : f32
        %mul3A_280 = vector.broadcast %mul3A_279 : f32 to vector<16xf32>
        %mul3A_281 = arith.mulf %get3A_278, %mul3A_280 : vector<16xf32>
        %swap3A_282 = arith.index_cast %add3A_240 : i32 to index
        %swap3A_283 = arith.constant 48 : index
        %swap3A_284 = tpu.vector_load %arg7[%swap3A_282, %swap3A_283] {strides = array<i32>} : memref<128x128xf32, #tpu.memory_space<vmem>>, vector<1x16xf32>,
        %swap3A_285 = vector.shape_cast %swap3A_284 : vector<1x16xf32> to vector<16xf32>
        %swap3A_286 = vector.shape_cast %mul3A_281 : vector<16xf32> to vector<1x16xf32>
        tpu.vector_store %arg7[%swap3A_282, %swap3A_283], %swap3A_286 {strides = array<i32>} : memref<128x128xf32, #tpu.memory_space<vmem>>, vector<1x16xf32>,
        %get3A_287 = arith.index_cast %add3A_240 : i32 to index
        %get3A_288 = arith.constant 64 : index
        %get3A_289 = tpu.vector_load %arg7[%get3A_287, %get3A_288] {strides = array<i32>} : memref<128x128xf32, #tpu.memory_space<vmem>>, vector<1x16xf32>,
        %get3A_290 = vector.shape_cast %get3A_289 : vector<1x16xf32> to vector<16xf32>
        %mul3A_291 = arith.constant 11.3137083 : f32
        %mul3A_292 = vector.broadcast %mul3A_291 : f32 to vector<16xf32>
        %mul3A_293 = arith.mulf %get3A_290, %mul3A_292 : vector<16xf32>
        %swap3A_294 = arith.index_cast %add3A_240 : i32 to index
        %swap3A_295 = arith.constant 64 : index
        %swap3A_296 = tpu.vector_load %arg7[%swap3A_294, %swap3A_295] {strides = array<i32>} : memref<128x128xf32, #tpu.memory_space<vmem>>, vector<1x16xf32>,
        %swap3A_297 = vector.shape_cast %swap3A_296 : vector<1x16xf32> to vector<16xf32>
        %swap3A_298 = vector.shape_cast %mul3A_293 : vector<16xf32> to vector<1x16xf32>
        tpu.vector_store %arg7[%swap3A_294, %swap3A_295], %swap3A_298 {strides = array<i32>} : memref<128x128xf32, #tpu.memory_space<vmem>>, vector<1x16xf32>,
        %get3A_299 = arith.index_cast %add3A_240 : i32 to index
        %get3A_300 = arith.constant 80 : index
        %get3A_301 = tpu.vector_load %arg7[%get3A_299, %get3A_300] {strides = array<i32>} : memref<128x128xf32, #tpu.memory_space<vmem>>, vector<1x16xf32>,
        %get3A_302 = vector.shape_cast %get3A_301 : vector<1x16xf32> to vector<16xf32>
        %mul3A_303 = arith.constant 11.3137083 : f32
        %mul3A_304 = vector.broadcast %mul3A_303 : f32 to vector<16xf32>
        %mul3A_305 = arith.mulf %get3A_302, %mul3A_304 : vector<16xf32>
        %swap3A_306 = arith.index_cast %add3A_240 : i32 to index
        %swap3A_307 = arith.constant 80 : index
        %swap3A_308 = tpu.vector_load %arg7[%swap3A_306, %swap3A_307] {strides = array<i32>} : memref<128x128xf32, #tpu.memory_space<vmem>>, vector<1x16xf32>,
        %swap3A_309 = vector.shape_cast %swap3A_308 : vector<1x16xf32> to vector<16xf32>
        %swap3A_310 = vector.shape_cast %mul3A_305 : vector<16xf32> to vector<1x16xf32>
        tpu.vector_store %arg7[%swap3A_306, %swap3A_307], %swap3A_310 {strides = array<i32>} : memref<128x128xf32, #tpu.memory_space<vmem>>, vector<1x16xf32>,
        %get3A_311 = arith.index_cast %add3A_240 : i32 to index
        %get3A_312 = arith.constant 96 : index
        %get3A_313 = tpu.vector_load %arg7[%get3A_311, %get3A_312] {strides = array<i32>} : memref<128x128xf32, #tpu.memory_space<vmem>>, vector<1x16xf32>,
        %get3A_314 = vector.shape_cast %get3A_313 : vector<1x16xf32> to vector<16xf32>
        %mul3A_315 = arith.constant 11.3137083 : f32
        %mul3A_316 = vector.broadcast %mul3A_315 : f32 to vector<16xf32>
        %mul3A_317 = arith.mulf %get3A_314, %mul3A_316 : vector<16xf32>
        %swap3A_318 = arith.index_cast %add3A_240 : i32 to index
        %swap3A_319 = arith.constant 96 : index
        %swap3A_320 = tpu.vector_load %arg7[%swap3A_318, %swap3A_319] {strides = array<i32>} : memref<128x128xf32, #tpu.memory_space<vmem>>, vector<1x16xf32>,
        %swap3A_321 = vector.shape_cast %swap3A_320 : vector<1x16xf32> to vector<16xf32>
        %swap3A_322 = vector.shape_cast %mul3A_317 : vector<16xf32> to vector<1x16xf32>
        tpu.vector_store %arg7[%swap3A_318, %swap3A_319], %swap3A_322 {strides = array<i32>} : memref<128x128xf32, #tpu.memory_space<vmem>>, vector<1x16xf32>,
        %get3A_323 = arith.index_cast %add3A_240 : i32 to index
        %get3A_324 = arith.constant 112 : index
        %get3A_325 = tpu.vector_load %arg7[%get3A_323, %get3A_324] {strides = array<i32>} : memref<128x128xf32, #tpu.memory_space<vmem>>, vector<1x16xf32>,
        %get3A_326 = vector.shape_cast %get3A_325 : vector<1x16xf32> to vector<16xf32>
        %mul3A_327 = arith.constant 11.3137083 : f32
        %mul3A_328 = vector.broadcast %mul3A_327 : f32 to vector<16xf32>
        %mul3A_329 = arith.mulf %get3A_326, %mul3A_328 : vector<16xf32>
        %swap3A_330 = arith.index_cast %add3A_240 : i32 to index
        %swap3A_331 = arith.constant 112 : index
        %swap3A_332 = tpu.vector_load %arg7[%swap3A_330, %swap3A_331] {strides = array<i32>} : memref<128x128xf32, #tpu.memory_space<vmem>>, vector<1x16xf32>,
        %swap3A_333 = vector.shape_cast %swap3A_332 : vector<1x16xf32> to vector<16xf32>
        %swap3A_334 = vector.shape_cast %mul3A_329 : vector<16xf32> to vector<1x16xf32>
        tpu.vector_store %arg7[%swap3A_330, %swap3A_331], %swap3A_334 {strides = array<i32>} : memref<128x128xf32, #tpu.memory_space<vmem>>, vector<1x16xf32>,
        %mul3A_335 = arith.constant 4 : i32
        %mul3A_336 = arith.muli %scan3A_236, %mul3A_335 : i32
        %add3A_337 = arith.constant 1 : i32
        %add3A_338 = arith.addi %mul3A_336, %add3A_337 : i32
        %get3A_339 = arith.index_cast %add3A_338 : i32 to index
        %get3A_340 = arith.constant 0 : index
        %get3A_341 = tpu.vector_load %arg7[%get3A_339, %get3A_340] {strides = array<i32>} : memref<128x128xf32, #tpu.memory_space<vmem>>, vector<1x16xf32>,
        %get3A_342 = vector.shape_cast %get3A_341 : vector<1x16xf32> to vector<16xf32>
        %mul3A_343 = arith.constant 11.3137083 : f32
        %mul3A_344 = vector.broadcast %mul3A_343 : f32 to vector<16xf32>
        %mul3A_345 = arith.mulf %get3A_342, %mul3A_344 : vector<16xf32>
        %swap3A_346 = arith.index_cast %add3A_338 : i32 to index
        %swap3A_347 = arith.constant 0 : index
        %swap3A_348 = tpu.vector_load %arg7[%swap3A_346, %swap3A_347] {strides = array<i32>} : memref<128x128xf32, #tpu.memory_space<vmem>>, vector<1x16xf32>,
        %swap3A_349 = vector.shape_cast %swap3A_348 : vector<1x16xf32> to vector<16xf32>
        %swap3A_350 = vector.shape_cast %mul3A_345 : vector<16xf32> to vector<1x16xf32>
        tpu.vector_store %arg7[%swap3A_346, %swap3A_347], %swap3A_350 {strides = array<i32>} : memref<128x128xf32, #tpu.memory_space<vmem>>, vector<1x16xf32>,
        %get3A_351 = arith.index_cast %add3A_338 : i32 to index
        %get3A_352 = arith.constant 16 : index
        %get3A_353 = tpu.vector_load %arg7[%get3A_351, %get3A_352] {strides = array<i32>} : memref<128x128xf32, #tpu.memory_space<vmem>>, vector<1x16xf32>,
        %get3A_354 = vector.shape_cast %get3A_353 : vector<1x16xf32> to vector<16xf32>
        %mul3A_355 = arith.constant 11.3137083 : f32
        %mul3A_356 = vector.broadcast %mul3A_355 : f32 to vector<16xf32>
        %mul3A_357 = arith.mulf %get3A_354, %mul3A_356 : vector<16xf32>
        %swap3A_358 = arith.index_cast %add3A_338 : i32 to index
        %swap3A_359 = arith.constant 16 : index
        %swap3A_360 = tpu.vector_load %arg7[%swap3A_358, %swap3A_359] {strides = array<i32>} : memref<128x128xf32, #tpu.memory_space<vmem>>, vector<1x16xf32>,
        %swap3A_361 = vector.shape_cast %swap3A_360 : vector<1x16xf32> to vector<16xf32>
        %swap3A_362 = vector.shape_cast %mul3A_357 : vector<16xf32> to vector<1x16xf32>
        tpu.vector_store %arg7[%swap3A_358, %swap3A_359], %swap3A_362 {strides = array<i32>} : memref<128x128xf32, #tpu.memory_space<vmem>>, vector<1x16xf32>,
        %get3A_363 = arith.index_cast %add3A_338 : i32 to index
        %get3A_364 = arith.constant 32 : index
        %get3A_365 = tpu.vector_load %arg7[%get3A_363, %get3A_364] {strides = array<i32>} : memref<128x128xf32, #tpu.memory_space<vmem>>, vector<1x16xf32>,
        %get3A_366 = vector.shape_cast %get3A_365 : vector<1x16xf32> to vector<16xf32>
        %mul3A_367 = arith.constant 11.3137083 : f32
        %mul3A_368 = vector.broadcast %mul3A_367 : f32 to vector<16xf32>
        %mul3A_369 = arith.mulf %get3A_366, %mul3A_368 : vector<16xf32>
        %swap3A_370 = arith.index_cast %add3A_338 : i32 to index
        %swap3A_371 = arith.constant 32 : index
        %swap3A_372 = tpu.vector_load %arg7[%swap3A_370, %swap3A_371] {strides = array<i32>} : memref<128x128xf32, #tpu.memory_space<vmem>>, vector<1x16xf32>,
        %swap3A_373 = vector.shape_cast %swap3A_372 : vector<1x16xf32> to vector<16xf32>
        %swap3A_374 = vector.shape_cast %mul3A_369 : vector<16xf32> to vector<1x16xf32>
        tpu.vector_store %arg7[%swap3A_370, %swap3A_371], %swap3A_374 {strides = array<i32>} : memref<128x128xf32, #tpu.memory_space<vmem>>, vector<1x16xf32>,
        %get3A_375 = arith.index_cast %add3A_338 : i32 to index
        %get3A_376 = arith.constant 48 : index
        %get3A_377 = tpu.vector_load %arg7[%get3A_375, %get3A_376] {strides = array<i32>} : memref<128x128xf32, #tpu.memory_space<vmem>>, vector<1x16xf32>,
        %get3A_378 = vector.shape_cast %get3A_377 : vector<1x16xf32> to vector<16xf32>
        %mul3A_379 = arith.constant 11.3137083 : f32
        %mul3A_380 = vector.broadcast %mul3A_379 : f32 to vector<16xf32>
        %mul3A_381 = arith.mulf %get3A_378, %mul3A_380 : vector<16xf32>
        %swap3A_382 = arith.index_cast %add3A_338 : i32 to index
        %swap3A_383 = arith.constant 48 : index
        %swap3A_384 = tpu.vector_load %arg7[%swap3A_382, %swap3A_383] {strides = array<i32>} : memref<128x128xf32, #tpu.memory_space<vmem>>, vector<1x16xf32>,
        %swap3A_385 = vector.shape_cast %swap3A_384 : vector<1x16xf32> to vector<16xf32>
        %swap3A_386 = vector.shape_cast %mul3A_381 : vector<16xf32> to vector<1x16xf32>
        tpu.vector_store %arg7[%swap3A_382, %swap3A_383], %swap3A_386 {strides = array<i32>} : memref<128x128xf32, #tpu.memory_space<vmem>>, vector<1x16xf32>,
        %get3A_387 = arith.index_cast %add3A_338 : i32 to index
        %get3A_388 = arith.constant 64 : index
        %get3A_389 = tpu.vector_load %arg7[%get3A_387, %get3A_388] {strides = array<i32>} : memref<128x128xf32, #tpu.memory_space<vmem>>, vector<1x16xf32>,
        %get3A_390 = vector.shape_cast %get3A_389 : vector<1x16xf32> to vector<16xf32>
        %mul3A_391 = arith.constant 11.3137083 : f32
        %mul3A_392 = vector.broadcast %mul3A_391 : f32 to vector<16xf32>
        %mul3A_393 = arith.mulf %get3A_390, %mul3A_392 : vector<16xf32>
        %swap3A_394 = arith.index_cast %add3A_338 : i32 to index
        %swap3A_395 = arith.constant 64 : index
        %swap3A_396 = tpu.vector_load %arg7[%swap3A_394, %swap3A_395] {strides = array<i32>} : memref<128x128xf32, #tpu.memory_space<vmem>>, vector<1x16xf32>,
        %swap3A_397 = vector.shape_cast %swap3A_396 : vector<1x16xf32> to vector<16xf32>
        %swap3A_398 = vector.shape_cast %mul3A_393 : vector<16xf32> to vector<1x16xf32>
        tpu.vector_store %arg7[%swap3A_394, %swap3A_395], %swap3A_398 {strides = array<i32>} : memref<128x128xf32, #tpu.memory_space<vmem>>, vector<1x16xf32>,
        %get3A_399 = arith.index_cast %add3A_338 : i32 to index
        %get3A_400 = arith.constant 80 : index
        %get3A_401 = tpu.vector_load %arg7[%get3A_399, %get3A_400] {strides = array<i32>} : memref<128x128xf32, #tpu.memory_space<vmem>>, vector<1x16xf32>,
        %get3A_402 = vector.shape_cast %get3A_401 : vector<1x16xf32> to vector<16xf32>
        %mul3A_403 = arith.constant 11.3137083 : f32
        %mul3A_404 = vector.broadcast %mul3A_403 : f32 to vector<16xf32>
        %mul3A_405 = arith.mulf %get3A_402, %mul3A_404 : vector<16xf32>
        %swap3A_406 = arith.index_cast %add3A_338 : i32 to index
        %swap3A_407 = arith.constant 80 : index
        %swap3A_408 = tpu.vector_load %arg7[%swap3A_406, %swap3A_407] {strides = array<i32>} : memref<128x128xf32, #tpu.memory_space<vmem>>, vector<1x16xf32>,
        %swap3A_409 = vector.shape_cast %swap3A_408 : vector<1x16xf32> to vector<16xf32>
        %swap3A_410 = vector.shape_cast %mul3A_405 : vector<16xf32> to vector<1x16xf32>
        tpu.vector_store %arg7[%swap3A_406, %swap3A_407], %swap3A_410 {strides = array<i32>} : memref<128x128xf32, #tpu.memory_space<vmem>>, vector<1x16xf32>,
        %get3A_411 = arith.index_cast %add3A_338 : i32 to index
        %get3A_412 = arith.constant 96 : index
        %get3A_413 = tpu.vector_load %arg7[%get3A_411, %get3A_412] {strides = array<i32>} : memref<128x128xf32, #tpu.memory_space<vmem>>, vector<1x16xf32>,
        %get3A_414 = vector.shape_cast %get3A_413 : vector<1x16xf32> to vector<16xf32>
        %mul3A_415 = arith.constant 11.3137083 : f32
        %mul3A_416 = vector.broadcast %mul3A_415 : f32 to vector<16xf32>
        %mul3A_417 = arith.mulf %get3A_414, %mul3A_416 : vector<16xf32>
        %swap3A_418 = arith.index_cast %add3A_338 : i32 to index
        %swap3A_419 = arith.constant 96 : index
        %swap3A_420 = tpu.vector_load %arg7[%swap3A_418, %swap3A_419] {strides = array<i32>} : memref<128x128xf32, #tpu.memory_space<vmem>>, vector<1x16xf32>,
        %swap3A_421 = vector.shape_cast %swap3A_420 : vector<1x16xf32> to vector<16xf32>
        %swap3A_422 = vector.shape_cast %mul3A_417 : vector<16xf32> to vector<1x16xf32>
        tpu.vector_store %arg7[%swap3A_418, %swap3A_419], %swap3A_422 {strides = array<i32>} : memref<128x128xf32, #tpu.memory_space<vmem>>, vector<1x16xf32>,
        %get3A_423 = arith.index_cast %add3A_338 : i32 to index
        %get3A_424 = arith.constant 112 : index
        %get3A_425 = tpu.vector_load %arg7[%get3A_423, %get3A_424] {strides = array<i32>} : memref<128x128xf32, #tpu.memory_space<vmem>>, vector<1x16xf32>,
        %get3A_426 = vector.shape_cast %get3A_425 : vector<1x16xf32> to vector<16xf32>
        %mul3A_427 = arith.constant 11.3137083 : f32
        %mul3A_428 = vector.broadcast %mul3A_427 : f32 to vector<16xf32>
        %mul3A_429 = arith.mulf %get3A_426, %mul3A_428 : vector<16xf32>
        %swap3A_430 = arith.index_cast %add3A_338 : i32 to index
        %swap3A_431 = arith.constant 112 : index
        %swap3A_432 = tpu.vector_load %arg7[%swap3A_430, %swap3A_431] {strides = array<i32>} : memref<128x128xf32, #tpu.memory_space<vmem>>, vector<1x16xf32>,
        %swap3A_433 = vector.shape_cast %swap3A_432 : vector<1x16xf32> to vector<16xf32>
        %swap3A_434 = vector.shape_cast %mul3A_429 : vector<16xf32> to vector<1x16xf32>
        tpu.vector_store %arg7[%swap3A_430, %swap3A_431], %swap3A_434 {strides = array<i32>} : memref<128x128xf32, #tpu.memory_space<vmem>>, vector<1x16xf32>,
        %mul3A_435 = arith.constant 4 : i32
        %mul3A_436 = arith.muli %scan3A_236, %mul3A_435 : i32
        %add3A_437 = arith.constant 2 : i32
        %add3A_438 = arith.addi %mul3A_436, %add3A_437 : i32
        %get3A_439 = arith.index_cast %add3A_438 : i32 to index
        %get3A_440 = arith.constant 0 : index
        %get3A_441 = tpu.vector_load %arg7[%get3A_439, %get3A_440] {strides = array<i32>} : memref<128x128xf32, #tpu.memory_space<vmem>>, vector<1x16xf32>,
        %get3A_442 = vector.shape_cast %get3A_441 : vector<1x16xf32> to vector<16xf32>
        %mul3A_443 = arith.constant 11.3137083 : f32
        %mul3A_444 = vector.broadcast %mul3A_443 : f32 to vector<16xf32>
        %mul3A_445 = arith.mulf %get3A_442, %mul3A_444 : vector<16xf32>
        %swap3A_446 = arith.index_cast %add3A_438 : i32 to index
        %swap3A_447 = arith.constant 0 : index
        %swap3A_448 = tpu.vector_load %arg7[%swap3A_446, %swap3A_447] {strides = array<i32>} : memref<128x128xf32, #tpu.memory_space<vmem>>, vector<1x16xf32>,
        %swap3A_449 = vector.shape_cast %swap3A_448 : vector<1x16xf32> to vector<16xf32>
        %swap3A_450 = vector.shape_cast %mul3A_445 : vector<16xf32> to vector<1x16xf32>
        tpu.vector_store %arg7[%swap3A_446, %swap3A_447], %swap3A_450 {strides = array<i32>} : memref<128x128xf32, #tpu.memory_space<vmem>>, vector<1x16xf32>,
        %get3A_451 = arith.index_cast %add3A_438 : i32 to index
        %get3A_452 = arith.constant 16 : index
        %get3A_453 = tpu.vector_load %arg7[%get3A_451, %get3A_452] {strides = array<i32>} : memref<128x128xf32, #tpu.memory_space<vmem>>, vector<1x16xf32>,
        %get3A_454 = vector.shape_cast %get3A_453 : vector<1x16xf32> to vector<16xf32>
        %mul3A_455 = arith.constant 11.3137083 : f32
        %mul3A_456 = vector.broadcast %mul3A_455 : f32 to vector<16xf32>
        %mul3A_457 = arith.mulf %get3A_454, %mul3A_456 : vector<16xf32>
        %swap3A_458 = arith.index_cast %add3A_438 : i32 to index
        %swap3A_459 = arith.constant 16 : index
        %swap3A_460 = tpu.vector_load %arg7[%swap3A_458, %swap3A_459] {strides = array<i32>} : memref<128x128xf32, #tpu.memory_space<vmem>>, vector<1x16xf32>,
        %swap3A_461 = vector.shape_cast %swap3A_460 : vector<1x16xf32> to vector<16xf32>
        %swap3A_462 = vector.shape_cast %mul3A_457 : vector<16xf32> to vector<1x16xf32>
        tpu.vector_store %arg7[%swap3A_458, %swap3A_459], %swap3A_462 {strides = array<i32>} : memref<128x128xf32, #tpu.memory_space<vmem>>, vector<1x16xf32>,
        %get3A_463 = arith.index_cast %add3A_438 : i32 to index
        %get3A_464 = arith.constant 32 : index
        %get3A_465 = tpu.vector_load %arg7[%get3A_463, %get3A_464] {strides = array<i32>} : memref<128x128xf32, #tpu.memory_space<vmem>>, vector<1x16xf32>,
        %get3A_466 = vector.shape_cast %get3A_465 : vector<1x16xf32> to vector<16xf32>
        %mul3A_467 = arith.constant 11.3137083 : f32
        %mul3A_468 = vector.broadcast %mul3A_467 : f32 to vector<16xf32>
        %mul3A_469 = arith.mulf %get3A_466, %mul3A_468 : vector<16xf32>
        %swap3A_470 = arith.index_cast %add3A_438 : i32 to index
        %swap3A_471 = arith.constant 32 : index
        %swap3A_472 = tpu.vector_load %arg7[%swap3A_470, %swap3A_471] {strides = array<i32>} : memref<128x128xf32, #tpu.memory_space<vmem>>, vector<1x16xf32>,
        %swap3A_473 = vector.shape_cast %swap3A_472 : vector<1x16xf32> to vector<16xf32>
        %swap3A_474 = vector.shape_cast %mul3A_469 : vector<16xf32> to vector<1x16xf32>
        tpu.vector_store %arg7[%swap3A_470, %swap3A_471], %swap3A_474 {strides = array<i32>} : memref<128x128xf32, #tpu.memory_space<vmem>>, vector<1x16xf32>,
        %get3A_475 = arith.index_cast %add3A_438 : i32 to index
        %get3A_476 = arith.constant 48 : index
        %get3A_477 = tpu.vector_load %arg7[%get3A_475, %get3A_476] {strides = array<i32>} : memref<128x128xf32, #tpu.memory_space<vmem>>, vector<1x16xf32>,
        %get3A_478 = vector.shape_cast %get3A_477 : vector<1x16xf32> to vector<16xf32>
        %mul3A_479 = arith.constant 11.3137083 : f32
        %mul3A_480 = vector.broadcast %mul3A_479 : f32 to vector<16xf32>
        %mul3A_481 = arith.mulf %get3A_478, %mul3A_480 : vector<16xf32>
        %swap3A_482 = arith.index_cast %add3A_438 : i32 to index
        %swap3A_483 = arith.constant 48 : index
        %swap3A_484 = tpu.vector_load %arg7[%swap3A_482, %swap3A_483] {strides = array<i32>} : memref<128x128xf32, #tpu.memory_space<vmem>>, vector<1x16xf32>,
        %swap3A_485 = vector.shape_cast %swap3A_484 : vector<1x16xf32> to vector<16xf32>
        %swap3A_486 = vector.shape_cast %mul3A_481 : vector<16xf32> to vector<1x16xf32>
        tpu.vector_store %arg7[%swap3A_482, %swap3A_483], %swap3A_486 {strides = array<i32>} : memref<128x128xf32, #tpu.memory_space<vmem>>, vector<1x16xf32>,
        %get3A_487 = arith.index_cast %add3A_438 : i32 to index
        %get3A_488 = arith.constant 64 : index
        %get3A_489 = tpu.vector_load %arg7[%get3A_487, %get3A_488] {strides = array<i32>} : memref<128x128xf32, #tpu.memory_space<vmem>>, vector<1x16xf32>,
        %get3A_490 = vector.shape_cast %get3A_489 : vector<1x16xf32> to vector<16xf32>
        %mul3A_491 = arith.constant 11.3137083 : f32
        %mul3A_492 = vector.broadcast %mul3A_491 : f32 to vector<16xf32>
        %mul3A_493 = arith.mulf %get3A_490, %mul3A_492 : vector<16xf32>
        %swap3A_494 = arith.index_cast %add3A_438 : i32 to index
        %swap3A_495 = arith.constant 64 : index
        %swap3A_496 = tpu.vector_load %arg7[%swap3A_494, %swap3A_495] {strides = array<i32>} : memref<128x128xf32, #tpu.memory_space<vmem>>, vector<1x16xf32>,
        %swap3A_497 = vector.shape_cast %swap3A_496 : vector<1x16xf32> to vector<16xf32>
        %swap3A_498 = vector.shape_cast %mul3A_493 : vector<16xf32> to vector<1x16xf32>
        tpu.vector_store %arg7[%swap3A_494, %swap3A_495], %swap3A_498 {strides = array<i32>} : memref<128x128xf32, #tpu.memory_space<vmem>>, vector<1x16xf32>,
        %get3A_499 = arith.index_cast %add3A_438 : i32 to index
        %get3A_500 = arith.constant 80 : index
        %get3A_501 = tpu.vector_load %arg7[%get3A_499, %get3A_500] {strides = array<i32>} : memref<128x128xf32, #tpu.memory_space<vmem>>, vector<1x16xf32>,
        %get3A_502 = vector.shape_cast %get3A_501 : vector<1x16xf32> to vector<16xf32>
        %mul3A_503 = arith.constant 11.3137083 : f32
        %mul3A_504 = vector.broadcast %mul3A_503 : f32 to vector<16xf32>
        %mul3A_505 = arith.mulf %get3A_502, %mul3A_504 : vector<16xf32>
        %swap3A_506 = arith.index_cast %add3A_438 : i32 to index
        %swap3A_507 = arith.constant 80 : index
        %swap3A_508 = tpu.vector_load %arg7[%swap3A_506, %swap3A_507] {strides = array<i32>} : memref<128x128xf32, #tpu.memory_space<vmem>>, vector<1x16xf32>,
        %swap3A_509 = vector.shape_cast %swap3A_508 : vector<1x16xf32> to vector<16xf32>
        %swap3A_510 = vector.shape_cast %mul3A_505 : vector<16xf32> to vector<1x16xf32>
        tpu.vector_store %arg7[%swap3A_506, %swap3A_507], %swap3A_510 {strides = array<i32>} : memref<128x128xf32, #tpu.memory_space<vmem>>, vector<1x16xf32>,
        %get3A_511 = arith.index_cast %add3A_438 : i32 to index
        %get3A_512 = arith.constant 96 : index
        %get3A_513 = tpu.vector_load %arg7[%get3A_511, %get3A_512] {strides = array<i32>} : memref<128x128xf32, #tpu.memory_space<vmem>>, vector<1x16xf32>,
        %get3A_514 = vector.shape_cast %get3A_513 : vector<1x16xf32> to vector<16xf32>
        %mul3A_515 = arith.constant 11.3137083 : f32
        %mul3A_516 = vector.broadcast %mul3A_515 : f32 to vector<16xf32>
        %mul3A_517 = arith.mulf %get3A_514, %mul3A_516 : vector<16xf32>
        %swap3A_518 = arith.index_cast %add3A_438 : i32 to index
        %swap3A_519 = arith.constant 96 : index
        %swap3A_520 = tpu.vector_load %arg7[%swap3A_518, %swap3A_519] {strides = array<i32>} : memref<128x128xf32, #tpu.memory_space<vmem>>, vector<1x16xf32>,
        %swap3A_521 = vector.shape_cast %swap3A_520 : vector<1x16xf32> to vector<16xf32>
        %swap3A_522 = vector.shape_cast %mul3A_517 : vector<16xf32> to vector<1x16xf32>
        tpu.vector_store %arg7[%swap3A_518, %swap3A_519], %swap3A_522 {strides = array<i32>} : memref<128x128xf32, #tpu.memory_space<vmem>>, vector<1x16xf32>,
        %get3A_523 = arith.index_cast %add3A_438 : i32 to index
        %get3A_524 = arith.constant 112 : index
        %get3A_525 = tpu.vector_load %arg7[%get3A_523, %get3A_524] {strides = array<i32>} : memref<128x128xf32, #tpu.memory_space<vmem>>, vector<1x16xf32>,
        %get3A_526 = vector.shape_cast %get3A_525 : vector<1x16xf32> to vector<16xf32>
        %mul3A_527 = arith.constant 11.3137083 : f32
        %mul3A_528 = vector.broadcast %mul3A_527 : f32 to vector<16xf32>
        %mul3A_529 = arith.mulf %get3A_526, %mul3A_528 : vector<16xf32>
        %swap3A_530 = arith.index_cast %add3A_438 : i32 to index
        %swap3A_531 = arith.constant 112 : index
        %swap3A_532 = tpu.vector_load %arg7[%swap3A_530, %swap3A_531] {strides = array<i32>} : memref<128x128xf32, #tpu.memory_space<vmem>>, vector<1x16xf32>,
        %swap3A_533 = vector.shape_cast %swap3A_532 : vector<1x16xf32> to vector<16xf32>
        %swap3A_534 = vector.shape_cast %mul3A_529 : vector<16xf32> to vector<1x16xf32>
        tpu.vector_store %arg7[%swap3A_530, %swap3A_531], %swap3A_534 {strides = array<i32>} : memref<128x128xf32, #tpu.memory_space<vmem>>, vector<1x16xf32>,
        %mul3A_535 = arith.constant 4 : i32
        %mul3A_536 = arith.muli %scan3A_236, %mul3A_535 : i32
        %add3A_537 = arith.constant 3 : i32
        %add3A_538 = arith.addi %mul3A_536, %add3A_537 : i32
        %get3A_539 = arith.index_cast %add3A_538 : i32 to index
        %get3A_540 = arith.constant 0 : index
        %get3A_541 = tpu.vector_load %arg7[%get3A_539, %get3A_540] {strides = array<i32>} : memref<128x128xf32, #tpu.memory_space<vmem>>, vector<1x16xf32>,
        %get3A_542 = vector.shape_cast %get3A_541 : vector<1x16xf32> to vector<16xf32>
        %mul3A_543 = arith.constant 11.3137083 : f32
        %mul3A_544 = vector.broadcast %mul3A_543 : f32 to vector<16xf32>
        %mul3A_545 = arith.mulf %get3A_542, %mul3A_544 : vector<16xf32>
        %swap3A_546 = arith.index_cast %add3A_538 : i32 to index
        %swap3A_547 = arith.constant 0 : index
        %swap3A_548 = tpu.vector_load %arg7[%swap3A_546, %swap3A_547] {strides = array<i32>} : memref<128x128xf32, #tpu.memory_space<vmem>>, vector<1x16xf32>,
        %swap3A_549 = vector.shape_cast %swap3A_548 : vector<1x16xf32> to vector<16xf32>
        %swap3A_550 = vector.shape_cast %mul3A_545 : vector<16xf32> to vector<1x16xf32>
        tpu.vector_store %arg7[%swap3A_546, %swap3A_547], %swap3A_550 {strides = array<i32>} : memref<128x128xf32, #tpu.memory_space<vmem>>, vector<1x16xf32>,
        %get3A_551 = arith.index_cast %add3A_538 : i32 to index
        %get3A_552 = arith.constant 16 : index
        %get3A_553 = tpu.vector_load %arg7[%get3A_551, %get3A_552] {strides = array<i32>} : memref<128x128xf32, #tpu.memory_space<vmem>>, vector<1x16xf32>,
        %get3A_554 = vector.shape_cast %get3A_553 : vector<1x16xf32> to vector<16xf32>
        %mul3A_555 = arith.constant 11.3137083 : f32
        %mul3A_556 = vector.broadcast %mul3A_555 : f32 to vector<16xf32>
        %mul3A_557 = arith.mulf %get3A_554, %mul3A_556 : vector<16xf32>
        %swap3A_558 = arith.index_cast %add3A_538 : i32 to index
        %swap3A_559 = arith.constant 16 : index
        %swap3A_560 = tpu.vector_load %arg7[%swap3A_558, %swap3A_559] {strides = array<i32>} : memref<128x128xf32, #tpu.memory_space<vmem>>, vector<1x16xf32>,
        %swap3A_561 = vector.shape_cast %swap3A_560 : vector<1x16xf32> to vector<16xf32>
        %swap3A_562 = vector.shape_cast %mul3A_557 : vector<16xf32> to vector<1x16xf32>
        tpu.vector_store %arg7[%swap3A_558, %swap3A_559], %swap3A_562 {strides = array<i32>} : memref<128x128xf32, #tpu.memory_space<vmem>>, vector<1x16xf32>,
        %get3A_563 = arith.index_cast %add3A_538 : i32 to index
        %get3A_564 = arith.constant 32 : index
        %get3A_565 = tpu.vector_load %arg7[%get3A_563, %get3A_564] {strides = array<i32>} : memref<128x128xf32, #tpu.memory_space<vmem>>, vector<1x16xf32>,
        %get3A_566 = vector.shape_cast %get3A_565 : vector<1x16xf32> to vector<16xf32>
        %mul3A_567 = arith.constant 11.3137083 : f32
        %mul3A_568 = vector.broadcast %mul3A_567 : f32 to vector<16xf32>
        %mul3A_569 = arith.mulf %get3A_566, %mul3A_568 : vector<16xf32>
        %swap3A_570 = arith.index_cast %add3A_538 : i32 to index
        %swap3A_571 = arith.constant 32 : index
        %swap3A_572 = tpu.vector_load %arg7[%swap3A_570, %swap3A_571] {strides = array<i32>} : memref<128x128xf32, #tpu.memory_space<vmem>>, vector<1x16xf32>,
        %swap3A_573 = vector.shape_cast %swap3A_572 : vector<1x16xf32> to vector<16xf32>
        %swap3A_574 = vector.shape_cast %mul3A_569 : vector<16xf32> to vector<1x16xf32>
        tpu.vector_store %arg7[%swap3A_570, %swap3A_571], %swap3A_574 {strides = array<i32>} : memref<128x128xf32, #tpu.memory_space<vmem>>, vector<1x16xf32>,
        %get3A_575 = arith.index_cast %add3A_538 : i32 to index
        %get3A_576 = arith.constant 48 : index
        %get3A_577 = tpu.vector_load %arg7[%get3A_575, %get3A_576] {strides = array<i32>} : memref<128x128xf32, #tpu.memory_space<vmem>>, vector<1x16xf32>,
        %get3A_578 = vector.shape_cast %get3A_577 : vector<1x16xf32> to vector<16xf32>
        %mul3A_579 = arith.constant 11.3137083 : f32
        %mul3A_580 = vector.broadcast %mul3A_579 : f32 to vector<16xf32>
        %mul3A_581 = arith.mulf %get3A_578, %mul3A_580 : vector<16xf32>
        %swap3A_582 = arith.index_cast %add3A_538 : i32 to index
        %swap3A_583 = arith.constant 48 : index
        %swap3A_584 = tpu.vector_load %arg7[%swap3A_582, %swap3A_583] {strides = array<i32>} : memref<128x128xf32, #tpu.memory_space<vmem>>, vector<1x16xf32>,
        %swap3A_585 = vector.shape_cast %swap3A_584 : vector<1x16xf32> to vector<16xf32>
        %swap3A_586 = vector.shape_cast %mul3A_581 : vector<16xf32> to vector<1x16xf32>
        tpu.vector_store %arg7[%swap3A_582, %swap3A_583], %swap3A_586 {strides = array<i32>} : memref<128x128xf32, #tpu.memory_space<vmem>>, vector<1x16xf32>,
        %get3A_587 = arith.index_cast %add3A_538 : i32 to index
        %get3A_588 = arith.constant 64 : index
        %get3A_589 = tpu.vector_load %arg7[%get3A_587, %get3A_588] {strides = array<i32>} : memref<128x128xf32, #tpu.memory_space<vmem>>, vector<1x16xf32>,
        %get3A_590 = vector.shape_cast %get3A_589 : vector<1x16xf32> to vector<16xf32>
        %mul3A_591 = arith.constant 11.3137083 : f32
        %mul3A_592 = vector.broadcast %mul3A_591 : f32 to vector<16xf32>
        %mul3A_593 = arith.mulf %get3A_590, %mul3A_592 : vector<16xf32>
        %swap3A_594 = arith.index_cast %add3A_538 : i32 to index
        %swap3A_595 = arith.constant 64 : index
        %swap3A_596 = tpu.vector_load %arg7[%swap3A_594, %swap3A_595] {strides = array<i32>} : memref<128x128xf32, #tpu.memory_space<vmem>>, vector<1x16xf32>,
        %swap3A_597 = vector.shape_cast %swap3A_596 : vector<1x16xf32> to vector<16xf32>
        %swap3A_598 = vector.shape_cast %mul3A_593 : vector<16xf32> to vector<1x16xf32>
        tpu.vector_store %arg7[%swap3A_594, %swap3A_595], %swap3A_598 {strides = array<i32>} : memref<128x128xf32, #tpu.memory_space<vmem>>, vector<1x16xf32>,
        %get3A_599 = arith.index_cast %add3A_538 : i32 to index
        %get3A_600 = arith.constant 80 : index
        %get3A_601 = tpu.vector_load %arg7[%get3A_599, %get3A_600] {strides = array<i32>} : memref<128x128xf32, #tpu.memory_space<vmem>>, vector<1x16xf32>,
        %get3A_602 = vector.shape_cast %get3A_601 : vector<1x16xf32> to vector<16xf32>
        %mul3A_603 = arith.constant 11.3137083 : f32
        %mul3A_604 = vector.broadcast %mul3A_603 : f32 to vector<16xf32>
        %mul3A_605 = arith.mulf %get3A_602, %mul3A_604 : vector<16xf32>
        %swap3A_606 = arith.index_cast %add3A_538 : i32 to index
        %swap3A_607 = arith.constant 80 : index
        %swap3A_608 = tpu.vector_load %arg7[%swap3A_606, %swap3A_607] {strides = array<i32>} : memref<128x128xf32, #tpu.memory_space<vmem>>, vector<1x16xf32>,
        %swap3A_609 = vector.shape_cast %swap3A_608 : vector<1x16xf32> to vector<16xf32>
        %swap3A_610 = vector.shape_cast %mul3A_605 : vector<16xf32> to vector<1x16xf32>
        tpu.vector_store %arg7[%swap3A_606, %swap3A_607], %swap3A_610 {strides = array<i32>} : memref<128x128xf32, #tpu.memory_space<vmem>>, vector<1x16xf32>,
        %get3A_611 = arith.index_cast %add3A_538 : i32 to index
        %get3A_612 = arith.constant 96 : index
        %get3A_613 = tpu.vector_load %arg7[%get3A_611, %get3A_612] {strides = array<i32>} : memref<128x128xf32, #tpu.memory_space<vmem>>, vector<1x16xf32>,
        %get3A_614 = vector.shape_cast %get3A_613 : vector<1x16xf32> to vector<16xf32>
        %mul3A_615 = arith.constant 11.3137083 : f32
        %mul3A_616 = vector.broadcast %mul3A_615 : f32 to vector<16xf32>
        %mul3A_617 = arith.mulf %get3A_614, %mul3A_616 : vector<16xf32>
        %swap3A_618 = arith.index_cast %add3A_538 : i32 to index
        %swap3A_619 = arith.constant 96 : index
        %swap3A_620 = tpu.vector_load %arg7[%swap3A_618, %swap3A_619] {strides = array<i32>} : memref<128x128xf32, #tpu.memory_space<vmem>>, vector<1x16xf32>,
        %swap3A_621 = vector.shape_cast %swap3A_620 : vector<1x16xf32> to vector<16xf32>
        %swap3A_622 = vector.shape_cast %mul3A_617 : vector<16xf32> to vector<1x16xf32>
        tpu.vector_store %arg7[%swap3A_618, %swap3A_619], %swap3A_622 {strides = array<i32>} : memref<128x128xf32, #tpu.memory_space<vmem>>, vector<1x16xf32>,
        %get3A_623 = arith.index_cast %add3A_538 : i32 to index
        %get3A_624 = arith.constant 112 : index
        %get3A_625 = tpu.vector_load %arg7[%get3A_623, %get3A_624] {strides = array<i32>} : memref<128x128xf32, #tpu.memory_space<vmem>>, vector<1x16xf32>,
        %get3A_626 = vector.shape_cast %get3A_625 : vector<1x16xf32> to vector<16xf32>
        %mul3A_627 = arith.constant 11.3137083 : f32
        %mul3A_628 = vector.broadcast %mul3A_627 : f32 to vector<16xf32>
        %mul3A_629 = arith.mulf %get3A_626, %mul3A_628 : vector<16xf32>
        %swap3A_630 = arith.index_cast %add3A_538 : i32 to index
        %swap3A_631 = arith.constant 112 : index
        %swap3A_632 = tpu.vector_load %arg7[%swap3A_630, %swap3A_631] {strides = array<i32>} : memref<128x128xf32, #tpu.memory_space<vmem>>, vector<1x16xf32>,
        %swap3A_633 = vector.shape_cast %swap3A_632 : vector<1x16xf32> to vector<16xf32>
        %swap3A_634 = vector.shape_cast %mul3A_629 : vector<16xf32> to vector<1x16xf32>
        tpu.vector_store %arg7[%swap3A_630, %swap3A_631], %swap3A_634 {strides = array<i32>} : memref<128x128xf32, #tpu.memory_space<vmem>>, vector<1x16xf32>,
      }
      %scan3A_108 = arith.constant 32 : i32
      %mul3A_109 = arith.constant 128 : i32
      %mul3A_110 = arith.muli %add3A_95, %mul3A_109 : i32
      %add3A_111 = arith.addi %mul3A_2, %mul3A_110 : i32
      %dma_start3A_112 = arith.constant 0 : i32
      %dma_start3A_113 = tpu.memref_slice %arg4[%add3A_111, %dma_start3A_112] : memref<204800x128xf32, #tpu.memory_space<hbm>> -> memref<128x128xf32, #tpu.memory_space<hbm>>
      %dma_start3A_114 = arith.constant 0 : i32
      %dma_start3A_115 = tpu.memref_slice %arg4[%add3A_111, %dma_start3A_114] : memref<204800x128xf32, #tpu.memory_space<hbm>> -> memref<128x128xf32, #tpu.memory_space<hbm>>
      tpu.enqueue_dma source(%arg7 : memref<128x128xf32, #tpu.memory_space<vmem>>) target(%dma_start3A_115 : memref<128x128xf32, #tpu.memory_space<hbm>>) target_semaphore(%arg17 : memref<!tpu.dma_semaphore, #tpu.memory_space<semaphore_mem>>)
      %add3A_116 = arith.constant 5 : i32
      %add3A_117 = arith.addi %add3A_95, %add3A_116 : i32
      %sub3A_118 = arith.constant 1 : i32
      %sub3A_119 = arith.subi %add3A_117, %sub3A_118 : i32
      %ge3A_120 = arith.constant 5 : i32
      %ge3A_121 = arith.cmpi sge, %sub3A_119, %ge3A_120 : i32
      %lt3A_122 = arith.constant 50 : i32
      %lt3A_123 = arith.cmpi slt, %sub3A_119, %lt3A_122 : i32
      %and3A_124 = arith.andi %ge3A_121, %lt3A_123 : i1
      %convert_element_type3A_125 = arith.extui %and3A_124 : i1 to i32
      %cond3A_126 = arith.constant 0 : i32
      %cond3A_127 = arith.cmpi ne, %convert_element_type3A_125, %cond3A_126 : i32
      scf.if %cond3A_127 {
        %dma_wait3A_236 = arith.constant 0 : i32
        %dma_wait3A_237 = tpu.memref_slice %arg4[%mul3A_2, %dma_wait3A_236] : memref<204800x128xf32, #tpu.memory_space<hbm>> -> memref<128x128xf32, #tpu.memory_space<hbm>>
        %dma_wait3A_238 = arith.constant 0 : i32
        %dma_wait3A_239 = tpu.memref_slice %arg4[%mul3A_2, %dma_wait3A_238] : memref<204800x128xf32, #tpu.memory_space<hbm>> -> memref<128x128xf32, #tpu.memory_space<hbm>>
        tpu.wait_dma2 semaphore(%arg16 : memref<!tpu.dma_semaphore, #tpu.memory_space<semaphore_mem>>) src(%arg6 : memref<128x128xf32, #tpu.memory_space<vmem>>) dst(%dma_wait3A_239 : memref<128x128xf32, #tpu.memory_space<hbm>>)
        %dma_start3A_240 = arith.constant 0 : i32
        %dma_start3A_241 = tpu.memref_slice %arg5[%sub3A_119, %dma_start3A_240] : memref<50x128xi32, #tpu.memory_space<vmem>> -> memref<1x128xi32, #tpu.memory_space<vmem>>
        %dma_start3A_242 = tpu.memref_squeeze %dma_start3A_241 : memref<1x128xi32, #tpu.memory_space<vmem>> -> memref<128xi32, #tpu.memory_space<vmem>>
        %dma_start3A_243 = arith.constant 0 : i32
        %dma_start3A_244 = arith.constant 0 : i32
        %dma_start3A_245 = tpu.memref_slice %arg3[%dma_start3A_243, %dma_start3A_244] : memref<100000x128xf32, #tpu.memory_space<hbm>> -> memref<100000x128xf32, #tpu.memory_space<hbm>>
        tpu.enqueue_indirect_dma source(%dma_start3A_245 : memref<100000x128xf32, #tpu.memory_space<hbm>>) target(%arg6 : memref<128x128xf32, #tpu.memory_space<vmem>>) offsets(%dma_start3A_242 : memref<128xi32, #tpu.memory_space<vmem>>) semaphore(%arg11 : memref<!tpu.dma_semaphore, #tpu.memory_space<semaphore_mem>>)
      } else {
      }
      %mul3A_128 = arith.constant 5 : i32
      %mul3A_129 = arith.muli %scan3A_61, %mul3A_128 : i32
      %add3A_130 = arith.constant 2 : i32
      %add3A_131 = arith.addi %mul3A_129, %add3A_130 : i32
      %dma_wait3A_132 = arith.constant 0 : i32
      %dma_wait3A_133 = arith.constant 0 : i32
      %dma_wait3A_134 = tpu.memref_slice %arg5[%dma_wait3A_132, %dma_wait3A_133] : memref<50x128xi32, #tpu.memory_space<vmem>> -> memref<1x128xi32, #tpu.memory_space<vmem>>
      %dma_wait3A_135 = tpu.memref_squeeze %dma_wait3A_134 : memref<1x128xi32, #tpu.memory_space<vmem>> -> memref<128xi32, #tpu.memory_space<vmem>>
      %dma_wait3A_136 = arith.constant 0 : i32
      %dma_wait3A_137 = arith.constant 0 : i32
      %dma_wait3A_138 = tpu.memref_slice %arg3[%dma_wait3A_136, %dma_wait3A_137] : memref<100000x128xf32, #tpu.memory_space<hbm>> -> memref<100000x128xf32, #tpu.memory_space<hbm>>
      tpu.wait_indirect_dma semaphore(%arg13 : memref<!tpu.dma_semaphore, #tpu.memory_space<semaphore_mem>>) src(%dma_wait3A_138 : memref<100000x128xf32, #tpu.memory_space<hbm>>) dst(%arg8 : memref<128x128xf32, #tpu.memory_space<vmem>>)
      %scan3A_139 = arith.constant 0 : i32
      %scan3A_140 = arith.constant 0 : i32
      %scan3A_141 = arith.constant 32 : i32
      %scan3A_142 = arith.addi %scan3A_140, %scan3A_141 : i32
      %scan3A_143 = arith.constant 1 : i32
      scf.for %scan3A_236 = %scan3A_140 to %scan3A_142 step %scan3A_143  : i32 {
        %mul3A_237 = arith.constant 4 : i32
        %mul3A_238 = arith.muli %scan3A_236, %mul3A_237 : i32
        %add3A_239 = arith.constant 0 : i32
        %add3A_240 = arith.addi %mul3A_238, %add3A_239 : i32
        %get3A = arith.index_cast %add3A_240 : i32 to index
        %get3A_241 = arith.constant 0 : index
        %get3A_242 = tpu.vector_load %arg8[%get3A, %get3A_241] {strides = array<i32>} : memref<128x128xf32, #tpu.memory_space<vmem>>, vector<1x16xf32>,
        %get3A_243 = vector.shape_cast %get3A_242 : vector<1x16xf32> to vector<16xf32>
        %mul3A_244 = arith.constant 11.3137083 : f32
        %mul3A_245 = vector.broadcast %mul3A_244 : f32 to vector<16xf32>
        %mul3A_246 = arith.mulf %get3A_243, %mul3A_245 : vector<16xf32>
        %swap3A = arith.index_cast %add3A_240 : i32 to index
        %swap3A_247 = arith.constant 0 : index
        %swap3A_248 = tpu.vector_load %arg8[%swap3A, %swap3A_247] {strides = array<i32>} : memref<128x128xf32, #tpu.memory_space<vmem>>, vector<1x16xf32>,
        %swap3A_249 = vector.shape_cast %swap3A_248 : vector<1x16xf32> to vector<16xf32>
        %swap3A_250 = vector.shape_cast %mul3A_246 : vector<16xf32> to vector<1x16xf32>
        tpu.vector_store %arg8[%swap3A, %swap3A_247], %swap3A_250 {strides = array<i32>} : memref<128x128xf32, #tpu.memory_space<vmem>>, vector<1x16xf32>,
        %get3A_251 = arith.index_cast %add3A_240 : i32 to index
        %get3A_252 = arith.constant 16 : index
        %get3A_253 = tpu.vector_load %arg8[%get3A_251, %get3A_252] {strides = array<i32>} : memref<128x128xf32, #tpu.memory_space<vmem>>, vector<1x16xf32>,
        %get3A_254 = vector.shape_cast %get3A_253 : vector<1x16xf32> to vector<16xf32>
        %mul3A_255 = arith.constant 11.3137083 : f32
        %mul3A_256 = vector.broadcast %mul3A_255 : f32 to vector<16xf32>
        %mul3A_257 = arith.mulf %get3A_254, %mul3A_256 : vector<16xf32>
        %swap3A_258 = arith.index_cast %add3A_240 : i32 to index
        %swap3A_259 = arith.constant 16 : index
        %swap3A_260 = tpu.vector_load %arg8[%swap3A_258, %swap3A_259] {strides = array<i32>} : memref<128x128xf32, #tpu.memory_space<vmem>>, vector<1x16xf32>,
        %swap3A_261 = vector.shape_cast %swap3A_260 : vector<1x16xf32> to vector<16xf32>
        %swap3A_262 = vector.shape_cast %mul3A_257 : vector<16xf32> to vector<1x16xf32>
        tpu.vector_store %arg8[%swap3A_258, %swap3A_259], %swap3A_262 {strides = array<i32>} : memref<128x128xf32, #tpu.memory_space<vmem>>, vector<1x16xf32>,
        %get3A_263 = arith.index_cast %add3A_240 : i32 to index
        %get3A_264 = arith.constant 32 : index
        %get3A_265 = tpu.vector_load %arg8[%get3A_263, %get3A_264] {strides = array<i32>} : memref<128x128xf32, #tpu.memory_space<vmem>>, vector<1x16xf32>,
        %get3A_266 = vector.shape_cast %get3A_265 : vector<1x16xf32> to vector<16xf32>
        %mul3A_267 = arith.constant 11.3137083 : f32
        %mul3A_268 = vector.broadcast %mul3A_267 : f32 to vector<16xf32>
        %mul3A_269 = arith.mulf %get3A_266, %mul3A_268 : vector<16xf32>
        %swap3A_270 = arith.index_cast %add3A_240 : i32 to index
        %swap3A_271 = arith.constant 32 : index
        %swap3A_272 = tpu.vector_load %arg8[%swap3A_270, %swap3A_271] {strides = array<i32>} : memref<128x128xf32, #tpu.memory_space<vmem>>, vector<1x16xf32>,
        %swap3A_273 = vector.shape_cast %swap3A_272 : vector<1x16xf32> to vector<16xf32>
        %swap3A_274 = vector.shape_cast %mul3A_269 : vector<16xf32> to vector<1x16xf32>
        tpu.vector_store %arg8[%swap3A_270, %swap3A_271], %swap3A_274 {strides = array<i32>} : memref<128x128xf32, #tpu.memory_space<vmem>>, vector<1x16xf32>,
        %get3A_275 = arith.index_cast %add3A_240 : i32 to index
        %get3A_276 = arith.constant 48 : index
        %get3A_277 = tpu.vector_load %arg8[%get3A_275, %get3A_276] {strides = array<i32>} : memref<128x128xf32, #tpu.memory_space<vmem>>, vector<1x16xf32>,
        %get3A_278 = vector.shape_cast %get3A_277 : vector<1x16xf32> to vector<16xf32>
        %mul3A_279 = arith.constant 11.3137083 : f32
        %mul3A_280 = vector.broadcast %mul3A_279 : f32 to vector<16xf32>
        %mul3A_281 = arith.mulf %get3A_278, %mul3A_280 : vector<16xf32>
        %swap3A_282 = arith.index_cast %add3A_240 : i32 to index
        %swap3A_283 = arith.constant 48 : index
        %swap3A_284 = tpu.vector_load %arg8[%swap3A_282, %swap3A_283] {strides = array<i32>} : memref<128x128xf32, #tpu.memory_space<vmem>>, vector<1x16xf32>,
        %swap3A_285 = vector.shape_cast %swap3A_284 : vector<1x16xf32> to vector<16xf32>
        %swap3A_286 = vector.shape_cast %mul3A_281 : vector<16xf32> to vector<1x16xf32>
        tpu.vector_store %arg8[%swap3A_282, %swap3A_283], %swap3A_286 {strides = array<i32>} : memref<128x128xf32, #tpu.memory_space<vmem>>, vector<1x16xf32>,
        %get3A_287 = arith.index_cast %add3A_240 : i32 to index
        %get3A_288 = arith.constant 64 : index
        %get3A_289 = tpu.vector_load %arg8[%get3A_287, %get3A_288] {strides = array<i32>} : memref<128x128xf32, #tpu.memory_space<vmem>>, vector<1x16xf32>,
        %get3A_290 = vector.shape_cast %get3A_289 : vector<1x16xf32> to vector<16xf32>
        %mul3A_291 = arith.constant 11.3137083 : f32
        %mul3A_292 = vector.broadcast %mul3A_291 : f32 to vector<16xf32>
        %mul3A_293 = arith.mulf %get3A_290, %mul3A_292 : vector<16xf32>
        %swap3A_294 = arith.index_cast %add3A_240 : i32 to index
        %swap3A_295 = arith.constant 64 : index
        %swap3A_296 = tpu.vector_load %arg8[%swap3A_294, %swap3A_295] {strides = array<i32>} : memref<128x128xf32, #tpu.memory_space<vmem>>, vector<1x16xf32>,
        %swap3A_297 = vector.shape_cast %swap3A_296 : vector<1x16xf32> to vector<16xf32>
        %swap3A_298 = vector.shape_cast %mul3A_293 : vector<16xf32> to vector<1x16xf32>
        tpu.vector_store %arg8[%swap3A_294, %swap3A_295], %swap3A_298 {strides = array<i32>} : memref<128x128xf32, #tpu.memory_space<vmem>>, vector<1x16xf32>,
        %get3A_299 = arith.index_cast %add3A_240 : i32 to index
        %get3A_300 = arith.constant 80 : index
        %get3A_301 = tpu.vector_load %arg8[%get3A_299, %get3A_300] {strides = array<i32>} : memref<128x128xf32, #tpu.memory_space<vmem>>, vector<1x16xf32>,
        %get3A_302 = vector.shape_cast %get3A_301 : vector<1x16xf32> to vector<16xf32>
        %mul3A_303 = arith.constant 11.3137083 : f32
        %mul3A_304 = vector.broadcast %mul3A_303 : f32 to vector<16xf32>
        %mul3A_305 = arith.mulf %get3A_302, %mul3A_304 : vector<16xf32>
        %swap3A_306 = arith.index_cast %add3A_240 : i32 to index
        %swap3A_307 = arith.constant 80 : index
        %swap3A_308 = tpu.vector_load %arg8[%swap3A_306, %swap3A_307] {strides = array<i32>} : memref<128x128xf32, #tpu.memory_space<vmem>>, vector<1x16xf32>,
        %swap3A_309 = vector.shape_cast %swap3A_308 : vector<1x16xf32> to vector<16xf32>
        %swap3A_310 = vector.shape_cast %mul3A_305 : vector<16xf32> to vector<1x16xf32>
        tpu.vector_store %arg8[%swap3A_306, %swap3A_307], %swap3A_310 {strides = array<i32>} : memref<128x128xf32, #tpu.memory_space<vmem>>, vector<1x16xf32>,
        %get3A_311 = arith.index_cast %add3A_240 : i32 to index
        %get3A_312 = arith.constant 96 : index
        %get3A_313 = tpu.vector_load %arg8[%get3A_311, %get3A_312] {strides = array<i32>} : memref<128x128xf32, #tpu.memory_space<vmem>>, vector<1x16xf32>,
        %get3A_314 = vector.shape_cast %get3A_313 : vector<1x16xf32> to vector<16xf32>
        %mul3A_315 = arith.constant 11.3137083 : f32
        %mul3A_316 = vector.broadcast %mul3A_315 : f32 to vector<16xf32>
        %mul3A_317 = arith.mulf %get3A_314, %mul3A_316 : vector<16xf32>
        %swap3A_318 = arith.index_cast %add3A_240 : i32 to index
        %swap3A_319 = arith.constant 96 : index
        %swap3A_320 = tpu.vector_load %arg8[%swap3A_318, %swap3A_319] {strides = array<i32>} : memref<128x128xf32, #tpu.memory_space<vmem>>, vector<1x16xf32>,
        %swap3A_321 = vector.shape_cast %swap3A_320 : vector<1x16xf32> to vector<16xf32>
        %swap3A_322 = vector.shape_cast %mul3A_317 : vector<16xf32> to vector<1x16xf32>
        tpu.vector_store %arg8[%swap3A_318, %swap3A_319], %swap3A_322 {strides = array<i32>} : memref<128x128xf32, #tpu.memory_space<vmem>>, vector<1x16xf32>,
        %get3A_323 = arith.index_cast %add3A_240 : i32 to index
        %get3A_324 = arith.constant 112 : index
        %get3A_325 = tpu.vector_load %arg8[%get3A_323, %get3A_324] {strides = array<i32>} : memref<128x128xf32, #tpu.memory_space<vmem>>, vector<1x16xf32>,
        %get3A_326 = vector.shape_cast %get3A_325 : vector<1x16xf32> to vector<16xf32>
        %mul3A_327 = arith.constant 11.3137083 : f32
        %mul3A_328 = vector.broadcast %mul3A_327 : f32 to vector<16xf32>
        %mul3A_329 = arith.mulf %get3A_326, %mul3A_328 : vector<16xf32>
        %swap3A_330 = arith.index_cast %add3A_240 : i32 to index
        %swap3A_331 = arith.constant 112 : index
        %swap3A_332 = tpu.vector_load %arg8[%swap3A_330, %swap3A_331] {strides = array<i32>} : memref<128x128xf32, #tpu.memory_space<vmem>>, vector<1x16xf32>,
        %swap3A_333 = vector.shape_cast %swap3A_332 : vector<1x16xf32> to vector<16xf32>
        %swap3A_334 = vector.shape_cast %mul3A_329 : vector<16xf32> to vector<1x16xf32>
        tpu.vector_store %arg8[%swap3A_330, %swap3A_331], %swap3A_334 {strides = array<i32>} : memref<128x128xf32, #tpu.memory_space<vmem>>, vector<1x16xf32>,
        %mul3A_335 = arith.constant 4 : i32
        %mul3A_336 = arith.muli %scan3A_236, %mul3A_335 : i32
        %add3A_337 = arith.constant 1 : i32
        %add3A_338 = arith.addi %mul3A_336, %add3A_337 : i32
        %get3A_339 = arith.index_cast %add3A_338 : i32 to index
        %get3A_340 = arith.constant 0 : index
        %get3A_341 = tpu.vector_load %arg8[%get3A_339, %get3A_340] {strides = array<i32>} : memref<128x128xf32, #tpu.memory_space<vmem>>, vector<1x16xf32>,
        %get3A_342 = vector.shape_cast %get3A_341 : vector<1x16xf32> to vector<16xf32>
        %mul3A_343 = arith.constant 11.3137083 : f32
        %mul3A_344 = vector.broadcast %mul3A_343 : f32 to vector<16xf32>
        %mul3A_345 = arith.mulf %get3A_342, %mul3A_344 : vector<16xf32>
        %swap3A_346 = arith.index_cast %add3A_338 : i32 to index
        %swap3A_347 = arith.constant 0 : index
        %swap3A_348 = tpu.vector_load %arg8[%swap3A_346, %swap3A_347] {strides = array<i32>} : memref<128x128xf32, #tpu.memory_space<vmem>>, vector<1x16xf32>,
        %swap3A_349 = vector.shape_cast %swap3A_348 : vector<1x16xf32> to vector<16xf32>
        %swap3A_350 = vector.shape_cast %mul3A_345 : vector<16xf32> to vector<1x16xf32>
        tpu.vector_store %arg8[%swap3A_346, %swap3A_347], %swap3A_350 {strides = array<i32>} : memref<128x128xf32, #tpu.memory_space<vmem>>, vector<1x16xf32>,
        %get3A_351 = arith.index_cast %add3A_338 : i32 to index
        %get3A_352 = arith.constant 16 : index
        %get3A_353 = tpu.vector_load %arg8[%get3A_351, %get3A_352] {strides = array<i32>} : memref<128x128xf32, #tpu.memory_space<vmem>>, vector<1x16xf32>,
        %get3A_354 = vector.shape_cast %get3A_353 : vector<1x16xf32> to vector<16xf32>
        %mul3A_355 = arith.constant 11.3137083 : f32
        %mul3A_356 = vector.broadcast %mul3A_355 : f32 to vector<16xf32>
        %mul3A_357 = arith.mulf %get3A_354, %mul3A_356 : vector<16xf32>
        %swap3A_358 = arith.index_cast %add3A_338 : i32 to index
        %swap3A_359 = arith.constant 16 : index
        %swap3A_360 = tpu.vector_load %arg8[%swap3A_358, %swap3A_359] {strides = array<i32>} : memref<128x128xf32, #tpu.memory_space<vmem>>, vector<1x16xf32>,
        %swap3A_361 = vector.shape_cast %swap3A_360 : vector<1x16xf32> to vector<16xf32>
        %swap3A_362 = vector.shape_cast %mul3A_357 : vector<16xf32> to vector<1x16xf32>
        tpu.vector_store %arg8[%swap3A_358, %swap3A_359], %swap3A_362 {strides = array<i32>} : memref<128x128xf32, #tpu.memory_space<vmem>>, vector<1x16xf32>,
        %get3A_363 = arith.index_cast %add3A_338 : i32 to index
        %get3A_364 = arith.constant 32 : index
        %get3A_365 = tpu.vector_load %arg8[%get3A_363, %get3A_364] {strides = array<i32>} : memref<128x128xf32, #tpu.memory_space<vmem>>, vector<1x16xf32>,
        %get3A_366 = vector.shape_cast %get3A_365 : vector<1x16xf32> to vector<16xf32>
        %mul3A_367 = arith.constant 11.3137083 : f32
        %mul3A_368 = vector.broadcast %mul3A_367 : f32 to vector<16xf32>
        %mul3A_369 = arith.mulf %get3A_366, %mul3A_368 : vector<16xf32>
        %swap3A_370 = arith.index_cast %add3A_338 : i32 to index
        %swap3A_371 = arith.constant 32 : index
        %swap3A_372 = tpu.vector_load %arg8[%swap3A_370, %swap3A_371] {strides = array<i32>} : memref<128x128xf32, #tpu.memory_space<vmem>>, vector<1x16xf32>,
        %swap3A_373 = vector.shape_cast %swap3A_372 : vector<1x16xf32> to vector<16xf32>
        %swap3A_374 = vector.shape_cast %mul3A_369 : vector<16xf32> to vector<1x16xf32>
        tpu.vector_store %arg8[%swap3A_370, %swap3A_371], %swap3A_374 {strides = array<i32>} : memref<128x128xf32, #tpu.memory_space<vmem>>, vector<1x16xf32>,
        %get3A_375 = arith.index_cast %add3A_338 : i32 to index
        %get3A_376 = arith.constant 48 : index
        %get3A_377 = tpu.vector_load %arg8[%get3A_375, %get3A_376] {strides = array<i32>} : memref<128x128xf32, #tpu.memory_space<vmem>>, vector<1x16xf32>,
        %get3A_378 = vector.shape_cast %get3A_377 : vector<1x16xf32> to vector<16xf32>
        %mul3A_379 = arith.constant 11.3137083 : f32
        %mul3A_380 = vector.broadcast %mul3A_379 : f32 to vector<16xf32>
        %mul3A_381 = arith.mulf %get3A_378, %mul3A_380 : vector<16xf32>
        %swap3A_382 = arith.index_cast %add3A_338 : i32 to index
        %swap3A_383 = arith.constant 48 : index
        %swap3A_384 = tpu.vector_load %arg8[%swap3A_382, %swap3A_383] {strides = array<i32>} : memref<128x128xf32, #tpu.memory_space<vmem>>, vector<1x16xf32>,
        %swap3A_385 = vector.shape_cast %swap3A_384 : vector<1x16xf32> to vector<16xf32>
        %swap3A_386 = vector.shape_cast %mul3A_381 : vector<16xf32> to vector<1x16xf32>
        tpu.vector_store %arg8[%swap3A_382, %swap3A_383], %swap3A_386 {strides = array<i32>} : memref<128x128xf32, #tpu.memory_space<vmem>>, vector<1x16xf32>,
        %get3A_387 = arith.index_cast %add3A_338 : i32 to index
        %get3A_388 = arith.constant 64 : index
        %get3A_389 = tpu.vector_load %arg8[%get3A_387, %get3A_388] {strides = array<i32>} : memref<128x128xf32, #tpu.memory_space<vmem>>, vector<1x16xf32>,
        %get3A_390 = vector.shape_cast %get3A_389 : vector<1x16xf32> to vector<16xf32>
        %mul3A_391 = arith.constant 11.3137083 : f32
        %mul3A_392 = vector.broadcast %mul3A_391 : f32 to vector<16xf32>
        %mul3A_393 = arith.mulf %get3A_390, %mul3A_392 : vector<16xf32>
        %swap3A_394 = arith.index_cast %add3A_338 : i32 to index
        %swap3A_395 = arith.constant 64 : index
        %swap3A_396 = tpu.vector_load %arg8[%swap3A_394, %swap3A_395] {strides = array<i32>} : memref<128x128xf32, #tpu.memory_space<vmem>>, vector<1x16xf32>,
        %swap3A_397 = vector.shape_cast %swap3A_396 : vector<1x16xf32> to vector<16xf32>
        %swap3A_398 = vector.shape_cast %mul3A_393 : vector<16xf32> to vector<1x16xf32>
        tpu.vector_store %arg8[%swap3A_394, %swap3A_395], %swap3A_398 {strides = array<i32>} : memref<128x128xf32, #tpu.memory_space<vmem>>, vector<1x16xf32>,
        %get3A_399 = arith.index_cast %add3A_338 : i32 to index
        %get3A_400 = arith.constant 80 : index
        %get3A_401 = tpu.vector_load %arg8[%get3A_399, %get3A_400] {strides = array<i32>} : memref<128x128xf32, #tpu.memory_space<vmem>>, vector<1x16xf32>,
        %get3A_402 = vector.shape_cast %get3A_401 : vector<1x16xf32> to vector<16xf32>
        %mul3A_403 = arith.constant 11.3137083 : f32
        %mul3A_404 = vector.broadcast %mul3A_403 : f32 to vector<16xf32>
        %mul3A_405 = arith.mulf %get3A_402, %mul3A_404 : vector<16xf32>
        %swap3A_406 = arith.index_cast %add3A_338 : i32 to index
        %swap3A_407 = arith.constant 80 : index
        %swap3A_408 = tpu.vector_load %arg8[%swap3A_406, %swap3A_407] {strides = array<i32>} : memref<128x128xf32, #tpu.memory_space<vmem>>, vector<1x16xf32>,
        %swap3A_409 = vector.shape_cast %swap3A_408 : vector<1x16xf32> to vector<16xf32>
        %swap3A_410 = vector.shape_cast %mul3A_405 : vector<16xf32> to vector<1x16xf32>
        tpu.vector_store %arg8[%swap3A_406, %swap3A_407], %swap3A_410 {strides = array<i32>} : memref<128x128xf32, #tpu.memory_space<vmem>>, vector<1x16xf32>,
        %get3A_411 = arith.index_cast %add3A_338 : i32 to index
        %get3A_412 = arith.constant 96 : index
        %get3A_413 = tpu.vector_load %arg8[%get3A_411, %get3A_412] {strides = array<i32>} : memref<128x128xf32, #tpu.memory_space<vmem>>, vector<1x16xf32>,
        %get3A_414 = vector.shape_cast %get3A_413 : vector<1x16xf32> to vector<16xf32>
        %mul3A_415 = arith.constant 11.3137083 : f32
        %mul3A_416 = vector.broadcast %mul3A_415 : f32 to vector<16xf32>
        %mul3A_417 = arith.mulf %get3A_414, %mul3A_416 : vector<16xf32>
        %swap3A_418 = arith.index_cast %add3A_338 : i32 to index
        %swap3A_419 = arith.constant 96 : index
        %swap3A_420 = tpu.vector_load %arg8[%swap3A_418, %swap3A_419] {strides = array<i32>} : memref<128x128xf32, #tpu.memory_space<vmem>>, vector<1x16xf32>,
        %swap3A_421 = vector.shape_cast %swap3A_420 : vector<1x16xf32> to vector<16xf32>
        %swap3A_422 = vector.shape_cast %mul3A_417 : vector<16xf32> to vector<1x16xf32>
        tpu.vector_store %arg8[%swap3A_418, %swap3A_419], %swap3A_422 {strides = array<i32>} : memref<128x128xf32, #tpu.memory_space<vmem>>, vector<1x16xf32>,
        %get3A_423 = arith.index_cast %add3A_338 : i32 to index
        %get3A_424 = arith.constant 112 : index
        %get3A_425 = tpu.vector_load %arg8[%get3A_423, %get3A_424] {strides = array<i32>} : memref<128x128xf32, #tpu.memory_space<vmem>>, vector<1x16xf32>,
        %get3A_426 = vector.shape_cast %get3A_425 : vector<1x16xf32> to vector<16xf32>
        %mul3A_427 = arith.constant 11.3137083 : f32
        %mul3A_428 = vector.broadcast %mul3A_427 : f32 to vector<16xf32>
        %mul3A_429 = arith.mulf %get3A_426, %mul3A_428 : vector<16xf32>
        %swap3A_430 = arith.index_cast %add3A_338 : i32 to index
        %swap3A_431 = arith.constant 112 : index
        %swap3A_432 = tpu.vector_load %arg8[%swap3A_430, %swap3A_431] {strides = array<i32>} : memref<128x128xf32, #tpu.memory_space<vmem>>, vector<1x16xf32>,
        %swap3A_433 = vector.shape_cast %swap3A_432 : vector<1x16xf32> to vector<16xf32>
        %swap3A_434 = vector.shape_cast %mul3A_429 : vector<16xf32> to vector<1x16xf32>
        tpu.vector_store %arg8[%swap3A_430, %swap3A_431], %swap3A_434 {strides = array<i32>} : memref<128x128xf32, #tpu.memory_space<vmem>>, vector<1x16xf32>,
        %mul3A_435 = arith.constant 4 : i32
        %mul3A_436 = arith.muli %scan3A_236, %mul3A_435 : i32
        %add3A_437 = arith.constant 2 : i32
        %add3A_438 = arith.addi %mul3A_436, %add3A_437 : i32
        %get3A_439 = arith.index_cast %add3A_438 : i32 to index
        %get3A_440 = arith.constant 0 : index
        %get3A_441 = tpu.vector_load %arg8[%get3A_439, %get3A_440] {strides = array<i32>} : memref<128x128xf32, #tpu.memory_space<vmem>>, vector<1x16xf32>,
        %get3A_442 = vector.shape_cast %get3A_441 : vector<1x16xf32> to vector<16xf32>
        %mul3A_443 = arith.constant 11.3137083 : f32
        %mul3A_444 = vector.broadcast %mul3A_443 : f32 to vector<16xf32>
        %mul3A_445 = arith.mulf %get3A_442, %mul3A_444 : vector<16xf32>
        %swap3A_446 = arith.index_cast %add3A_438 : i32 to index
        %swap3A_447 = arith.constant 0 : index
        %swap3A_448 = tpu.vector_load %arg8[%swap3A_446, %swap3A_447] {strides = array<i32>} : memref<128x128xf32, #tpu.memory_space<vmem>>, vector<1x16xf32>,
        %swap3A_449 = vector.shape_cast %swap3A_448 : vector<1x16xf32> to vector<16xf32>
        %swap3A_450 = vector.shape_cast %mul3A_445 : vector<16xf32> to vector<1x16xf32>
        tpu.vector_store %arg8[%swap3A_446, %swap3A_447], %swap3A_450 {strides = array<i32>} : memref<128x128xf32, #tpu.memory_space<vmem>>, vector<1x16xf32>,
        %get3A_451 = arith.index_cast %add3A_438 : i32 to index
        %get3A_452 = arith.constant 16 : index
        %get3A_453 = tpu.vector_load %arg8[%get3A_451, %get3A_452] {strides = array<i32>} : memref<128x128xf32, #tpu.memory_space<vmem>>, vector<1x16xf32>,
        %get3A_454 = vector.shape_cast %get3A_453 : vector<1x16xf32> to vector<16xf32>
        %mul3A_455 = arith.constant 11.3137083 : f32
        %mul3A_456 = vector.broadcast %mul3A_455 : f32 to vector<16xf32>
        %mul3A_457 = arith.mulf %get3A_454, %mul3A_456 : vector<16xf32>
        %swap3A_458 = arith.index_cast %add3A_438 : i32 to index
        %swap3A_459 = arith.constant 16 : index
        %swap3A_460 = tpu.vector_load %arg8[%swap3A_458, %swap3A_459] {strides = array<i32>} : memref<128x128xf32, #tpu.memory_space<vmem>>, vector<1x16xf32>,
        %swap3A_461 = vector.shape_cast %swap3A_460 : vector<1x16xf32> to vector<16xf32>
        %swap3A_462 = vector.shape_cast %mul3A_457 : vector<16xf32> to vector<1x16xf32>
        tpu.vector_store %arg8[%swap3A_458, %swap3A_459], %swap3A_462 {strides = array<i32>} : memref<128x128xf32, #tpu.memory_space<vmem>>, vector<1x16xf32>,
        %get3A_463 = arith.index_cast %add3A_438 : i32 to index
        %get3A_464 = arith.constant 32 : index
        %get3A_465 = tpu.vector_load %arg8[%get3A_463, %get3A_464] {strides = array<i32>} : memref<128x128xf32, #tpu.memory_space<vmem>>, vector<1x16xf32>,
        %get3A_466 = vector.shape_cast %get3A_465 : vector<1x16xf32> to vector<16xf32>
        %mul3A_467 = arith.constant 11.3137083 : f32
        %mul3A_468 = vector.broadcast %mul3A_467 : f32 to vector<16xf32>
        %mul3A_469 = arith.mulf %get3A_466, %mul3A_468 : vector<16xf32>
        %swap3A_470 = arith.index_cast %add3A_438 : i32 to index
        %swap3A_471 = arith.constant 32 : index
        %swap3A_472 = tpu.vector_load %arg8[%swap3A_470, %swap3A_471] {strides = array<i32>} : memref<128x128xf32, #tpu.memory_space<vmem>>, vector<1x16xf32>,
        %swap3A_473 = vector.shape_cast %swap3A_472 : vector<1x16xf32> to vector<16xf32>
        %swap3A_474 = vector.shape_cast %mul3A_469 : vector<16xf32> to vector<1x16xf32>
        tpu.vector_store %arg8[%swap3A_470, %swap3A_471], %swap3A_474 {strides = array<i32>} : memref<128x128xf32, #tpu.memory_space<vmem>>, vector<1x16xf32>,
        %get3A_475 = arith.index_cast %add3A_438 : i32 to index
        %get3A_476 = arith.constant 48 : index
        %get3A_477 = tpu.vector_load %arg8[%get3A_475, %get3A_476] {strides = array<i32>} : memref<128x128xf32, #tpu.memory_space<vmem>>, vector<1x16xf32>,
        %get3A_478 = vector.shape_cast %get3A_477 : vector<1x16xf32> to vector<16xf32>
        %mul3A_479 = arith.constant 11.3137083 : f32
        %mul3A_480 = vector.broadcast %mul3A_479 : f32 to vector<16xf32>
        %mul3A_481 = arith.mulf %get3A_478, %mul3A_480 : vector<16xf32>
        %swap3A_482 = arith.index_cast %add3A_438 : i32 to index
        %swap3A_483 = arith.constant 48 : index
        %swap3A_484 = tpu.vector_load %arg8[%swap3A_482, %swap3A_483] {strides = array<i32>} : memref<128x128xf32, #tpu.memory_space<vmem>>, vector<1x16xf32>,
        %swap3A_485 = vector.shape_cast %swap3A_484 : vector<1x16xf32> to vector<16xf32>
        %swap3A_486 = vector.shape_cast %mul3A_481 : vector<16xf32> to vector<1x16xf32>
        tpu.vector_store %arg8[%swap3A_482, %swap3A_483], %swap3A_486 {strides = array<i32>} : memref<128x128xf32, #tpu.memory_space<vmem>>, vector<1x16xf32>,
        %get3A_487 = arith.index_cast %add3A_438 : i32 to index
        %get3A_488 = arith.constant 64 : index
        %get3A_489 = tpu.vector_load %arg8[%get3A_487, %get3A_488] {strides = array<i32>} : memref<128x128xf32, #tpu.memory_space<vmem>>, vector<1x16xf32>,
        %get3A_490 = vector.shape_cast %get3A_489 : vector<1x16xf32> to vector<16xf32>
        %mul3A_491 = arith.constant 11.3137083 : f32
        %mul3A_492 = vector.broadcast %mul3A_491 : f32 to vector<16xf32>
        %mul3A_493 = arith.mulf %get3A_490, %mul3A_492 : vector<16xf32>
        %swap3A_494 = arith.index_cast %add3A_438 : i32 to index
        %swap3A_495 = arith.constant 64 : index
        %swap3A_496 = tpu.vector_load %arg8[%swap3A_494, %swap3A_495] {strides = array<i32>} : memref<128x128xf32, #tpu.memory_space<vmem>>, vector<1x16xf32>,
        %swap3A_497 = vector.shape_cast %swap3A_496 : vector<1x16xf32> to vector<16xf32>
        %swap3A_498 = vector.shape_cast %mul3A_493 : vector<16xf32> to vector<1x16xf32>
        tpu.vector_store %arg8[%swap3A_494, %swap3A_495], %swap3A_498 {strides = array<i32>} : memref<128x128xf32, #tpu.memory_space<vmem>>, vector<1x16xf32>,
        %get3A_499 = arith.index_cast %add3A_438 : i32 to index
        %get3A_500 = arith.constant 80 : index
        %get3A_501 = tpu.vector_load %arg8[%get3A_499, %get3A_500] {strides = array<i32>} : memref<128x128xf32, #tpu.memory_space<vmem>>, vector<1x16xf32>,
        %get3A_502 = vector.shape_cast %get3A_501 : vector<1x16xf32> to vector<16xf32>
        %mul3A_503 = arith.constant 11.3137083 : f32
        %mul3A_504 = vector.broadcast %mul3A_503 : f32 to vector<16xf32>
        %mul3A_505 = arith.mulf %get3A_502, %mul3A_504 : vector<16xf32>
        %swap3A_506 = arith.index_cast %add3A_438 : i32 to index
        %swap3A_507 = arith.constant 80 : index
        %swap3A_508 = tpu.vector_load %arg8[%swap3A_506, %swap3A_507] {strides = array<i32>} : memref<128x128xf32, #tpu.memory_space<vmem>>, vector<1x16xf32>,
        %swap3A_509 = vector.shape_cast %swap3A_508 : vector<1x16xf32> to vector<16xf32>
        %swap3A_510 = vector.shape_cast %mul3A_505 : vector<16xf32> to vector<1x16xf32>
        tpu.vector_store %arg8[%swap3A_506, %swap3A_507], %swap3A_510 {strides = array<i32>} : memref<128x128xf32, #tpu.memory_space<vmem>>, vector<1x16xf32>,
        %get3A_511 = arith.index_cast %add3A_438 : i32 to index
        %get3A_512 = arith.constant 96 : index
        %get3A_513 = tpu.vector_load %arg8[%get3A_511, %get3A_512] {strides = array<i32>} : memref<128x128xf32, #tpu.memory_space<vmem>>, vector<1x16xf32>,
        %get3A_514 = vector.shape_cast %get3A_513 : vector<1x16xf32> to vector<16xf32>
        %mul3A_515 = arith.constant 11.3137083 : f32
        %mul3A_516 = vector.broadcast %mul3A_515 : f32 to vector<16xf32>
        %mul3A_517 = arith.mulf %get3A_514, %mul3A_516 : vector<16xf32>
        %swap3A_518 = arith.index_cast %add3A_438 : i32 to index
        %swap3A_519 = arith.constant 96 : index
        %swap3A_520 = tpu.vector_load %arg8[%swap3A_518, %swap3A_519] {strides = array<i32>} : memref<128x128xf32, #tpu.memory_space<vmem>>, vector<1x16xf32>,
        %swap3A_521 = vector.shape_cast %swap3A_520 : vector<1x16xf32> to vector<16xf32>
        %swap3A_522 = vector.shape_cast %mul3A_517 : vector<16xf32> to vector<1x16xf32>
        tpu.vector_store %arg8[%swap3A_518, %swap3A_519], %swap3A_522 {strides = array<i32>} : memref<128x128xf32, #tpu.memory_space<vmem>>, vector<1x16xf32>,
        %get3A_523 = arith.index_cast %add3A_438 : i32 to index
        %get3A_524 = arith.constant 112 : index
        %get3A_525 = tpu.vector_load %arg8[%get3A_523, %get3A_524] {strides = array<i32>} : memref<128x128xf32, #tpu.memory_space<vmem>>, vector<1x16xf32>,
        %get3A_526 = vector.shape_cast %get3A_525 : vector<1x16xf32> to vector<16xf32>
        %mul3A_527 = arith.constant 11.3137083 : f32
        %mul3A_528 = vector.broadcast %mul3A_527 : f32 to vector<16xf32>
        %mul3A_529 = arith.mulf %get3A_526, %mul3A_528 : vector<16xf32>
        %swap3A_530 = arith.index_cast %add3A_438 : i32 to index
        %swap3A_531 = arith.constant 112 : index
        %swap3A_532 = tpu.vector_load %arg8[%swap3A_530, %swap3A_531] {strides = array<i32>} : memref<128x128xf32, #tpu.memory_space<vmem>>, vector<1x16xf32>,
        %swap3A_533 = vector.shape_cast %swap3A_532 : vector<1x16xf32> to vector<16xf32>
        %swap3A_534 = vector.shape_cast %mul3A_529 : vector<16xf32> to vector<1x16xf32>
        tpu.vector_store %arg8[%swap3A_530, %swap3A_531], %swap3A_534 {strides = array<i32>} : memref<128x128xf32, #tpu.memory_space<vmem>>, vector<1x16xf32>,
        %mul3A_535 = arith.constant 4 : i32
        %mul3A_536 = arith.muli %scan3A_236, %mul3A_535 : i32
        %add3A_537 = arith.constant 3 : i32
        %add3A_538 = arith.addi %mul3A_536, %add3A_537 : i32
        %get3A_539 = arith.index_cast %add3A_538 : i32 to index
        %get3A_540 = arith.constant 0 : index
        %get3A_541 = tpu.vector_load %arg8[%get3A_539, %get3A_540] {strides = array<i32>} : memref<128x128xf32, #tpu.memory_space<vmem>>, vector<1x16xf32>,
        %get3A_542 = vector.shape_cast %get3A_541 : vector<1x16xf32> to vector<16xf32>
        %mul3A_543 = arith.constant 11.3137083 : f32
        %mul3A_544 = vector.broadcast %mul3A_543 : f32 to vector<16xf32>
        %mul3A_545 = arith.mulf %get3A_542, %mul3A_544 : vector<16xf32>
        %swap3A_546 = arith.index_cast %add3A_538 : i32 to index
        %swap3A_547 = arith.constant 0 : index
        %swap3A_548 = tpu.vector_load %arg8[%swap3A_546, %swap3A_547] {strides = array<i32>} : memref<128x128xf32, #tpu.memory_space<vmem>>, vector<1x16xf32>,
        %swap3A_549 = vector.shape_cast %swap3A_548 : vector<1x16xf32> to vector<16xf32>
        %swap3A_550 = vector.shape_cast %mul3A_545 : vector<16xf32> to vector<1x16xf32>
        tpu.vector_store %arg8[%swap3A_546, %swap3A_547], %swap3A_550 {strides = array<i32>} : memref<128x128xf32, #tpu.memory_space<vmem>>, vector<1x16xf32>,
        %get3A_551 = arith.index_cast %add3A_538 : i32 to index
        %get3A_552 = arith.constant 16 : index
        %get3A_553 = tpu.vector_load %arg8[%get3A_551, %get3A_552] {strides = array<i32>} : memref<128x128xf32, #tpu.memory_space<vmem>>, vector<1x16xf32>,
        %get3A_554 = vector.shape_cast %get3A_553 : vector<1x16xf32> to vector<16xf32>
        %mul3A_555 = arith.constant 11.3137083 : f32
        %mul3A_556 = vector.broadcast %mul3A_555 : f32 to vector<16xf32>
        %mul3A_557 = arith.mulf %get3A_554, %mul3A_556 : vector<16xf32>
        %swap3A_558 = arith.index_cast %add3A_538 : i32 to index
        %swap3A_559 = arith.constant 16 : index
        %swap3A_560 = tpu.vector_load %arg8[%swap3A_558, %swap3A_559] {strides = array<i32>} : memref<128x128xf32, #tpu.memory_space<vmem>>, vector<1x16xf32>,
        %swap3A_561 = vector.shape_cast %swap3A_560 : vector<1x16xf32> to vector<16xf32>
        %swap3A_562 = vector.shape_cast %mul3A_557 : vector<16xf32> to vector<1x16xf32>
        tpu.vector_store %arg8[%swap3A_558, %swap3A_559], %swap3A_562 {strides = array<i32>} : memref<128x128xf32, #tpu.memory_space<vmem>>, vector<1x16xf32>,
        %get3A_563 = arith.index_cast %add3A_538 : i32 to index
        %get3A_564 = arith.constant 32 : index
        %get3A_565 = tpu.vector_load %arg8[%get3A_563, %get3A_564] {strides = array<i32>} : memref<128x128xf32, #tpu.memory_space<vmem>>, vector<1x16xf32>,
        %get3A_566 = vector.shape_cast %get3A_565 : vector<1x16xf32> to vector<16xf32>
        %mul3A_567 = arith.constant 11.3137083 : f32
        %mul3A_568 = vector.broadcast %mul3A_567 : f32 to vector<16xf32>
        %mul3A_569 = arith.mulf %get3A_566, %mul3A_568 : vector<16xf32>
        %swap3A_570 = arith.index_cast %add3A_538 : i32 to index
        %swap3A_571 = arith.constant 32 : index
        %swap3A_572 = tpu.vector_load %arg8[%swap3A_570, %swap3A_571] {strides = array<i32>} : memref<128x128xf32, #tpu.memory_space<vmem>>, vector<1x16xf32>,
        %swap3A_573 = vector.shape_cast %swap3A_572 : vector<1x16xf32> to vector<16xf32>
        %swap3A_574 = vector.shape_cast %mul3A_569 : vector<16xf32> to vector<1x16xf32>
        tpu.vector_store %arg8[%swap3A_570, %swap3A_571], %swap3A_574 {strides = array<i32>} : memref<128x128xf32, #tpu.memory_space<vmem>>, vector<1x16xf32>,
        %get3A_575 = arith.index_cast %add3A_538 : i32 to index
        %get3A_576 = arith.constant 48 : index
        %get3A_577 = tpu.vector_load %arg8[%get3A_575, %get3A_576] {strides = array<i32>} : memref<128x128xf32, #tpu.memory_space<vmem>>, vector<1x16xf32>,
        %get3A_578 = vector.shape_cast %get3A_577 : vector<1x16xf32> to vector<16xf32>
        %mul3A_579 = arith.constant 11.3137083 : f32
        %mul3A_580 = vector.broadcast %mul3A_579 : f32 to vector<16xf32>
        %mul3A_581 = arith.mulf %get3A_578, %mul3A_580 : vector<16xf32>
        %swap3A_582 = arith.index_cast %add3A_538 : i32 to index
        %swap3A_583 = arith.constant 48 : index
        %swap3A_584 = tpu.vector_load %arg8[%swap3A_582, %swap3A_583] {strides = array<i32>} : memref<128x128xf32, #tpu.memory_space<vmem>>, vector<1x16xf32>,
        %swap3A_585 = vector.shape_cast %swap3A_584 : vector<1x16xf32> to vector<16xf32>
        %swap3A_586 = vector.shape_cast %mul3A_581 : vector<16xf32> to vector<1x16xf32>
        tpu.vector_store %arg8[%swap3A_582, %swap3A_583], %swap3A_586 {strides = array<i32>} : memref<128x128xf32, #tpu.memory_space<vmem>>, vector<1x16xf32>,
        %get3A_587 = arith.index_cast %add3A_538 : i32 to index
        %get3A_588 = arith.constant 64 : index
        %get3A_589 = tpu.vector_load %arg8[%get3A_587, %get3A_588] {strides = array<i32>} : memref<128x128xf32, #tpu.memory_space<vmem>>, vector<1x16xf32>,
        %get3A_590 = vector.shape_cast %get3A_589 : vector<1x16xf32> to vector<16xf32>
        %mul3A_591 = arith.constant 11.3137083 : f32
        %mul3A_592 = vector.broadcast %mul3A_591 : f32 to vector<16xf32>
        %mul3A_593 = arith.mulf %get3A_590, %mul3A_592 : vector<16xf32>
        %swap3A_594 = arith.index_cast %add3A_538 : i32 to index
        %swap3A_595 = arith.constant 64 : index
        %swap3A_596 = tpu.vector_load %arg8[%swap3A_594, %swap3A_595] {strides = array<i32>} : memref<128x128xf32, #tpu.memory_space<vmem>>, vector<1x16xf32>,
        %swap3A_597 = vector.shape_cast %swap3A_596 : vector<1x16xf32> to vector<16xf32>
        %swap3A_598 = vector.shape_cast %mul3A_593 : vector<16xf32> to vector<1x16xf32>
        tpu.vector_store %arg8[%swap3A_594, %swap3A_595], %swap3A_598 {strides = array<i32>} : memref<128x128xf32, #tpu.memory_space<vmem>>, vector<1x16xf32>,
        %get3A_599 = arith.index_cast %add3A_538 : i32 to index
        %get3A_600 = arith.constant 80 : index
        %get3A_601 = tpu.vector_load %arg8[%get3A_599, %get3A_600] {strides = array<i32>} : memref<128x128xf32, #tpu.memory_space<vmem>>, vector<1x16xf32>,
        %get3A_602 = vector.shape_cast %get3A_601 : vector<1x16xf32> to vector<16xf32>
        %mul3A_603 = arith.constant 11.3137083 : f32
        %mul3A_604 = vector.broadcast %mul3A_603 : f32 to vector<16xf32>
        %mul3A_605 = arith.mulf %get3A_602, %mul3A_604 : vector<16xf32>
        %swap3A_606 = arith.index_cast %add3A_538 : i32 to index
        %swap3A_607 = arith.constant 80 : index
        %swap3A_608 = tpu.vector_load %arg8[%swap3A_606, %swap3A_607] {strides = array<i32>} : memref<128x128xf32, #tpu.memory_space<vmem>>, vector<1x16xf32>,
        %swap3A_609 = vector.shape_cast %swap3A_608 : vector<1x16xf32> to vector<16xf32>
        %swap3A_610 = vector.shape_cast %mul3A_605 : vector<16xf32> to vector<1x16xf32>
        tpu.vector_store %arg8[%swap3A_606, %swap3A_607], %swap3A_610 {strides = array<i32>} : memref<128x128xf32, #tpu.memory_space<vmem>>, vector<1x16xf32>,
        %get3A_611 = arith.index_cast %add3A_538 : i32 to index
        %get3A_612 = arith.constant 96 : index
        %get3A_613 = tpu.vector_load %arg8[%get3A_611, %get3A_612] {strides = array<i32>} : memref<128x128xf32, #tpu.memory_space<vmem>>, vector<1x16xf32>,
        %get3A_614 = vector.shape_cast %get3A_613 : vector<1x16xf32> to vector<16xf32>
        %mul3A_615 = arith.constant 11.3137083 : f32
        %mul3A_616 = vector.broadcast %mul3A_615 : f32 to vector<16xf32>
        %mul3A_617 = arith.mulf %get3A_614, %mul3A_616 : vector<16xf32>
        %swap3A_618 = arith.index_cast %add3A_538 : i32 to index
        %swap3A_619 = arith.constant 96 : index
        %swap3A_620 = tpu.vector_load %arg8[%swap3A_618, %swap3A_619] {strides = array<i32>} : memref<128x128xf32, #tpu.memory_space<vmem>>, vector<1x16xf32>,
        %swap3A_621 = vector.shape_cast %swap3A_620 : vector<1x16xf32> to vector<16xf32>
        %swap3A_622 = vector.shape_cast %mul3A_617 : vector<16xf32> to vector<1x16xf32>
        tpu.vector_store %arg8[%swap3A_618, %swap3A_619], %swap3A_622 {strides = array<i32>} : memref<128x128xf32, #tpu.memory_space<vmem>>, vector<1x16xf32>,
        %get3A_623 = arith.index_cast %add3A_538 : i32 to index
        %get3A_624 = arith.constant 112 : index
        %get3A_625 = tpu.vector_load %arg8[%get3A_623, %get3A_624] {strides = array<i32>} : memref<128x128xf32, #tpu.memory_space<vmem>>, vector<1x16xf32>,
        %get3A_626 = vector.shape_cast %get3A_625 : vector<1x16xf32> to vector<16xf32>
        %mul3A_627 = arith.constant 11.3137083 : f32
        %mul3A_628 = vector.broadcast %mul3A_627 : f32 to vector<16xf32>
        %mul3A_629 = arith.mulf %get3A_626, %mul3A_628 : vector<16xf32>
        %swap3A_630 = arith.index_cast %add3A_538 : i32 to index
        %swap3A_631 = arith.constant 112 : index
        %swap3A_632 = tpu.vector_load %arg8[%swap3A_630, %swap3A_631] {strides = array<i32>} : memref<128x128xf32, #tpu.memory_space<vmem>>, vector<1x16xf32>,
        %swap3A_633 = vector.shape_cast %swap3A_632 : vector<1x16xf32> to vector<16xf32>
        %swap3A_634 = vector.shape_cast %mul3A_629 : vector<16xf32> to vector<1x16xf32>
        tpu.vector_store %arg8[%swap3A_630, %swap3A_631], %swap3A_634 {strides = array<i32>} : memref<128x128xf32, #tpu.memory_space<vmem>>, vector<1x16xf32>,
      }
      %scan3A_144 = arith.constant 32 : i32
      %mul3A_145 = arith.constant 128 : i32
      %mul3A_146 = arith.muli %add3A_131, %mul3A_145 : i32
      %add3A_147 = arith.addi %mul3A_2, %mul3A_146 : i32
      %dma_start3A_148 = arith.constant 0 : i32
      %dma_start3A_149 = tpu.memref_slice %arg4[%add3A_147, %dma_start3A_148] : memref<204800x128xf32, #tpu.memory_space<hbm>> -> memref<128x128xf32, #tpu.memory_space<hbm>>
      %dma_start3A_150 = arith.constant 0 : i32
      %dma_start3A_151 = tpu.memref_slice %arg4[%add3A_147, %dma_start3A_150] : memref<204800x128xf32, #tpu.memory_space<hbm>> -> memref<128x128xf32, #tpu.memory_space<hbm>>
      tpu.enqueue_dma source(%arg8 : memref<128x128xf32, #tpu.memory_space<vmem>>) target(%dma_start3A_151 : memref<128x128xf32, #tpu.memory_space<hbm>>) target_semaphore(%arg18 : memref<!tpu.dma_semaphore, #tpu.memory_space<semaphore_mem>>)
      %add3A_152 = arith.constant 5 : i32
      %add3A_153 = arith.addi %add3A_131, %add3A_152 : i32
      %sub3A_154 = arith.constant 1 : i32
      %sub3A_155 = arith.subi %add3A_153, %sub3A_154 : i32
      %ge3A_156 = arith.constant 5 : i32
      %ge3A_157 = arith.cmpi sge, %sub3A_155, %ge3A_156 : i32
      %lt3A_158 = arith.constant 50 : i32
      %lt3A_159 = arith.cmpi slt, %sub3A_155, %lt3A_158 : i32
      %and3A_160 = arith.andi %ge3A_157, %lt3A_159 : i1
      %convert_element_type3A_161 = arith.extui %and3A_160 : i1 to i32
      %cond3A_162 = arith.constant 0 : i32
      %cond3A_163 = arith.cmpi ne, %convert_element_type3A_161, %cond3A_162 : i32
      scf.if %cond3A_163 {
        %dma_wait3A_236 = arith.constant 0 : i32
        %dma_wait3A_237 = tpu.memref_slice %arg4[%mul3A_2, %dma_wait3A_236] : memref<204800x128xf32, #tpu.memory_space<hbm>> -> memref<128x128xf32, #tpu.memory_space<hbm>>
        %dma_wait3A_238 = arith.constant 0 : i32
        %dma_wait3A_239 = tpu.memref_slice %arg4[%mul3A_2, %dma_wait3A_238] : memref<204800x128xf32, #tpu.memory_space<hbm>> -> memref<128x128xf32, #tpu.memory_space<hbm>>
        tpu.wait_dma2 semaphore(%arg17 : memref<!tpu.dma_semaphore, #tpu.memory_space<semaphore_mem>>) src(%arg7 : memref<128x128xf32, #tpu.memory_space<vmem>>) dst(%dma_wait3A_239 : memref<128x128xf32, #tpu.memory_space<hbm>>)
        %dma_start3A_240 = arith.constant 0 : i32
        %dma_start3A_241 = tpu.memref_slice %arg5[%sub3A_155, %dma_start3A_240] : memref<50x128xi32, #tpu.memory_space<vmem>> -> memref<1x128xi32, #tpu.memory_space<vmem>>
        %dma_start3A_242 = tpu.memref_squeeze %dma_start3A_241 : memref<1x128xi32, #tpu.memory_space<vmem>> -> memref<128xi32, #tpu.memory_space<vmem>>
        %dma_start3A_243 = arith.constant 0 : i32
        %dma_start3A_244 = arith.constant 0 : i32
        %dma_start3A_245 = tpu.memref_slice %arg3[%dma_start3A_243, %dma_start3A_244] : memref<100000x128xf32, #tpu.memory_space<hbm>> -> memref<100000x128xf32, #tpu.memory_space<hbm>>
        tpu.enqueue_indirect_dma source(%dma_start3A_245 : memref<100000x128xf32, #tpu.memory_space<hbm>>) target(%arg7 : memref<128x128xf32, #tpu.memory_space<vmem>>) offsets(%dma_start3A_242 : memref<128xi32, #tpu.memory_space<vmem>>) semaphore(%arg12 : memref<!tpu.dma_semaphore, #tpu.memory_space<semaphore_mem>>)
      } else {
      }
      %mul3A_164 = arith.constant 5 : i32
      %mul3A_165 = arith.muli %scan3A_61, %mul3A_164 : i32
      %add3A_166 = arith.constant 3 : i32
      %add3A_167 = arith.addi %mul3A_165, %add3A_166 : i32
      %dma_wait3A_168 = arith.constant 0 : i32
      %dma_wait3A_169 = arith.constant 0 : i32
      %dma_wait3A_170 = tpu.memref_slice %arg5[%dma_wait3A_168, %dma_wait3A_169] : memref<50x128xi32, #tpu.memory_space<vmem>> -> memref<1x128xi32, #tpu.memory_space<vmem>>
      %dma_wait3A_171 = tpu.memref_squeeze %dma_wait3A_170 : memref<1x128xi32, #tpu.memory_space<vmem>> -> memref<128xi32, #tpu.memory_space<vmem>>
      %dma_wait3A_172 = arith.constant 0 : i32
      %dma_wait3A_173 = arith.constant 0 : i32
      %dma_wait3A_174 = tpu.memref_slice %arg3[%dma_wait3A_172, %dma_wait3A_173] : memref<100000x128xf32, #tpu.memory_space<hbm>> -> memref<100000x128xf32, #tpu.memory_space<hbm>>
      tpu.wait_indirect_dma semaphore(%arg14 : memref<!tpu.dma_semaphore, #tpu.memory_space<semaphore_mem>>) src(%dma_wait3A_174 : memref<100000x128xf32, #tpu.memory_space<hbm>>) dst(%arg9 : memref<128x128xf32, #tpu.memory_space<vmem>>)
      %scan3A_175 = arith.constant 0 : i32
      %scan3A_176 = arith.constant 0 : i32
      %scan3A_177 = arith.constant 32 : i32
      %scan3A_178 = arith.addi %scan3A_176, %scan3A_177 : i32
      %scan3A_179 = arith.constant 1 : i32
      scf.for %scan3A_236 = %scan3A_176 to %scan3A_178 step %scan3A_179  : i32 {
        %mul3A_237 = arith.constant 4 : i32
        %mul3A_238 = arith.muli %scan3A_236, %mul3A_237 : i32
        %add3A_239 = arith.constant 0 : i32
        %add3A_240 = arith.addi %mul3A_238, %add3A_239 : i32
        %get3A = arith.index_cast %add3A_240 : i32 to index
        %get3A_241 = arith.constant 0 : index
        %get3A_242 = tpu.vector_load %arg9[%get3A, %get3A_241] {strides = array<i32>} : memref<128x128xf32, #tpu.memory_space<vmem>>, vector<1x16xf32>,
        %get3A_243 = vector.shape_cast %get3A_242 : vector<1x16xf32> to vector<16xf32>
        %mul3A_244 = arith.constant 11.3137083 : f32
        %mul3A_245 = vector.broadcast %mul3A_244 : f32 to vector<16xf32>
        %mul3A_246 = arith.mulf %get3A_243, %mul3A_245 : vector<16xf32>
        %swap3A = arith.index_cast %add3A_240 : i32 to index
        %swap3A_247 = arith.constant 0 : index
        %swap3A_248 = tpu.vector_load %arg9[%swap3A, %swap3A_247] {strides = array<i32>} : memref<128x128xf32, #tpu.memory_space<vmem>>, vector<1x16xf32>,
        %swap3A_249 = vector.shape_cast %swap3A_248 : vector<1x16xf32> to vector<16xf32>
        %swap3A_250 = vector.shape_cast %mul3A_246 : vector<16xf32> to vector<1x16xf32>
        tpu.vector_store %arg9[%swap3A, %swap3A_247], %swap3A_250 {strides = array<i32>} : memref<128x128xf32, #tpu.memory_space<vmem>>, vector<1x16xf32>,
        %get3A_251 = arith.index_cast %add3A_240 : i32 to index
        %get3A_252 = arith.constant 16 : index
        %get3A_253 = tpu.vector_load %arg9[%get3A_251, %get3A_252] {strides = array<i32>} : memref<128x128xf32, #tpu.memory_space<vmem>>, vector<1x16xf32>,
        %get3A_254 = vector.shape_cast %get3A_253 : vector<1x16xf32> to vector<16xf32>
        %mul3A_255 = arith.constant 11.3137083 : f32
        %mul3A_256 = vector.broadcast %mul3A_255 : f32 to vector<16xf32>
        %mul3A_257 = arith.mulf %get3A_254, %mul3A_256 : vector<16xf32>
        %swap3A_258 = arith.index_cast %add3A_240 : i32 to index
        %swap3A_259 = arith.constant 16 : index
        %swap3A_260 = tpu.vector_load %arg9[%swap3A_258, %swap3A_259] {strides = array<i32>} : memref<128x128xf32, #tpu.memory_space<vmem>>, vector<1x16xf32>,
        %swap3A_261 = vector.shape_cast %swap3A_260 : vector<1x16xf32> to vector<16xf32>
        %swap3A_262 = vector.shape_cast %mul3A_257 : vector<16xf32> to vector<1x16xf32>
        tpu.vector_store %arg9[%swap3A_258, %swap3A_259], %swap3A_262 {strides = array<i32>} : memref<128x128xf32, #tpu.memory_space<vmem>>, vector<1x16xf32>,
        %get3A_263 = arith.index_cast %add3A_240 : i32 to index
        %get3A_264 = arith.constant 32 : index
        %get3A_265 = tpu.vector_load %arg9[%get3A_263, %get3A_264] {strides = array<i32>} : memref<128x128xf32, #tpu.memory_space<vmem>>, vector<1x16xf32>,
        %get3A_266 = vector.shape_cast %get3A_265 : vector<1x16xf32> to vector<16xf32>
        %mul3A_267 = arith.constant 11.3137083 : f32
        %mul3A_268 = vector.broadcast %mul3A_267 : f32 to vector<16xf32>
        %mul3A_269 = arith.mulf %get3A_266, %mul3A_268 : vector<16xf32>
        %swap3A_270 = arith.index_cast %add3A_240 : i32 to index
        %swap3A_271 = arith.constant 32 : index
        %swap3A_272 = tpu.vector_load %arg9[%swap3A_270, %swap3A_271] {strides = array<i32>} : memref<128x128xf32, #tpu.memory_space<vmem>>, vector<1x16xf32>,
        %swap3A_273 = vector.shape_cast %swap3A_272 : vector<1x16xf32> to vector<16xf32>
        %swap3A_274 = vector.shape_cast %mul3A_269 : vector<16xf32> to vector<1x16xf32>
        tpu.vector_store %arg9[%swap3A_270, %swap3A_271], %swap3A_274 {strides = array<i32>} : memref<128x128xf32, #tpu.memory_space<vmem>>, vector<1x16xf32>,
        %get3A_275 = arith.index_cast %add3A_240 : i32 to index
        %get3A_276 = arith.constant 48 : index
        %get3A_277 = tpu.vector_load %arg9[%get3A_275, %get3A_276] {strides = array<i32>} : memref<128x128xf32, #tpu.memory_space<vmem>>, vector<1x16xf32>,
        %get3A_278 = vector.shape_cast %get3A_277 : vector<1x16xf32> to vector<16xf32>
        %mul3A_279 = arith.constant 11.3137083 : f32
        %mul3A_280 = vector.broadcast %mul3A_279 : f32 to vector<16xf32>
        %mul3A_281 = arith.mulf %get3A_278, %mul3A_280 : vector<16xf32>
        %swap3A_282 = arith.index_cast %add3A_240 : i32 to index
        %swap3A_283 = arith.constant 48 : index
        %swap3A_284 = tpu.vector_load %arg9[%swap3A_282, %swap3A_283] {strides = array<i32>} : memref<128x128xf32, #tpu.memory_space<vmem>>, vector<1x16xf32>,
        %swap3A_285 = vector.shape_cast %swap3A_284 : vector<1x16xf32> to vector<16xf32>
        %swap3A_286 = vector.shape_cast %mul3A_281 : vector<16xf32> to vector<1x16xf32>
        tpu.vector_store %arg9[%swap3A_282, %swap3A_283], %swap3A_286 {strides = array<i32>} : memref<128x128xf32, #tpu.memory_space<vmem>>, vector<1x16xf32>,
        %get3A_287 = arith.index_cast %add3A_240 : i32 to index
        %get3A_288 = arith.constant 64 : index
        %get3A_289 = tpu.vector_load %arg9[%get3A_287, %get3A_288] {strides = array<i32>} : memref<128x128xf32, #tpu.memory_space<vmem>>, vector<1x16xf32>,
        %get3A_290 = vector.shape_cast %get3A_289 : vector<1x16xf32> to vector<16xf32>
        %mul3A_291 = arith.constant 11.3137083 : f32
        %mul3A_292 = vector.broadcast %mul3A_291 : f32 to vector<16xf32>
        %mul3A_293 = arith.mulf %get3A_290, %mul3A_292 : vector<16xf32>
        %swap3A_294 = arith.index_cast %add3A_240 : i32 to index
        %swap3A_295 = arith.constant 64 : index
        %swap3A_296 = tpu.vector_load %arg9[%swap3A_294, %swap3A_295] {strides = array<i32>} : memref<128x128xf32, #tpu.memory_space<vmem>>, vector<1x16xf32>,
        %swap3A_297 = vector.shape_cast %swap3A_296 : vector<1x16xf32> to vector<16xf32>
        %swap3A_298 = vector.shape_cast %mul3A_293 : vector<16xf32> to vector<1x16xf32>
        tpu.vector_store %arg9[%swap3A_294, %swap3A_295], %swap3A_298 {strides = array<i32>} : memref<128x128xf32, #tpu.memory_space<vmem>>, vector<1x16xf32>,
        %get3A_299 = arith.index_cast %add3A_240 : i32 to index
        %get3A_300 = arith.constant 80 : index
        %get3A_301 = tpu.vector_load %arg9[%get3A_299, %get3A_300] {strides = array<i32>} : memref<128x128xf32, #tpu.memory_space<vmem>>, vector<1x16xf32>,
        %get3A_302 = vector.shape_cast %get3A_301 : vector<1x16xf32> to vector<16xf32>
        %mul3A_303 = arith.constant 11.3137083 : f32
        %mul3A_304 = vector.broadcast %mul3A_303 : f32 to vector<16xf32>
        %mul3A_305 = arith.mulf %get3A_302, %mul3A_304 : vector<16xf32>
        %swap3A_306 = arith.index_cast %add3A_240 : i32 to index
        %swap3A_307 = arith.constant 80 : index
        %swap3A_308 = tpu.vector_load %arg9[%swap3A_306, %swap3A_307] {strides = array<i32>} : memref<128x128xf32, #tpu.memory_space<vmem>>, vector<1x16xf32>,
        %swap3A_309 = vector.shape_cast %swap3A_308 : vector<1x16xf32> to vector<16xf32>
        %swap3A_310 = vector.shape_cast %mul3A_305 : vector<16xf32> to vector<1x16xf32>
        tpu.vector_store %arg9[%swap3A_306, %swap3A_307], %swap3A_310 {strides = array<i32>} : memref<128x128xf32, #tpu.memory_space<vmem>>, vector<1x16xf32>,
        %get3A_311 = arith.index_cast %add3A_240 : i32 to index
        %get3A_312 = arith.constant 96 : index
        %get3A_313 = tpu.vector_load %arg9[%get3A_311, %get3A_312] {strides = array<i32>} : memref<128x128xf32, #tpu.memory_space<vmem>>, vector<1x16xf32>,
        %get3A_314 = vector.shape_cast %get3A_313 : vector<1x16xf32> to vector<16xf32>
        %mul3A_315 = arith.constant 11.3137083 : f32
        %mul3A_316 = vector.broadcast %mul3A_315 : f32 to vector<16xf32>
        %mul3A_317 = arith.mulf %get3A_314, %mul3A_316 : vector<16xf32>
        %swap3A_318 = arith.index_cast %add3A_240 : i32 to index
        %swap3A_319 = arith.constant 96 : index
        %swap3A_320 = tpu.vector_load %arg9[%swap3A_318, %swap3A_319] {strides = array<i32>} : memref<128x128xf32, #tpu.memory_space<vmem>>, vector<1x16xf32>,
        %swap3A_321 = vector.shape_cast %swap3A_320 : vector<1x16xf32> to vector<16xf32>
        %swap3A_322 = vector.shape_cast %mul3A_317 : vector<16xf32> to vector<1x16xf32>
        tpu.vector_store %arg9[%swap3A_318, %swap3A_319], %swap3A_322 {strides = array<i32>} : memref<128x128xf32, #tpu.memory_space<vmem>>, vector<1x16xf32>,
        %get3A_323 = arith.index_cast %add3A_240 : i32 to index
        %get3A_324 = arith.constant 112 : index
        %get3A_325 = tpu.vector_load %arg9[%get3A_323, %get3A_324] {strides = array<i32>} : memref<128x128xf32, #tpu.memory_space<vmem>>, vector<1x16xf32>,
        %get3A_326 = vector.shape_cast %get3A_325 : vector<1x16xf32> to vector<16xf32>
        %mul3A_327 = arith.constant 11.3137083 : f32
        %mul3A_328 = vector.broadcast %mul3A_327 : f32 to vector<16xf32>
        %mul3A_329 = arith.mulf %get3A_326, %mul3A_328 : vector<16xf32>
        %swap3A_330 = arith.index_cast %add3A_240 : i32 to index
        %swap3A_331 = arith.constant 112 : index
        %swap3A_332 = tpu.vector_load %arg9[%swap3A_330, %swap3A_331] {strides = array<i32>} : memref<128x128xf32, #tpu.memory_space<vmem>>, vector<1x16xf32>,
        %swap3A_333 = vector.shape_cast %swap3A_332 : vector<1x16xf32> to vector<16xf32>
        %swap3A_334 = vector.shape_cast %mul3A_329 : vector<16xf32> to vector<1x16xf32>
        tpu.vector_store %arg9[%swap3A_330, %swap3A_331], %swap3A_334 {strides = array<i32>} : memref<128x128xf32, #tpu.memory_space<vmem>>, vector<1x16xf32>,
        %mul3A_335 = arith.constant 4 : i32
        %mul3A_336 = arith.muli %scan3A_236, %mul3A_335 : i32
        %add3A_337 = arith.constant 1 : i32
        %add3A_338 = arith.addi %mul3A_336, %add3A_337 : i32
        %get3A_339 = arith.index_cast %add3A_338 : i32 to index
        %get3A_340 = arith.constant 0 : index
        %get3A_341 = tpu.vector_load %arg9[%get3A_339, %get3A_340] {strides = array<i32>} : memref<128x128xf32, #tpu.memory_space<vmem>>, vector<1x16xf32>,
        %get3A_342 = vector.shape_cast %get3A_341 : vector<1x16xf32> to vector<16xf32>
        %mul3A_343 = arith.constant 11.3137083 : f32
        %mul3A_344 = vector.broadcast %mul3A_343 : f32 to vector<16xf32>
        %mul3A_345 = arith.mulf %get3A_342, %mul3A_344 : vector<16xf32>
        %swap3A_346 = arith.index_cast %add3A_338 : i32 to index
        %swap3A_347 = arith.constant 0 : index
        %swap3A_348 = tpu.vector_load %arg9[%swap3A_346, %swap3A_347] {strides = array<i32>} : memref<128x128xf32, #tpu.memory_space<vmem>>, vector<1x16xf32>,
        %swap3A_349 = vector.shape_cast %swap3A_348 : vector<1x16xf32> to vector<16xf32>
        %swap3A_350 = vector.shape_cast %mul3A_345 : vector<16xf32> to vector<1x16xf32>
        tpu.vector_store %arg9[%swap3A_346, %swap3A_347], %swap3A_350 {strides = array<i32>} : memref<128x128xf32, #tpu.memory_space<vmem>>, vector<1x16xf32>,
        %get3A_351 = arith.index_cast %add3A_338 : i32 to index
        %get3A_352 = arith.constant 16 : index
        %get3A_353 = tpu.vector_load %arg9[%get3A_351, %get3A_352] {strides = array<i32>} : memref<128x128xf32, #tpu.memory_space<vmem>>, vector<1x16xf32>,
        %get3A_354 = vector.shape_cast %get3A_353 : vector<1x16xf32> to vector<16xf32>
        %mul3A_355 = arith.constant 11.3137083 : f32
        %mul3A_356 = vector.broadcast %mul3A_355 : f32 to vector<16xf32>
        %mul3A_357 = arith.mulf %get3A_354, %mul3A_356 : vector<16xf32>
        %swap3A_358 = arith.index_cast %add3A_338 : i32 to index
        %swap3A_359 = arith.constant 16 : index
        %swap3A_360 = tpu.vector_load %arg9[%swap3A_358, %swap3A_359] {strides = array<i32>} : memref<128x128xf32, #tpu.memory_space<vmem>>, vector<1x16xf32>,
        %swap3A_361 = vector.shape_cast %swap3A_360 : vector<1x16xf32> to vector<16xf32>
        %swap3A_362 = vector.shape_cast %mul3A_357 : vector<16xf32> to vector<1x16xf32>
        tpu.vector_store %arg9[%swap3A_358, %swap3A_359], %swap3A_362 {strides = array<i32>} : memref<128x128xf32, #tpu.memory_space<vmem>>, vector<1x16xf32>,
        %get3A_363 = arith.index_cast %add3A_338 : i32 to index
        %get3A_364 = arith.constant 32 : index
        %get3A_365 = tpu.vector_load %arg9[%get3A_363, %get3A_364] {strides = array<i32>} : memref<128x128xf32, #tpu.memory_space<vmem>>, vector<1x16xf32>,
        %get3A_366 = vector.shape_cast %get3A_365 : vector<1x16xf32> to vector<16xf32>
        %mul3A_367 = arith.constant 11.3137083 : f32
        %mul3A_368 = vector.broadcast %mul3A_367 : f32 to vector<16xf32>
        %mul3A_369 = arith.mulf %get3A_366, %mul3A_368 : vector<16xf32>
        %swap3A_370 = arith.index_cast %add3A_338 : i32 to index
        %swap3A_371 = arith.constant 32 : index
        %swap3A_372 = tpu.vector_load %arg9[%swap3A_370, %swap3A_371] {strides = array<i32>} : memref<128x128xf32, #tpu.memory_space<vmem>>, vector<1x16xf32>,
        %swap3A_373 = vector.shape_cast %swap3A_372 : vector<1x16xf32> to vector<16xf32>
        %swap3A_374 = vector.shape_cast %mul3A_369 : vector<16xf32> to vector<1x16xf32>
        tpu.vector_store %arg9[%swap3A_370, %swap3A_371], %swap3A_374 {strides = array<i32>} : memref<128x128xf32, #tpu.memory_space<vmem>>, vector<1x16xf32>,
        %get3A_375 = arith.index_cast %add3A_338 : i32 to index
        %get3A_376 = arith.constant 48 : index
        %get3A_377 = tpu.vector_load %arg9[%get3A_375, %get3A_376] {strides = array<i32>} : memref<128x128xf32, #tpu.memory_space<vmem>>, vector<1x16xf32>,
        %get3A_378 = vector.shape_cast %get3A_377 : vector<1x16xf32> to vector<16xf32>
        %mul3A_379 = arith.constant 11.3137083 : f32
        %mul3A_380 = vector.broadcast %mul3A_379 : f32 to vector<16xf32>
        %mul3A_381 = arith.mulf %get3A_378, %mul3A_380 : vector<16xf32>
        %swap3A_382 = arith.index_cast %add3A_338 : i32 to index
        %swap3A_383 = arith.constant 48 : index
        %swap3A_384 = tpu.vector_load %arg9[%swap3A_382, %swap3A_383] {strides = array<i32>} : memref<128x128xf32, #tpu.memory_space<vmem>>, vector<1x16xf32>,
        %swap3A_385 = vector.shape_cast %swap3A_384 : vector<1x16xf32> to vector<16xf32>
        %swap3A_386 = vector.shape_cast %mul3A_381 : vector<16xf32> to vector<1x16xf32>
        tpu.vector_store %arg9[%swap3A_382, %swap3A_383], %swap3A_386 {strides = array<i32>} : memref<128x128xf32, #tpu.memory_space<vmem>>, vector<1x16xf32>,
        %get3A_387 = arith.index_cast %add3A_338 : i32 to index
        %get3A_388 = arith.constant 64 : index
        %get3A_389 = tpu.vector_load %arg9[%get3A_387, %get3A_388] {strides = array<i32>} : memref<128x128xf32, #tpu.memory_space<vmem>>, vector<1x16xf32>,
        %get3A_390 = vector.shape_cast %get3A_389 : vector<1x16xf32> to vector<16xf32>
        %mul3A_391 = arith.constant 11.3137083 : f32
        %mul3A_392 = vector.broadcast %mul3A_391 : f32 to vector<16xf32>
        %mul3A_393 = arith.mulf %get3A_390, %mul3A_392 : vector<16xf32>
        %swap3A_394 = arith.index_cast %add3A_338 : i32 to index
        %swap3A_395 = arith.constant 64 : index
        %swap3A_396 = tpu.vector_load %arg9[%swap3A_394, %swap3A_395] {strides = array<i32>} : memref<128x128xf32, #tpu.memory_space<vmem>>, vector<1x16xf32>,
        %swap3A_397 = vector.shape_cast %swap3A_396 : vector<1x16xf32> to vector<16xf32>
        %swap3A_398 = vector.shape_cast %mul3A_393 : vector<16xf32> to vector<1x16xf32>
        tpu.vector_store %arg9[%swap3A_394, %swap3A_395], %swap3A_398 {strides = array<i32>} : memref<128x128xf32, #tpu.memory_space<vmem>>, vector<1x16xf32>,
        %get3A_399 = arith.index_cast %add3A_338 : i32 to index
        %get3A_400 = arith.constant 80 : index
        %get3A_401 = tpu.vector_load %arg9[%get3A_399, %get3A_400] {strides = array<i32>} : memref<128x128xf32, #tpu.memory_space<vmem>>, vector<1x16xf32>,
        %get3A_402 = vector.shape_cast %get3A_401 : vector<1x16xf32> to vector<16xf32>
        %mul3A_403 = arith.constant 11.3137083 : f32
        %mul3A_404 = vector.broadcast %mul3A_403 : f32 to vector<16xf32>
        %mul3A_405 = arith.mulf %get3A_402, %mul3A_404 : vector<16xf32>
        %swap3A_406 = arith.index_cast %add3A_338 : i32 to index
        %swap3A_407 = arith.constant 80 : index
        %swap3A_408 = tpu.vector_load %arg9[%swap3A_406, %swap3A_407] {strides = array<i32>} : memref<128x128xf32, #tpu.memory_space<vmem>>, vector<1x16xf32>,
        %swap3A_409 = vector.shape_cast %swap3A_408 : vector<1x16xf32> to vector<16xf32>
        %swap3A_410 = vector.shape_cast %mul3A_405 : vector<16xf32> to vector<1x16xf32>
        tpu.vector_store %arg9[%swap3A_406, %swap3A_407], %swap3A_410 {strides = array<i32>} : memref<128x128xf32, #tpu.memory_space<vmem>>, vector<1x16xf32>,
        %get3A_411 = arith.index_cast %add3A_338 : i32 to index
        %get3A_412 = arith.constant 96 : index
        %get3A_413 = tpu.vector_load %arg9[%get3A_411, %get3A_412] {strides = array<i32>} : memref<128x128xf32, #tpu.memory_space<vmem>>, vector<1x16xf32>,
        %get3A_414 = vector.shape_cast %get3A_413 : vector<1x16xf32> to vector<16xf32>
        %mul3A_415 = arith.constant 11.3137083 : f32
        %mul3A_416 = vector.broadcast %mul3A_415 : f32 to vector<16xf32>
        %mul3A_417 = arith.mulf %get3A_414, %mul3A_416 : vector<16xf32>
        %swap3A_418 = arith.index_cast %add3A_338 : i32 to index
        %swap3A_419 = arith.constant 96 : index
        %swap3A_420 = tpu.vector_load %arg9[%swap3A_418, %swap3A_419] {strides = array<i32>} : memref<128x128xf32, #tpu.memory_space<vmem>>, vector<1x16xf32>,
        %swap3A_421 = vector.shape_cast %swap3A_420 : vector<1x16xf32> to vector<16xf32>
        %swap3A_422 = vector.shape_cast %mul3A_417 : vector<16xf32> to vector<1x16xf32>
        tpu.vector_store %arg9[%swap3A_418, %swap3A_419], %swap3A_422 {strides = array<i32>} : memref<128x128xf32, #tpu.memory_space<vmem>>, vector<1x16xf32>,
        %get3A_423 = arith.index_cast %add3A_338 : i32 to index
        %get3A_424 = arith.constant 112 : index
        %get3A_425 = tpu.vector_load %arg9[%get3A_423, %get3A_424] {strides = array<i32>} : memref<128x128xf32, #tpu.memory_space<vmem>>, vector<1x16xf32>,
        %get3A_426 = vector.shape_cast %get3A_425 : vector<1x16xf32> to vector<16xf32>
        %mul3A_427 = arith.constant 11.3137083 : f32
        %mul3A_428 = vector.broadcast %mul3A_427 : f32 to vector<16xf32>
        %mul3A_429 = arith.mulf %get3A_426, %mul3A_428 : vector<16xf32>
        %swap3A_430 = arith.index_cast %add3A_338 : i32 to index
        %swap3A_431 = arith.constant 112 : index
        %swap3A_432 = tpu.vector_load %arg9[%swap3A_430, %swap3A_431] {strides = array<i32>} : memref<128x128xf32, #tpu.memory_space<vmem>>, vector<1x16xf32>,
        %swap3A_433 = vector.shape_cast %swap3A_432 : vector<1x16xf32> to vector<16xf32>
        %swap3A_434 = vector.shape_cast %mul3A_429 : vector<16xf32> to vector<1x16xf32>
        tpu.vector_store %arg9[%swap3A_430, %swap3A_431], %swap3A_434 {strides = array<i32>} : memref<128x128xf32, #tpu.memory_space<vmem>>, vector<1x16xf32>,
        %mul3A_435 = arith.constant 4 : i32
        %mul3A_436 = arith.muli %scan3A_236, %mul3A_435 : i32
        %add3A_437 = arith.constant 2 : i32
        %add3A_438 = arith.addi %mul3A_436, %add3A_437 : i32
        %get3A_439 = arith.index_cast %add3A_438 : i32 to index
        %get3A_440 = arith.constant 0 : index
        %get3A_441 = tpu.vector_load %arg9[%get3A_439, %get3A_440] {strides = array<i32>} : memref<128x128xf32, #tpu.memory_space<vmem>>, vector<1x16xf32>,
        %get3A_442 = vector.shape_cast %get3A_441 : vector<1x16xf32> to vector<16xf32>
        %mul3A_443 = arith.constant 11.3137083 : f32
        %mul3A_444 = vector.broadcast %mul3A_443 : f32 to vector<16xf32>
        %mul3A_445 = arith.mulf %get3A_442, %mul3A_444 : vector<16xf32>
        %swap3A_446 = arith.index_cast %add3A_438 : i32 to index
        %swap3A_447 = arith.constant 0 : index
        %swap3A_448 = tpu.vector_load %arg9[%swap3A_446, %swap3A_447] {strides = array<i32>} : memref<128x128xf32, #tpu.memory_space<vmem>>, vector<1x16xf32>,
        %swap3A_449 = vector.shape_cast %swap3A_448 : vector<1x16xf32> to vector<16xf32>
        %swap3A_450 = vector.shape_cast %mul3A_445 : vector<16xf32> to vector<1x16xf32>
        tpu.vector_store %arg9[%swap3A_446, %swap3A_447], %swap3A_450 {strides = array<i32>} : memref<128x128xf32, #tpu.memory_space<vmem>>, vector<1x16xf32>,
        %get3A_451 = arith.index_cast %add3A_438 : i32 to index
        %get3A_452 = arith.constant 16 : index
        %get3A_453 = tpu.vector_load %arg9[%get3A_451, %get3A_452] {strides = array<i32>} : memref<128x128xf32, #tpu.memory_space<vmem>>, vector<1x16xf32>,
        %get3A_454 = vector.shape_cast %get3A_453 : vector<1x16xf32> to vector<16xf32>
        %mul3A_455 = arith.constant 11.3137083 : f32
        %mul3A_456 = vector.broadcast %mul3A_455 : f32 to vector<16xf32>
        %mul3A_457 = arith.mulf %get3A_454, %mul3A_456 : vector<16xf32>
        %swap3A_458 = arith.index_cast %add3A_438 : i32 to index
        %swap3A_459 = arith.constant 16 : index
        %swap3A_460 = tpu.vector_load %arg9[%swap3A_458, %swap3A_459] {strides = array<i32>} : memref<128x128xf32, #tpu.memory_space<vmem>>, vector<1x16xf32>,
        %swap3A_461 = vector.shape_cast %swap3A_460 : vector<1x16xf32> to vector<16xf32>
        %swap3A_462 = vector.shape_cast %mul3A_457 : vector<16xf32> to vector<1x16xf32>
        tpu.vector_store %arg9[%swap3A_458, %swap3A_459], %swap3A_462 {strides = array<i32>} : memref<128x128xf32, #tpu.memory_space<vmem>>, vector<1x16xf32>,
        %get3A_463 = arith.index_cast %add3A_438 : i32 to index
        %get3A_464 = arith.constant 32 : index
        %get3A_465 = tpu.vector_load %arg9[%get3A_463, %get3A_464] {strides = array<i32>} : memref<128x128xf32, #tpu.memory_space<vmem>>, vector<1x16xf32>,
        %get3A_466 = vector.shape_cast %get3A_465 : vector<1x16xf32> to vector<16xf32>
        %mul3A_467 = arith.constant 11.3137083 : f32
        %mul3A_468 = vector.broadcast %mul3A_467 : f32 to vector<16xf32>
        %mul3A_469 = arith.mulf %get3A_466, %mul3A_468 : vector<16xf32>
        %swap3A_470 = arith.index_cast %add3A_438 : i32 to index
        %swap3A_471 = arith.constant 32 : index
        %swap3A_472 = tpu.vector_load %arg9[%swap3A_470, %swap3A_471] {strides = array<i32>} : memref<128x128xf32, #tpu.memory_space<vmem>>, vector<1x16xf32>,
        %swap3A_473 = vector.shape_cast %swap3A_472 : vector<1x16xf32> to vector<16xf32>
        %swap3A_474 = vector.shape_cast %mul3A_469 : vector<16xf32> to vector<1x16xf32>
        tpu.vector_store %arg9[%swap3A_470, %swap3A_471], %swap3A_474 {strides = array<i32>} : memref<128x128xf32, #tpu.memory_space<vmem>>, vector<1x16xf32>,
        %get3A_475 = arith.index_cast %add3A_438 : i32 to index
        %get3A_476 = arith.constant 48 : index
        %get3A_477 = tpu.vector_load %arg9[%get3A_475, %get3A_476] {strides = array<i32>} : memref<128x128xf32, #tpu.memory_space<vmem>>, vector<1x16xf32>,
        %get3A_478 = vector.shape_cast %get3A_477 : vector<1x16xf32> to vector<16xf32>
        %mul3A_479 = arith.constant 11.3137083 : f32
        %mul3A_480 = vector.broadcast %mul3A_479 : f32 to vector<16xf32>
        %mul3A_481 = arith.mulf %get3A_478, %mul3A_480 : vector<16xf32>
        %swap3A_482 = arith.index_cast %add3A_438 : i32 to index
        %swap3A_483 = arith.constant 48 : index
        %swap3A_484 = tpu.vector_load %arg9[%swap3A_482, %swap3A_483] {strides = array<i32>} : memref<128x128xf32, #tpu.memory_space<vmem>>, vector<1x16xf32>,
        %swap3A_485 = vector.shape_cast %swap3A_484 : vector<1x16xf32> to vector<16xf32>
        %swap3A_486 = vector.shape_cast %mul3A_481 : vector<16xf32> to vector<1x16xf32>
        tpu.vector_store %arg9[%swap3A_482, %swap3A_483], %swap3A_486 {strides = array<i32>} : memref<128x128xf32, #tpu.memory_space<vmem>>, vector<1x16xf32>,
        %get3A_487 = arith.index_cast %add3A_438 : i32 to index
        %get3A_488 = arith.constant 64 : index
        %get3A_489 = tpu.vector_load %arg9[%get3A_487, %get3A_488] {strides = array<i32>} : memref<128x128xf32, #tpu.memory_space<vmem>>, vector<1x16xf32>,
        %get3A_490 = vector.shape_cast %get3A_489 : vector<1x16xf32> to vector<16xf32>
        %mul3A_491 = arith.constant 11.3137083 : f32
        %mul3A_492 = vector.broadcast %mul3A_491 : f32 to vector<16xf32>
        %mul3A_493 = arith.mulf %get3A_490, %mul3A_492 : vector<16xf32>
        %swap3A_494 = arith.index_cast %add3A_438 : i32 to index
        %swap3A_495 = arith.constant 64 : index
        %swap3A_496 = tpu.vector_load %arg9[%swap3A_494, %swap3A_495] {strides = array<i32>} : memref<128x128xf32, #tpu.memory_space<vmem>>, vector<1x16xf32>,
        %swap3A_497 = vector.shape_cast %swap3A_496 : vector<1x16xf32> to vector<16xf32>
        %swap3A_498 = vector.shape_cast %mul3A_493 : vector<16xf32> to vector<1x16xf32>
        tpu.vector_store %arg9[%swap3A_494, %swap3A_495], %swap3A_498 {strides = array<i32>} : memref<128x128xf32, #tpu.memory_space<vmem>>, vector<1x16xf32>,
        %get3A_499 = arith.index_cast %add3A_438 : i32 to index
        %get3A_500 = arith.constant 80 : index
        %get3A_501 = tpu.vector_load %arg9[%get3A_499, %get3A_500] {strides = array<i32>} : memref<128x128xf32, #tpu.memory_space<vmem>>, vector<1x16xf32>,
        %get3A_502 = vector.shape_cast %get3A_501 : vector<1x16xf32> to vector<16xf32>
        %mul3A_503 = arith.constant 11.3137083 : f32
        %mul3A_504 = vector.broadcast %mul3A_503 : f32 to vector<16xf32>
        %mul3A_505 = arith.mulf %get3A_502, %mul3A_504 : vector<16xf32>
        %swap3A_506 = arith.index_cast %add3A_438 : i32 to index
        %swap3A_507 = arith.constant 80 : index
        %swap3A_508 = tpu.vector_load %arg9[%swap3A_506, %swap3A_507] {strides = array<i32>} : memref<128x128xf32, #tpu.memory_space<vmem>>, vector<1x16xf32>,
        %swap3A_509 = vector.shape_cast %swap3A_508 : vector<1x16xf32> to vector<16xf32>
        %swap3A_510 = vector.shape_cast %mul3A_505 : vector<16xf32> to vector<1x16xf32>
        tpu.vector_store %arg9[%swap3A_506, %swap3A_507], %swap3A_510 {strides = array<i32>} : memref<128x128xf32, #tpu.memory_space<vmem>>, vector<1x16xf32>,
        %get3A_511 = arith.index_cast %add3A_438 : i32 to index
        %get3A_512 = arith.constant 96 : index
        %get3A_513 = tpu.vector_load %arg9[%get3A_511, %get3A_512] {strides = array<i32>} : memref<128x128xf32, #tpu.memory_space<vmem>>, vector<1x16xf32>,
        %get3A_514 = vector.shape_cast %get3A_513 : vector<1x16xf32> to vector<16xf32>
        %mul3A_515 = arith.constant 11.3137083 : f32
        %mul3A_516 = vector.broadcast %mul3A_515 : f32 to vector<16xf32>
        %mul3A_517 = arith.mulf %get3A_514, %mul3A_516 : vector<16xf32>
        %swap3A_518 = arith.index_cast %add3A_438 : i32 to index
        %swap3A_519 = arith.constant 96 : index
        %swap3A_520 = tpu.vector_load %arg9[%swap3A_518, %swap3A_519] {strides = array<i32>} : memref<128x128xf32, #tpu.memory_space<vmem>>, vector<1x16xf32>,
        %swap3A_521 = vector.shape_cast %swap3A_520 : vector<1x16xf32> to vector<16xf32>
        %swap3A_522 = vector.shape_cast %mul3A_517 : vector<16xf32> to vector<1x16xf32>
        tpu.vector_store %arg9[%swap3A_518, %swap3A_519], %swap3A_522 {strides = array<i32>} : memref<128x128xf32, #tpu.memory_space<vmem>>, vector<1x16xf32>,
        %get3A_523 = arith.index_cast %add3A_438 : i32 to index
        %get3A_524 = arith.constant 112 : index
        %get3A_525 = tpu.vector_load %arg9[%get3A_523, %get3A_524] {strides = array<i32>} : memref<128x128xf32, #tpu.memory_space<vmem>>, vector<1x16xf32>,
        %get3A_526 = vector.shape_cast %get3A_525 : vector<1x16xf32> to vector<16xf32>
        %mul3A_527 = arith.constant 11.3137083 : f32
        %mul3A_528 = vector.broadcast %mul3A_527 : f32 to vector<16xf32>
        %mul3A_529 = arith.mulf %get3A_526, %mul3A_528 : vector<16xf32>
        %swap3A_530 = arith.index_cast %add3A_438 : i32 to index
        %swap3A_531 = arith.constant 112 : index
        %swap3A_532 = tpu.vector_load %arg9[%swap3A_530, %swap3A_531] {strides = array<i32>} : memref<128x128xf32, #tpu.memory_space<vmem>>, vector<1x16xf32>,
        %swap3A_533 = vector.shape_cast %swap3A_532 : vector<1x16xf32> to vector<16xf32>
        %swap3A_534 = vector.shape_cast %mul3A_529 : vector<16xf32> to vector<1x16xf32>
        tpu.vector_store %arg9[%swap3A_530, %swap3A_531], %swap3A_534 {strides = array<i32>} : memref<128x128xf32, #tpu.memory_space<vmem>>, vector<1x16xf32>,
        %mul3A_535 = arith.constant 4 : i32
        %mul3A_536 = arith.muli %scan3A_236, %mul3A_535 : i32
        %add3A_537 = arith.constant 3 : i32
        %add3A_538 = arith.addi %mul3A_536, %add3A_537 : i32
        %get3A_539 = arith.index_cast %add3A_538 : i32 to index
        %get3A_540 = arith.constant 0 : index
        %get3A_541 = tpu.vector_load %arg9[%get3A_539, %get3A_540] {strides = array<i32>} : memref<128x128xf32, #tpu.memory_space<vmem>>, vector<1x16xf32>,
        %get3A_542 = vector.shape_cast %get3A_541 : vector<1x16xf32> to vector<16xf32>
        %mul3A_543 = arith.constant 11.3137083 : f32
        %mul3A_544 = vector.broadcast %mul3A_543 : f32 to vector<16xf32>
        %mul3A_545 = arith.mulf %get3A_542, %mul3A_544 : vector<16xf32>
        %swap3A_546 = arith.index_cast %add3A_538 : i32 to index
        %swap3A_547 = arith.constant 0 : index
        %swap3A_548 = tpu.vector_load %arg9[%swap3A_546, %swap3A_547] {strides = array<i32>} : memref<128x128xf32, #tpu.memory_space<vmem>>, vector<1x16xf32>,
        %swap3A_549 = vector.shape_cast %swap3A_548 : vector<1x16xf32> to vector<16xf32>
        %swap3A_550 = vector.shape_cast %mul3A_545 : vector<16xf32> to vector<1x16xf32>
        tpu.vector_store %arg9[%swap3A_546, %swap3A_547], %swap3A_550 {strides = array<i32>} : memref<128x128xf32, #tpu.memory_space<vmem>>, vector<1x16xf32>,
        %get3A_551 = arith.index_cast %add3A_538 : i32 to index
        %get3A_552 = arith.constant 16 : index
        %get3A_553 = tpu.vector_load %arg9[%get3A_551, %get3A_552] {strides = array<i32>} : memref<128x128xf32, #tpu.memory_space<vmem>>, vector<1x16xf32>,
        %get3A_554 = vector.shape_cast %get3A_553 : vector<1x16xf32> to vector<16xf32>
        %mul3A_555 = arith.constant 11.3137083 : f32
        %mul3A_556 = vector.broadcast %mul3A_555 : f32 to vector<16xf32>
        %mul3A_557 = arith.mulf %get3A_554, %mul3A_556 : vector<16xf32>
        %swap3A_558 = arith.index_cast %add3A_538 : i32 to index
        %swap3A_559 = arith.constant 16 : index
        %swap3A_560 = tpu.vector_load %arg9[%swap3A_558, %swap3A_559] {strides = array<i32>} : memref<128x128xf32, #tpu.memory_space<vmem>>, vector<1x16xf32>,
        %swap3A_561 = vector.shape_cast %swap3A_560 : vector<1x16xf32> to vector<16xf32>
        %swap3A_562 = vector.shape_cast %mul3A_557 : vector<16xf32> to vector<1x16xf32>
        tpu.vector_store %arg9[%swap3A_558, %swap3A_559], %swap3A_562 {strides = array<i32>} : memref<128x128xf32, #tpu.memory_space<vmem>>, vector<1x16xf32>,
        %get3A_563 = arith.index_cast %add3A_538 : i32 to index
        %get3A_564 = arith.constant 32 : index
        %get3A_565 = tpu.vector_load %arg9[%get3A_563, %get3A_564] {strides = array<i32>} : memref<128x128xf32, #tpu.memory_space<vmem>>, vector<1x16xf32>,
        %get3A_566 = vector.shape_cast %get3A_565 : vector<1x16xf32> to vector<16xf32>
        %mul3A_567 = arith.constant 11.3137083 : f32
        %mul3A_568 = vector.broadcast %mul3A_567 : f32 to vector<16xf32>
        %mul3A_569 = arith.mulf %get3A_566, %mul3A_568 : vector<16xf32>
        %swap3A_570 = arith.index_cast %add3A_538 : i32 to index
        %swap3A_571 = arith.constant 32 : index
        %swap3A_572 = tpu.vector_load %arg9[%swap3A_570, %swap3A_571] {strides = array<i32>} : memref<128x128xf32, #tpu.memory_space<vmem>>, vector<1x16xf32>,
        %swap3A_573 = vector.shape_cast %swap3A_572 : vector<1x16xf32> to vector<16xf32>
        %swap3A_574 = vector.shape_cast %mul3A_569 : vector<16xf32> to vector<1x16xf32>
        tpu.vector_store %arg9[%swap3A_570, %swap3A_571], %swap3A_574 {strides = array<i32>} : memref<128x128xf32, #tpu.memory_space<vmem>>, vector<1x16xf32>,
        %get3A_575 = arith.index_cast %add3A_538 : i32 to index
        %get3A_576 = arith.constant 48 : index
        %get3A_577 = tpu.vector_load %arg9[%get3A_575, %get3A_576] {strides = array<i32>} : memref<128x128xf32, #tpu.memory_space<vmem>>, vector<1x16xf32>,
        %get3A_578 = vector.shape_cast %get3A_577 : vector<1x16xf32> to vector<16xf32>
        %mul3A_579 = arith.constant 11.3137083 : f32
        %mul3A_580 = vector.broadcast %mul3A_579 : f32 to vector<16xf32>
        %mul3A_581 = arith.mulf %get3A_578, %mul3A_580 : vector<16xf32>
        %swap3A_582 = arith.index_cast %add3A_538 : i32 to index
        %swap3A_583 = arith.constant 48 : index
        %swap3A_584 = tpu.vector_load %arg9[%swap3A_582, %swap3A_583] {strides = array<i32>} : memref<128x128xf32, #tpu.memory_space<vmem>>, vector<1x16xf32>,
        %swap3A_585 = vector.shape_cast %swap3A_584 : vector<1x16xf32> to vector<16xf32>
        %swap3A_586 = vector.shape_cast %mul3A_581 : vector<16xf32> to vector<1x16xf32>
        tpu.vector_store %arg9[%swap3A_582, %swap3A_583], %swap3A_586 {strides = array<i32>} : memref<128x128xf32, #tpu.memory_space<vmem>>, vector<1x16xf32>,
        %get3A_587 = arith.index_cast %add3A_538 : i32 to index
        %get3A_588 = arith.constant 64 : index
        %get3A_589 = tpu.vector_load %arg9[%get3A_587, %get3A_588] {strides = array<i32>} : memref<128x128xf32, #tpu.memory_space<vmem>>, vector<1x16xf32>,
        %get3A_590 = vector.shape_cast %get3A_589 : vector<1x16xf32> to vector<16xf32>
        %mul3A_591 = arith.constant 11.3137083 : f32
        %mul3A_592 = vector.broadcast %mul3A_591 : f32 to vector<16xf32>
        %mul3A_593 = arith.mulf %get3A_590, %mul3A_592 : vector<16xf32>
        %swap3A_594 = arith.index_cast %add3A_538 : i32 to index
        %swap3A_595 = arith.constant 64 : index
        %swap3A_596 = tpu.vector_load %arg9[%swap3A_594, %swap3A_595] {strides = array<i32>} : memref<128x128xf32, #tpu.memory_space<vmem>>, vector<1x16xf32>,
        %swap3A_597 = vector.shape_cast %swap3A_596 : vector<1x16xf32> to vector<16xf32>
        %swap3A_598 = vector.shape_cast %mul3A_593 : vector<16xf32> to vector<1x16xf32>
        tpu.vector_store %arg9[%swap3A_594, %swap3A_595], %swap3A_598 {strides = array<i32>} : memref<128x128xf32, #tpu.memory_space<vmem>>, vector<1x16xf32>,
        %get3A_599 = arith.index_cast %add3A_538 : i32 to index
        %get3A_600 = arith.constant 80 : index
        %get3A_601 = tpu.vector_load %arg9[%get3A_599, %get3A_600] {strides = array<i32>} : memref<128x128xf32, #tpu.memory_space<vmem>>, vector<1x16xf32>,
        %get3A_602 = vector.shape_cast %get3A_601 : vector<1x16xf32> to vector<16xf32>
        %mul3A_603 = arith.constant 11.3137083 : f32
        %mul3A_604 = vector.broadcast %mul3A_603 : f32 to vector<16xf32>
        %mul3A_605 = arith.mulf %get3A_602, %mul3A_604 : vector<16xf32>
        %swap3A_606 = arith.index_cast %add3A_538 : i32 to index
        %swap3A_607 = arith.constant 80 : index
        %swap3A_608 = tpu.vector_load %arg9[%swap3A_606, %swap3A_607] {strides = array<i32>} : memref<128x128xf32, #tpu.memory_space<vmem>>, vector<1x16xf32>,
        %swap3A_609 = vector.shape_cast %swap3A_608 : vector<1x16xf32> to vector<16xf32>
        %swap3A_610 = vector.shape_cast %mul3A_605 : vector<16xf32> to vector<1x16xf32>
        tpu.vector_store %arg9[%swap3A_606, %swap3A_607], %swap3A_610 {strides = array<i32>} : memref<128x128xf32, #tpu.memory_space<vmem>>, vector<1x16xf32>,
        %get3A_611 = arith.index_cast %add3A_538 : i32 to index
        %get3A_612 = arith.constant 96 : index
        %get3A_613 = tpu.vector_load %arg9[%get3A_611, %get3A_612] {strides = array<i32>} : memref<128x128xf32, #tpu.memory_space<vmem>>, vector<1x16xf32>,
        %get3A_614 = vector.shape_cast %get3A_613 : vector<1x16xf32> to vector<16xf32>
        %mul3A_615 = arith.constant 11.3137083 : f32
        %mul3A_616 = vector.broadcast %mul3A_615 : f32 to vector<16xf32>
        %mul3A_617 = arith.mulf %get3A_614, %mul3A_616 : vector<16xf32>
        %swap3A_618 = arith.index_cast %add3A_538 : i32 to index
        %swap3A_619 = arith.constant 96 : index
        %swap3A_620 = tpu.vector_load %arg9[%swap3A_618, %swap3A_619] {strides = array<i32>} : memref<128x128xf32, #tpu.memory_space<vmem>>, vector<1x16xf32>,
        %swap3A_621 = vector.shape_cast %swap3A_620 : vector<1x16xf32> to vector<16xf32>
        %swap3A_622 = vector.shape_cast %mul3A_617 : vector<16xf32> to vector<1x16xf32>
        tpu.vector_store %arg9[%swap3A_618, %swap3A_619], %swap3A_622 {strides = array<i32>} : memref<128x128xf32, #tpu.memory_space<vmem>>, vector<1x16xf32>,
        %get3A_623 = arith.index_cast %add3A_538 : i32 to index
        %get3A_624 = arith.constant 112 : index
        %get3A_625 = tpu.vector_load %arg9[%get3A_623, %get3A_624] {strides = array<i32>} : memref<128x128xf32, #tpu.memory_space<vmem>>, vector<1x16xf32>,
        %get3A_626 = vector.shape_cast %get3A_625 : vector<1x16xf32> to vector<16xf32>
        %mul3A_627 = arith.constant 11.3137083 : f32
        %mul3A_628 = vector.broadcast %mul3A_627 : f32 to vector<16xf32>
        %mul3A_629 = arith.mulf %get3A_626, %mul3A_628 : vector<16xf32>
        %swap3A_630 = arith.index_cast %add3A_538 : i32 to index
        %swap3A_631 = arith.constant 112 : index
        %swap3A_632 = tpu.vector_load %arg9[%swap3A_630, %swap3A_631] {strides = array<i32>} : memref<128x128xf32, #tpu.memory_space<vmem>>, vector<1x16xf32>,
        %swap3A_633 = vector.shape_cast %swap3A_632 : vector<1x16xf32> to vector<16xf32>
        %swap3A_634 = vector.shape_cast %mul3A_629 : vector<16xf32> to vector<1x16xf32>
        tpu.vector_store %arg9[%swap3A_630, %swap3A_631], %swap3A_634 {strides = array<i32>} : memref<128x128xf32, #tpu.memory_space<vmem>>, vector<1x16xf32>,
      }
      %scan3A_180 = arith.constant 32 : i32
      %mul3A_181 = arith.constant 128 : i32
      %mul3A_182 = arith.muli %add3A_167, %mul3A_181 : i32
      %add3A_183 = arith.addi %mul3A_2, %mul3A_182 : i32
      %dma_start3A_184 = arith.constant 0 : i32
      %dma_start3A_185 = tpu.memref_slice %arg4[%add3A_183, %dma_start3A_184] : memref<204800x128xf32, #tpu.memory_space<hbm>> -> memref<128x128xf32, #tpu.memory_space<hbm>>
      %dma_start3A_186 = arith.constant 0 : i32
      %dma_start3A_187 = tpu.memref_slice %arg4[%add3A_183, %dma_start3A_186] : memref<204800x128xf32, #tpu.memory_space<hbm>> -> memref<128x128xf32, #tpu.memory_space<hbm>>
      tpu.enqueue_dma source(%arg9 : memref<128x128xf32, #tpu.memory_space<vmem>>) target(%dma_start3A_187 : memref<128x128xf32, #tpu.memory_space<hbm>>) target_semaphore(%arg19 : memref<!tpu.dma_semaphore, #tpu.memory_space<semaphore_mem>>)
      %add3A_188 = arith.constant 5 : i32
      %add3A_189 = arith.addi %add3A_167, %add3A_188 : i32
      %sub3A_190 = arith.constant 1 : i32
      %sub3A_191 = arith.subi %add3A_189, %sub3A_190 : i32
      %ge3A_192 = arith.constant 5 : i32
      %ge3A_193 = arith.cmpi sge, %sub3A_191, %ge3A_192 : i32
      %lt3A_194 = arith.constant 50 : i32
      %lt3A_195 = arith.cmpi slt, %sub3A_191, %lt3A_194 : i32
      %and3A_196 = arith.andi %ge3A_193, %lt3A_195 : i1
      %convert_element_type3A_197 = arith.extui %and3A_196 : i1 to i32
      %cond3A_198 = arith.constant 0 : i32
      %cond3A_199 = arith.cmpi ne, %convert_element_type3A_197, %cond3A_198 : i32
      scf.if %cond3A_199 {
        %dma_wait3A_236 = arith.constant 0 : i32
        %dma_wait3A_237 = tpu.memref_slice %arg4[%mul3A_2, %dma_wait3A_236] : memref<204800x128xf32, #tpu.memory_space<hbm>> -> memref<128x128xf32, #tpu.memory_space<hbm>>
        %dma_wait3A_238 = arith.constant 0 : i32
        %dma_wait3A_239 = tpu.memref_slice %arg4[%mul3A_2, %dma_wait3A_238] : memref<204800x128xf32, #tpu.memory_space<hbm>> -> memref<128x128xf32, #tpu.memory_space<hbm>>
        tpu.wait_dma2 semaphore(%arg18 : memref<!tpu.dma_semaphore, #tpu.memory_space<semaphore_mem>>) src(%arg8 : memref<128x128xf32, #tpu.memory_space<vmem>>) dst(%dma_wait3A_239 : memref<128x128xf32, #tpu.memory_space<hbm>>)
        %dma_start3A_240 = arith.constant 0 : i32
        %dma_start3A_241 = tpu.memref_slice %arg5[%sub3A_191, %dma_start3A_240] : memref<50x128xi32, #tpu.memory_space<vmem>> -> memref<1x128xi32, #tpu.memory_space<vmem>>
        %dma_start3A_242 = tpu.memref_squeeze %dma_start3A_241 : memref<1x128xi32, #tpu.memory_space<vmem>> -> memref<128xi32, #tpu.memory_space<vmem>>
        %dma_start3A_243 = arith.constant 0 : i32
        %dma_start3A_244 = arith.constant 0 : i32
        %dma_start3A_245 = tpu.memref_slice %arg3[%dma_start3A_243, %dma_start3A_244] : memref<100000x128xf32, #tpu.memory_space<hbm>> -> memref<100000x128xf32, #tpu.memory_space<hbm>>
        tpu.enqueue_indirect_dma source(%dma_start3A_245 : memref<100000x128xf32, #tpu.memory_space<hbm>>) target(%arg8 : memref<128x128xf32, #tpu.memory_space<vmem>>) offsets(%dma_start3A_242 : memref<128xi32, #tpu.memory_space<vmem>>) semaphore(%arg13 : memref<!tpu.dma_semaphore, #tpu.memory_space<semaphore_mem>>)
      } else {
      }
      %mul3A_200 = arith.constant 5 : i32
      %mul3A_201 = arith.muli %scan3A_61, %mul3A_200 : i32
      %add3A_202 = arith.constant 4 : i32
      %add3A_203 = arith.addi %mul3A_201, %add3A_202 : i32
      %dma_wait3A_204 = arith.constant 0 : i32
      %dma_wait3A_205 = arith.constant 0 : i32
      %dma_wait3A_206 = tpu.memref_slice %arg5[%dma_wait3A_204, %dma_wait3A_205] : memref<50x128xi32, #tpu.memory_space<vmem>> -> memref<1x128xi32, #tpu.memory_space<vmem>>
      %dma_wait3A_207 = tpu.memref_squeeze %dma_wait3A_206 : memref<1x128xi32, #tpu.memory_space<vmem>> -> memref<128xi32, #tpu.memory_space<vmem>>
      %dma_wait3A_208 = arith.constant 0 : i32
      %dma_wait3A_209 = arith.constant 0 : i32
      %dma_wait3A_210 = tpu.memref_slice %arg3[%dma_wait3A_208, %dma_wait3A_209] : memref<100000x128xf32, #tpu.memory_space<hbm>> -> memref<100000x128xf32, #tpu.memory_space<hbm>>
      tpu.wait_indirect_dma semaphore(%arg15 : memref<!tpu.dma_semaphore, #tpu.memory_space<semaphore_mem>>) src(%dma_wait3A_210 : memref<100000x128xf32, #tpu.memory_space<hbm>>) dst(%arg10 : memref<128x128xf32, #tpu.memory_space<vmem>>)
      %scan3A_211 = arith.constant 0 : i32
      %scan3A_212 = arith.constant 0 : i32
      %scan3A_213 = arith.constant 32 : i32
      %scan3A_214 = arith.addi %scan3A_212, %scan3A_213 : i32
      %scan3A_215 = arith.constant 1 : i32
      scf.for %scan3A_236 = %scan3A_212 to %scan3A_214 step %scan3A_215  : i32 {
        %mul3A_237 = arith.constant 4 : i32
        %mul3A_238 = arith.muli %scan3A_236, %mul3A_237 : i32
        %add3A_239 = arith.constant 0 : i32
        %add3A_240 = arith.addi %mul3A_238, %add3A_239 : i32
        %get3A = arith.index_cast %add3A_240 : i32 to index
        %get3A_241 = arith.constant 0 : index
        %get3A_242 = tpu.vector_load %arg10[%get3A, %get3A_241] {strides = array<i32>} : memref<128x128xf32, #tpu.memory_space<vmem>>, vector<1x16xf32>,
        %get3A_243 = vector.shape_cast %get3A_242 : vector<1x16xf32> to vector<16xf32>
        %mul3A_244 = arith.constant 11.3137083 : f32
        %mul3A_245 = vector.broadcast %mul3A_244 : f32 to vector<16xf32>
        %mul3A_246 = arith.mulf %get3A_243, %mul3A_245 : vector<16xf32>
        %swap3A = arith.index_cast %add3A_240 : i32 to index
        %swap3A_247 = arith.constant 0 : index
        %swap3A_248 = tpu.vector_load %arg10[%swap3A, %swap3A_247] {strides = array<i32>} : memref<128x128xf32, #tpu.memory_space<vmem>>, vector<1x16xf32>,
        %swap3A_249 = vector.shape_cast %swap3A_248 : vector<1x16xf32> to vector<16xf32>
        %swap3A_250 = vector.shape_cast %mul3A_246 : vector<16xf32> to vector<1x16xf32>
        tpu.vector_store %arg10[%swap3A, %swap3A_247], %swap3A_250 {strides = array<i32>} : memref<128x128xf32, #tpu.memory_space<vmem>>, vector<1x16xf32>,
        %get3A_251 = arith.index_cast %add3A_240 : i32 to index
        %get3A_252 = arith.constant 16 : index
        %get3A_253 = tpu.vector_load %arg10[%get3A_251, %get3A_252] {strides = array<i32>} : memref<128x128xf32, #tpu.memory_space<vmem>>, vector<1x16xf32>,
        %get3A_254 = vector.shape_cast %get3A_253 : vector<1x16xf32> to vector<16xf32>
        %mul3A_255 = arith.constant 11.3137083 : f32
        %mul3A_256 = vector.broadcast %mul3A_255 : f32 to vector<16xf32>
        %mul3A_257 = arith.mulf %get3A_254, %mul3A_256 : vector<16xf32>
        %swap3A_258 = arith.index_cast %add3A_240 : i32 to index
        %swap3A_259 = arith.constant 16 : index
        %swap3A_260 = tpu.vector_load %arg10[%swap3A_258, %swap3A_259] {strides = array<i32>} : memref<128x128xf32, #tpu.memory_space<vmem>>, vector<1x16xf32>,
        %swap3A_261 = vector.shape_cast %swap3A_260 : vector<1x16xf32> to vector<16xf32>
        %swap3A_262 = vector.shape_cast %mul3A_257 : vector<16xf32> to vector<1x16xf32>
        tpu.vector_store %arg10[%swap3A_258, %swap3A_259], %swap3A_262 {strides = array<i32>} : memref<128x128xf32, #tpu.memory_space<vmem>>, vector<1x16xf32>,
        %get3A_263 = arith.index_cast %add3A_240 : i32 to index
        %get3A_264 = arith.constant 32 : index
        %get3A_265 = tpu.vector_load %arg10[%get3A_263, %get3A_264] {strides = array<i32>} : memref<128x128xf32, #tpu.memory_space<vmem>>, vector<1x16xf32>,
        %get3A_266 = vector.shape_cast %get3A_265 : vector<1x16xf32> to vector<16xf32>
        %mul3A_267 = arith.constant 11.3137083 : f32
        %mul3A_268 = vector.broadcast %mul3A_267 : f32 to vector<16xf32>
        %mul3A_269 = arith.mulf %get3A_266, %mul3A_268 : vector<16xf32>
        %swap3A_270 = arith.index_cast %add3A_240 : i32 to index
        %swap3A_271 = arith.constant 32 : index
        %swap3A_272 = tpu.vector_load %arg10[%swap3A_270, %swap3A_271] {strides = array<i32>} : memref<128x128xf32, #tpu.memory_space<vmem>>, vector<1x16xf32>,
        %swap3A_273 = vector.shape_cast %swap3A_272 : vector<1x16xf32> to vector<16xf32>
        %swap3A_274 = vector.shape_cast %mul3A_269 : vector<16xf32> to vector<1x16xf32>
        tpu.vector_store %arg10[%swap3A_270, %swap3A_271], %swap3A_274 {strides = array<i32>} : memref<128x128xf32, #tpu.memory_space<vmem>>, vector<1x16xf32>,
        %get3A_275 = arith.index_cast %add3A_240 : i32 to index
        %get3A_276 = arith.constant 48 : index
        %get3A_277 = tpu.vector_load %arg10[%get3A_275, %get3A_276] {strides = array<i32>} : memref<128x128xf32, #tpu.memory_space<vmem>>, vector<1x16xf32>,
        %get3A_278 = vector.shape_cast %get3A_277 : vector<1x16xf32> to vector<16xf32>
        %mul3A_279 = arith.constant 11.3137083 : f32
        %mul3A_280 = vector.broadcast %mul3A_279 : f32 to vector<16xf32>
        %mul3A_281 = arith.mulf %get3A_278, %mul3A_280 : vector<16xf32>
        %swap3A_282 = arith.index_cast %add3A_240 : i32 to index
        %swap3A_283 = arith.constant 48 : index
        %swap3A_284 = tpu.vector_load %arg10[%swap3A_282, %swap3A_283] {strides = array<i32>} : memref<128x128xf32, #tpu.memory_space<vmem>>, vector<1x16xf32>,
        %swap3A_285 = vector.shape_cast %swap3A_284 : vector<1x16xf32> to vector<16xf32>
        %swap3A_286 = vector.shape_cast %mul3A_281 : vector<16xf32> to vector<1x16xf32>
        tpu.vector_store %arg10[%swap3A_282, %swap3A_283], %swap3A_286 {strides = array<i32>} : memref<128x128xf32, #tpu.memory_space<vmem>>, vector<1x16xf32>,
        %get3A_287 = arith.index_cast %add3A_240 : i32 to index
        %get3A_288 = arith.constant 64 : index
        %get3A_289 = tpu.vector_load %arg10[%get3A_287, %get3A_288] {strides = array<i32>} : memref<128x128xf32, #tpu.memory_space<vmem>>, vector<1x16xf32>,
        %get3A_290 = vector.shape_cast %get3A_289 : vector<1x16xf32> to vector<16xf32>
        %mul3A_291 = arith.constant 11.3137083 : f32
        %mul3A_292 = vector.broadcast %mul3A_291 : f32 to vector<16xf32>
        %mul3A_293 = arith.mulf %get3A_290, %mul3A_292 : vector<16xf32>
        %swap3A_294 = arith.index_cast %add3A_240 : i32 to index
        %swap3A_295 = arith.constant 64 : index
        %swap3A_296 = tpu.vector_load %arg10[%swap3A_294, %swap3A_295] {strides = array<i32>} : memref<128x128xf32, #tpu.memory_space<vmem>>, vector<1x16xf32>,
        %swap3A_297 = vector.shape_cast %swap3A_296 : vector<1x16xf32> to vector<16xf32>
        %swap3A_298 = vector.shape_cast %mul3A_293 : vector<16xf32> to vector<1x16xf32>
        tpu.vector_store %arg10[%swap3A_294, %swap3A_295], %swap3A_298 {strides = array<i32>} : memref<128x128xf32, #tpu.memory_space<vmem>>, vector<1x16xf32>,
        %get3A_299 = arith.index_cast %add3A_240 : i32 to index
        %get3A_300 = arith.constant 80 : index
        %get3A_301 = tpu.vector_load %arg10[%get3A_299, %get3A_300] {strides = array<i32>} : memref<128x128xf32, #tpu.memory_space<vmem>>, vector<1x16xf32>,
        %get3A_302 = vector.shape_cast %get3A_301 : vector<1x16xf32> to vector<16xf32>
        %mul3A_303 = arith.constant 11.3137083 : f32
        %mul3A_304 = vector.broadcast %mul3A_303 : f32 to vector<16xf32>
        %mul3A_305 = arith.mulf %get3A_302, %mul3A_304 : vector<16xf32>
        %swap3A_306 = arith.index_cast %add3A_240 : i32 to index
        %swap3A_307 = arith.constant 80 : index
        %swap3A_308 = tpu.vector_load %arg10[%swap3A_306, %swap3A_307] {strides = array<i32>} : memref<128x128xf32, #tpu.memory_space<vmem>>, vector<1x16xf32>,
        %swap3A_309 = vector.shape_cast %swap3A_308 : vector<1x16xf32> to vector<16xf32>
        %swap3A_310 = vector.shape_cast %mul3A_305 : vector<16xf32> to vector<1x16xf32>
        tpu.vector_store %arg10[%swap3A_306, %swap3A_307], %swap3A_310 {strides = array<i32>} : memref<128x128xf32, #tpu.memory_space<vmem>>, vector<1x16xf32>,
        %get3A_311 = arith.index_cast %add3A_240 : i32 to index
        %get3A_312 = arith.constant 96 : index
        %get3A_313 = tpu.vector_load %arg10[%get3A_311, %get3A_312] {strides = array<i32>} : memref<128x128xf32, #tpu.memory_space<vmem>>, vector<1x16xf32>,
        %get3A_314 = vector.shape_cast %get3A_313 : vector<1x16xf32> to vector<16xf32>
        %mul3A_315 = arith.constant 11.3137083 : f32
        %mul3A_316 = vector.broadcast %mul3A_315 : f32 to vector<16xf32>
        %mul3A_317 = arith.mulf %get3A_314, %mul3A_316 : vector<16xf32>
        %swap3A_318 = arith.index_cast %add3A_240 : i32 to index
        %swap3A_319 = arith.constant 96 : index
        %swap3A_320 = tpu.vector_load %arg10[%swap3A_318, %swap3A_319] {strides = array<i32>} : memref<128x128xf32, #tpu.memory_space<vmem>>, vector<1x16xf32>,
        %swap3A_321 = vector.shape_cast %swap3A_320 : vector<1x16xf32> to vector<16xf32>
        %swap3A_322 = vector.shape_cast %mul3A_317 : vector<16xf32> to vector<1x16xf32>
        tpu.vector_store %arg10[%swap3A_318, %swap3A_319], %swap3A_322 {strides = array<i32>} : memref<128x128xf32, #tpu.memory_space<vmem>>, vector<1x16xf32>,
        %get3A_323 = arith.index_cast %add3A_240 : i32 to index
        %get3A_324 = arith.constant 112 : index
        %get3A_325 = tpu.vector_load %arg10[%get3A_323, %get3A_324] {strides = array<i32>} : memref<128x128xf32, #tpu.memory_space<vmem>>, vector<1x16xf32>,
        %get3A_326 = vector.shape_cast %get3A_325 : vector<1x16xf32> to vector<16xf32>
        %mul3A_327 = arith.constant 11.3137083 : f32
        %mul3A_328 = vector.broadcast %mul3A_327 : f32 to vector<16xf32>
        %mul3A_329 = arith.mulf %get3A_326, %mul3A_328 : vector<16xf32>
        %swap3A_330 = arith.index_cast %add3A_240 : i32 to index
        %swap3A_331 = arith.constant 112 : index
        %swap3A_332 = tpu.vector_load %arg10[%swap3A_330, %swap3A_331] {strides = array<i32>} : memref<128x128xf32, #tpu.memory_space<vmem>>, vector<1x16xf32>,
        %swap3A_333 = vector.shape_cast %swap3A_332 : vector<1x16xf32> to vector<16xf32>
        %swap3A_334 = vector.shape_cast %mul3A_329 : vector<16xf32> to vector<1x16xf32>
        tpu.vector_store %arg10[%swap3A_330, %swap3A_331], %swap3A_334 {strides = array<i32>} : memref<128x128xf32, #tpu.memory_space<vmem>>, vector<1x16xf32>,
        %mul3A_335 = arith.constant 4 : i32
        %mul3A_336 = arith.muli %scan3A_236, %mul3A_335 : i32
        %add3A_337 = arith.constant 1 : i32
        %add3A_338 = arith.addi %mul3A_336, %add3A_337 : i32
        %get3A_339 = arith.index_cast %add3A_338 : i32 to index
        %get3A_340 = arith.constant 0 : index
        %get3A_341 = tpu.vector_load %arg10[%get3A_339, %get3A_340] {strides = array<i32>} : memref<128x128xf32, #tpu.memory_space<vmem>>, vector<1x16xf32>,
        %get3A_342 = vector.shape_cast %get3A_341 : vector<1x16xf32> to vector<16xf32>
        %mul3A_343 = arith.constant 11.3137083 : f32
        %mul3A_344 = vector.broadcast %mul3A_343 : f32 to vector<16xf32>
        %mul3A_345 = arith.mulf %get3A_342, %mul3A_344 : vector<16xf32>
        %swap3A_346 = arith.index_cast %add3A_338 : i32 to index
        %swap3A_347 = arith.constant 0 : index
        %swap3A_348 = tpu.vector_load %arg10[%swap3A_346, %swap3A_347] {strides = array<i32>} : memref<128x128xf32, #tpu.memory_space<vmem>>, vector<1x16xf32>,
        %swap3A_349 = vector.shape_cast %swap3A_348 : vector<1x16xf32> to vector<16xf32>
        %swap3A_350 = vector.shape_cast %mul3A_345 : vector<16xf32> to vector<1x16xf32>
        tpu.vector_store %arg10[%swap3A_346, %swap3A_347], %swap3A_350 {strides = array<i32>} : memref<128x128xf32, #tpu.memory_space<vmem>>, vector<1x16xf32>,
        %get3A_351 = arith.index_cast %add3A_338 : i32 to index
        %get3A_352 = arith.constant 16 : index
        %get3A_353 = tpu.vector_load %arg10[%get3A_351, %get3A_352] {strides = array<i32>} : memref<128x128xf32, #tpu.memory_space<vmem>>, vector<1x16xf32>,
        %get3A_354 = vector.shape_cast %get3A_353 : vector<1x16xf32> to vector<16xf32>
        %mul3A_355 = arith.constant 11.3137083 : f32
        %mul3A_356 = vector.broadcast %mul3A_355 : f32 to vector<16xf32>
        %mul3A_357 = arith.mulf %get3A_354, %mul3A_356 : vector<16xf32>
        %swap3A_358 = arith.index_cast %add3A_338 : i32 to index
        %swap3A_359 = arith.constant 16 : index
        %swap3A_360 = tpu.vector_load %arg10[%swap3A_358, %swap3A_359] {strides = array<i32>} : memref<128x128xf32, #tpu.memory_space<vmem>>, vector<1x16xf32>,
        %swap3A_361 = vector.shape_cast %swap3A_360 : vector<1x16xf32> to vector<16xf32>
        %swap3A_362 = vector.shape_cast %mul3A_357 : vector<16xf32> to vector<1x16xf32>
        tpu.vector_store %arg10[%swap3A_358, %swap3A_359], %swap3A_362 {strides = array<i32>} : memref<128x128xf32, #tpu.memory_space<vmem>>, vector<1x16xf32>,
        %get3A_363 = arith.index_cast %add3A_338 : i32 to index
        %get3A_364 = arith.constant 32 : index
        %get3A_365 = tpu.vector_load %arg10[%get3A_363, %get3A_364] {strides = array<i32>} : memref<128x128xf32, #tpu.memory_space<vmem>>, vector<1x16xf32>,
        %get3A_366 = vector.shape_cast %get3A_365 : vector<1x16xf32> to vector<16xf32>
        %mul3A_367 = arith.constant 11.3137083 : f32
        %mul3A_368 = vector.broadcast %mul3A_367 : f32 to vector<16xf32>
        %mul3A_369 = arith.mulf %get3A_366, %mul3A_368 : vector<16xf32>
        %swap3A_370 = arith.index_cast %add3A_338 : i32 to index
        %swap3A_371 = arith.constant 32 : index
        %swap3A_372 = tpu.vector_load %arg10[%swap3A_370, %swap3A_371] {strides = array<i32>} : memref<128x128xf32, #tpu.memory_space<vmem>>, vector<1x16xf32>,
        %swap3A_373 = vector.shape_cast %swap3A_372 : vector<1x16xf32> to vector<16xf32>
        %swap3A_374 = vector.shape_cast %mul3A_369 : vector<16xf32> to vector<1x16xf32>
        tpu.vector_store %arg10[%swap3A_370, %swap3A_371], %swap3A_374 {strides = array<i32>} : memref<128x128xf32, #tpu.memory_space<vmem>>, vector<1x16xf32>,
        %get3A_375 = arith.index_cast %add3A_338 : i32 to index
        %get3A_376 = arith.constant 48 : index
        %get3A_377 = tpu.vector_load %arg10[%get3A_375, %get3A_376] {strides = array<i32>} : memref<128x128xf32, #tpu.memory_space<vmem>>, vector<1x16xf32>,
        %get3A_378 = vector.shape_cast %get3A_377 : vector<1x16xf32> to vector<16xf32>
        %mul3A_379 = arith.constant 11.3137083 : f32
        %mul3A_380 = vector.broadcast %mul3A_379 : f32 to vector<16xf32>
        %mul3A_381 = arith.mulf %get3A_378, %mul3A_380 : vector<16xf32>
        %swap3A_382 = arith.index_cast %add3A_338 : i32 to index
        %swap3A_383 = arith.constant 48 : index
        %swap3A_384 = tpu.vector_load %arg10[%swap3A_382, %swap3A_383] {strides = array<i32>} : memref<128x128xf32, #tpu.memory_space<vmem>>, vector<1x16xf32>,
        %swap3A_385 = vector.shape_cast %swap3A_384 : vector<1x16xf32> to vector<16xf32>
        %swap3A_386 = vector.shape_cast %mul3A_381 : vector<16xf32> to vector<1x16xf32>
        tpu.vector_store %arg10[%swap3A_382, %swap3A_383], %swap3A_386 {strides = array<i32>} : memref<128x128xf32, #tpu.memory_space<vmem>>, vector<1x16xf32>,
        %get3A_387 = arith.index_cast %add3A_338 : i32 to index
        %get3A_388 = arith.constant 64 : index
        %get3A_389 = tpu.vector_load %arg10[%get3A_387, %get3A_388] {strides = array<i32>} : memref<128x128xf32, #tpu.memory_space<vmem>>, vector<1x16xf32>,
        %get3A_390 = vector.shape_cast %get3A_389 : vector<1x16xf32> to vector<16xf32>
        %mul3A_391 = arith.constant 11.3137083 : f32
        %mul3A_392 = vector.broadcast %mul3A_391 : f32 to vector<16xf32>
        %mul3A_393 = arith.mulf %get3A_390, %mul3A_392 : vector<16xf32>
        %swap3A_394 = arith.index_cast %add3A_338 : i32 to index
        %swap3A_395 = arith.constant 64 : index
        %swap3A_396 = tpu.vector_load %arg10[%swap3A_394, %swap3A_395] {strides = array<i32>} : memref<128x128xf32, #tpu.memory_space<vmem>>, vector<1x16xf32>,
        %swap3A_397 = vector.shape_cast %swap3A_396 : vector<1x16xf32> to vector<16xf32>
        %swap3A_398 = vector.shape_cast %mul3A_393 : vector<16xf32> to vector<1x16xf32>
        tpu.vector_store %arg10[%swap3A_394, %swap3A_395], %swap3A_398 {strides = array<i32>} : memref<128x128xf32, #tpu.memory_space<vmem>>, vector<1x16xf32>,
        %get3A_399 = arith.index_cast %add3A_338 : i32 to index
        %get3A_400 = arith.constant 80 : index
        %get3A_401 = tpu.vector_load %arg10[%get3A_399, %get3A_400] {strides = array<i32>} : memref<128x128xf32, #tpu.memory_space<vmem>>, vector<1x16xf32>,
        %get3A_402 = vector.shape_cast %get3A_401 : vector<1x16xf32> to vector<16xf32>
        %mul3A_403 = arith.constant 11.3137083 : f32
        %mul3A_404 = vector.broadcast %mul3A_403 : f32 to vector<16xf32>
        %mul3A_405 = arith.mulf %get3A_402, %mul3A_404 : vector<16xf32>
        %swap3A_406 = arith.index_cast %add3A_338 : i32 to index
        %swap3A_407 = arith.constant 80 : index
        %swap3A_408 = tpu.vector_load %arg10[%swap3A_406, %swap3A_407] {strides = array<i32>} : memref<128x128xf32, #tpu.memory_space<vmem>>, vector<1x16xf32>,
        %swap3A_409 = vector.shape_cast %swap3A_408 : vector<1x16xf32> to vector<16xf32>
        %swap3A_410 = vector.shape_cast %mul3A_405 : vector<16xf32> to vector<1x16xf32>
        tpu.vector_store %arg10[%swap3A_406, %swap3A_407], %swap3A_410 {strides = array<i32>} : memref<128x128xf32, #tpu.memory_space<vmem>>, vector<1x16xf32>,
        %get3A_411 = arith.index_cast %add3A_338 : i32 to index
        %get3A_412 = arith.constant 96 : index
        %get3A_413 = tpu.vector_load %arg10[%get3A_411, %get3A_412] {strides = array<i32>} : memref<128x128xf32, #tpu.memory_space<vmem>>, vector<1x16xf32>,
        %get3A_414 = vector.shape_cast %get3A_413 : vector<1x16xf32> to vector<16xf32>
        %mul3A_415 = arith.constant 11.3137083 : f32
        %mul3A_416 = vector.broadcast %mul3A_415 : f32 to vector<16xf32>
        %mul3A_417 = arith.mulf %get3A_414, %mul3A_416 : vector<16xf32>
        %swap3A_418 = arith.index_cast %add3A_338 : i32 to index
        %swap3A_419 = arith.constant 96 : index
        %swap3A_420 = tpu.vector_load %arg10[%swap3A_418, %swap3A_419] {strides = array<i32>} : memref<128x128xf32, #tpu.memory_space<vmem>>, vector<1x16xf32>,
        %swap3A_421 = vector.shape_cast %swap3A_420 : vector<1x16xf32> to vector<16xf32>
        %swap3A_422 = vector.shape_cast %mul3A_417 : vector<16xf32> to vector<1x16xf32>
        tpu.vector_store %arg10[%swap3A_418, %swap3A_419], %swap3A_422 {strides = array<i32>} : memref<128x128xf32, #tpu.memory_space<vmem>>, vector<1x16xf32>,
        %get3A_423 = arith.index_cast %add3A_338 : i32 to index
        %get3A_424 = arith.constant 112 : index
        %get3A_425 = tpu.vector_load %arg10[%get3A_423, %get3A_424] {strides = array<i32>} : memref<128x128xf32, #tpu.memory_space<vmem>>, vector<1x16xf32>,
        %get3A_426 = vector.shape_cast %get3A_425 : vector<1x16xf32> to vector<16xf32>
        %mul3A_427 = arith.constant 11.3137083 : f32
        %mul3A_428 = vector.broadcast %mul3A_427 : f32 to vector<16xf32>
        %mul3A_429 = arith.mulf %get3A_426, %mul3A_428 : vector<16xf32>
        %swap3A_430 = arith.index_cast %add3A_338 : i32 to index
        %swap3A_431 = arith.constant 112 : index
        %swap3A_432 = tpu.vector_load %arg10[%swap3A_430, %swap3A_431] {strides = array<i32>} : memref<128x128xf32, #tpu.memory_space<vmem>>, vector<1x16xf32>,
        %swap3A_433 = vector.shape_cast %swap3A_432 : vector<1x16xf32> to vector<16xf32>
        %swap3A_434 = vector.shape_cast %mul3A_429 : vector<16xf32> to vector<1x16xf32>
        tpu.vector_store %arg10[%swap3A_430, %swap3A_431], %swap3A_434 {strides = array<i32>} : memref<128x128xf32, #tpu.memory_space<vmem>>, vector<1x16xf32>,
        %mul3A_435 = arith.constant 4 : i32
        %mul3A_436 = arith.muli %scan3A_236, %mul3A_435 : i32
        %add3A_437 = arith.constant 2 : i32
        %add3A_438 = arith.addi %mul3A_436, %add3A_437 : i32
        %get3A_439 = arith.index_cast %add3A_438 : i32 to index
        %get3A_440 = arith.constant 0 : index
        %get3A_441 = tpu.vector_load %arg10[%get3A_439, %get3A_440] {strides = array<i32>} : memref<128x128xf32, #tpu.memory_space<vmem>>, vector<1x16xf32>,
        %get3A_442 = vector.shape_cast %get3A_441 : vector<1x16xf32> to vector<16xf32>
        %mul3A_443 = arith.constant 11.3137083 : f32
        %mul3A_444 = vector.broadcast %mul3A_443 : f32 to vector<16xf32>
        %mul3A_445 = arith.mulf %get3A_442, %mul3A_444 : vector<16xf32>
        %swap3A_446 = arith.index_cast %add3A_438 : i32 to index
        %swap3A_447 = arith.constant 0 : index
        %swap3A_448 = tpu.vector_load %arg10[%swap3A_446, %swap3A_447] {strides = array<i32>} : memref<128x128xf32, #tpu.memory_space<vmem>>, vector<1x16xf32>,
        %swap3A_449 = vector.shape_cast %swap3A_448 : vector<1x16xf32> to vector<16xf32>
        %swap3A_450 = vector.shape_cast %mul3A_445 : vector<16xf32> to vector<1x16xf32>
        tpu.vector_store %arg10[%swap3A_446, %swap3A_447], %swap3A_450 {strides = array<i32>} : memref<128x128xf32, #tpu.memory_space<vmem>>, vector<1x16xf32>,
        %get3A_451 = arith.index_cast %add3A_438 : i32 to index
        %get3A_452 = arith.constant 16 : index
        %get3A_453 = tpu.vector_load %arg10[%get3A_451, %get3A_452] {strides = array<i32>} : memref<128x128xf32, #tpu.memory_space<vmem>>, vector<1x16xf32>,
        %get3A_454 = vector.shape_cast %get3A_453 : vector<1x16xf32> to vector<16xf32>
        %mul3A_455 = arith.constant 11.3137083 : f32
        %mul3A_456 = vector.broadcast %mul3A_455 : f32 to vector<16xf32>
        %mul3A_457 = arith.mulf %get3A_454, %mul3A_456 : vector<16xf32>
        %swap3A_458 = arith.index_cast %add3A_438 : i32 to index
        %swap3A_459 = arith.constant 16 : index
        %swap3A_460 = tpu.vector_load %arg10[%swap3A_458, %swap3A_459] {strides = array<i32>} : memref<128x128xf32, #tpu.memory_space<vmem>>, vector<1x16xf32>,
        %swap3A_461 = vector.shape_cast %swap3A_460 : vector<1x16xf32> to vector<16xf32>
        %swap3A_462 = vector.shape_cast %mul3A_457 : vector<16xf32> to vector<1x16xf32>
        tpu.vector_store %arg10[%swap3A_458, %swap3A_459], %swap3A_462 {strides = array<i32>} : memref<128x128xf32, #tpu.memory_space<vmem>>, vector<1x16xf32>,
        %get3A_463 = arith.index_cast %add3A_438 : i32 to index
        %get3A_464 = arith.constant 32 : index
        %get3A_465 = tpu.vector_load %arg10[%get3A_463, %get3A_464] {strides = array<i32>} : memref<128x128xf32, #tpu.memory_space<vmem>>, vector<1x16xf32>,
        %get3A_466 = vector.shape_cast %get3A_465 : vector<1x16xf32> to vector<16xf32>
        %mul3A_467 = arith.constant 11.3137083 : f32
        %mul3A_468 = vector.broadcast %mul3A_467 : f32 to vector<16xf32>
        %mul3A_469 = arith.mulf %get3A_466, %mul3A_468 : vector<16xf32>
        %swap3A_470 = arith.index_cast %add3A_438 : i32 to index
        %swap3A_471 = arith.constant 32 : index
        %swap3A_472 = tpu.vector_load %arg10[%swap3A_470, %swap3A_471] {strides = array<i32>} : memref<128x128xf32, #tpu.memory_space<vmem>>, vector<1x16xf32>,
        %swap3A_473 = vector.shape_cast %swap3A_472 : vector<1x16xf32> to vector<16xf32>
        %swap3A_474 = vector.shape_cast %mul3A_469 : vector<16xf32> to vector<1x16xf32>
        tpu.vector_store %arg10[%swap3A_470, %swap3A_471], %swap3A_474 {strides = array<i32>} : memref<128x128xf32, #tpu.memory_space<vmem>>, vector<1x16xf32>,
        %get3A_475 = arith.index_cast %add3A_438 : i32 to index
        %get3A_476 = arith.constant 48 : index
        %get3A_477 = tpu.vector_load %arg10[%get3A_475, %get3A_476] {strides = array<i32>} : memref<128x128xf32, #tpu.memory_space<vmem>>, vector<1x16xf32>,
        %get3A_478 = vector.shape_cast %get3A_477 : vector<1x16xf32> to vector<16xf32>
        %mul3A_479 = arith.constant 11.3137083 : f32
        %mul3A_480 = vector.broadcast %mul3A_479 : f32 to vector<16xf32>
        %mul3A_481 = arith.mulf %get3A_478, %mul3A_480 : vector<16xf32>
        %swap3A_482 = arith.index_cast %add3A_438 : i32 to index
        %swap3A_483 = arith.constant 48 : index
        %swap3A_484 = tpu.vector_load %arg10[%swap3A_482, %swap3A_483] {strides = array<i32>} : memref<128x128xf32, #tpu.memory_space<vmem>>, vector<1x16xf32>,
        %swap3A_485 = vector.shape_cast %swap3A_484 : vector<1x16xf32> to vector<16xf32>
        %swap3A_486 = vector.shape_cast %mul3A_481 : vector<16xf32> to vector<1x16xf32>
        tpu.vector_store %arg10[%swap3A_482, %swap3A_483], %swap3A_486 {strides = array<i32>} : memref<128x128xf32, #tpu.memory_space<vmem>>, vector<1x16xf32>,
        %get3A_487 = arith.index_cast %add3A_438 : i32 to index
        %get3A_488 = arith.constant 64 : index
        %get3A_489 = tpu.vector_load %arg10[%get3A_487, %get3A_488] {strides = array<i32>} : memref<128x128xf32, #tpu.memory_space<vmem>>, vector<1x16xf32>,
        %get3A_490 = vector.shape_cast %get3A_489 : vector<1x16xf32> to vector<16xf32>
        %mul3A_491 = arith.constant 11.3137083 : f32
        %mul3A_492 = vector.broadcast %mul3A_491 : f32 to vector<16xf32>
        %mul3A_493 = arith.mulf %get3A_490, %mul3A_492 : vector<16xf32>
        %swap3A_494 = arith.index_cast %add3A_438 : i32 to index
        %swap3A_495 = arith.constant 64 : index
        %swap3A_496 = tpu.vector_load %arg10[%swap3A_494, %swap3A_495] {strides = array<i32>} : memref<128x128xf32, #tpu.memory_space<vmem>>, vector<1x16xf32>,
        %swap3A_497 = vector.shape_cast %swap3A_496 : vector<1x16xf32> to vector<16xf32>
        %swap3A_498 = vector.shape_cast %mul3A_493 : vector<16xf32> to vector<1x16xf32>
        tpu.vector_store %arg10[%swap3A_494, %swap3A_495], %swap3A_498 {strides = array<i32>} : memref<128x128xf32, #tpu.memory_space<vmem>>, vector<1x16xf32>,
        %get3A_499 = arith.index_cast %add3A_438 : i32 to index
        %get3A_500 = arith.constant 80 : index
        %get3A_501 = tpu.vector_load %arg10[%get3A_499, %get3A_500] {strides = array<i32>} : memref<128x128xf32, #tpu.memory_space<vmem>>, vector<1x16xf32>,
        %get3A_502 = vector.shape_cast %get3A_501 : vector<1x16xf32> to vector<16xf32>
        %mul3A_503 = arith.constant 11.3137083 : f32
        %mul3A_504 = vector.broadcast %mul3A_503 : f32 to vector<16xf32>
        %mul3A_505 = arith.mulf %get3A_502, %mul3A_504 : vector<16xf32>
        %swap3A_506 = arith.index_cast %add3A_438 : i32 to index
        %swap3A_507 = arith.constant 80 : index
        %swap3A_508 = tpu.vector_load %arg10[%swap3A_506, %swap3A_507] {strides = array<i32>} : memref<128x128xf32, #tpu.memory_space<vmem>>, vector<1x16xf32>,
        %swap3A_509 = vector.shape_cast %swap3A_508 : vector<1x16xf32> to vector<16xf32>
        %swap3A_510 = vector.shape_cast %mul3A_505 : vector<16xf32> to vector<1x16xf32>
        tpu.vector_store %arg10[%swap3A_506, %swap3A_507], %swap3A_510 {strides = array<i32>} : memref<128x128xf32, #tpu.memory_space<vmem>>, vector<1x16xf32>,
        %get3A_511 = arith.index_cast %add3A_438 : i32 to index
        %get3A_512 = arith.constant 96 : index
        %get3A_513 = tpu.vector_load %arg10[%get3A_511, %get3A_512] {strides = array<i32>} : memref<128x128xf32, #tpu.memory_space<vmem>>, vector<1x16xf32>,
        %get3A_514 = vector.shape_cast %get3A_513 : vector<1x16xf32> to vector<16xf32>
        %mul3A_515 = arith.constant 11.3137083 : f32
        %mul3A_516 = vector.broadcast %mul3A_515 : f32 to vector<16xf32>
        %mul3A_517 = arith.mulf %get3A_514, %mul3A_516 : vector<16xf32>
        %swap3A_518 = arith.index_cast %add3A_438 : i32 to index
        %swap3A_519 = arith.constant 96 : index
        %swap3A_520 = tpu.vector_load %arg10[%swap3A_518, %swap3A_519] {strides = array<i32>} : memref<128x128xf32, #tpu.memory_space<vmem>>, vector<1x16xf32>,
        %swap3A_521 = vector.shape_cast %swap3A_520 : vector<1x16xf32> to vector<16xf32>
        %swap3A_522 = vector.shape_cast %mul3A_517 : vector<16xf32> to vector<1x16xf32>
        tpu.vector_store %arg10[%swap3A_518, %swap3A_519], %swap3A_522 {strides = array<i32>} : memref<128x128xf32, #tpu.memory_space<vmem>>, vector<1x16xf32>,
        %get3A_523 = arith.index_cast %add3A_438 : i32 to index
        %get3A_524 = arith.constant 112 : index
        %get3A_525 = tpu.vector_load %arg10[%get3A_523, %get3A_524] {strides = array<i32>} : memref<128x128xf32, #tpu.memory_space<vmem>>, vector<1x16xf32>,
        %get3A_526 = vector.shape_cast %get3A_525 : vector<1x16xf32> to vector<16xf32>
        %mul3A_527 = arith.constant 11.3137083 : f32
        %mul3A_528 = vector.broadcast %mul3A_527 : f32 to vector<16xf32>
        %mul3A_529 = arith.mulf %get3A_526, %mul3A_528 : vector<16xf32>
        %swap3A_530 = arith.index_cast %add3A_438 : i32 to index
        %swap3A_531 = arith.constant 112 : index
        %swap3A_532 = tpu.vector_load %arg10[%swap3A_530, %swap3A_531] {strides = array<i32>} : memref<128x128xf32, #tpu.memory_space<vmem>>, vector<1x16xf32>,
        %swap3A_533 = vector.shape_cast %swap3A_532 : vector<1x16xf32> to vector<16xf32>
        %swap3A_534 = vector.shape_cast %mul3A_529 : vector<16xf32> to vector<1x16xf32>
        tpu.vector_store %arg10[%swap3A_530, %swap3A_531], %swap3A_534 {strides = array<i32>} : memref<128x128xf32, #tpu.memory_space<vmem>>, vector<1x16xf32>,
        %mul3A_535 = arith.constant 4 : i32
        %mul3A_536 = arith.muli %scan3A_236, %mul3A_535 : i32
        %add3A_537 = arith.constant 3 : i32
        %add3A_538 = arith.addi %mul3A_536, %add3A_537 : i32
        %get3A_539 = arith.index_cast %add3A_538 : i32 to index
        %get3A_540 = arith.constant 0 : index
        %get3A_541 = tpu.vector_load %arg10[%get3A_539, %get3A_540] {strides = array<i32>} : memref<128x128xf32, #tpu.memory_space<vmem>>, vector<1x16xf32>,
        %get3A_542 = vector.shape_cast %get3A_541 : vector<1x16xf32> to vector<16xf32>
        %mul3A_543 = arith.constant 11.3137083 : f32
        %mul3A_544 = vector.broadcast %mul3A_543 : f32 to vector<16xf32>
        %mul3A_545 = arith.mulf %get3A_542, %mul3A_544 : vector<16xf32>
        %swap3A_546 = arith.index_cast %add3A_538 : i32 to index
        %swap3A_547 = arith.constant 0 : index
        %swap3A_548 = tpu.vector_load %arg10[%swap3A_546, %swap3A_547] {strides = array<i32>} : memref<128x128xf32, #tpu.memory_space<vmem>>, vector<1x16xf32>,
        %swap3A_549 = vector.shape_cast %swap3A_548 : vector<1x16xf32> to vector<16xf32>
        %swap3A_550 = vector.shape_cast %mul3A_545 : vector<16xf32> to vector<1x16xf32>
        tpu.vector_store %arg10[%swap3A_546, %swap3A_547], %swap3A_550 {strides = array<i32>} : memref<128x128xf32, #tpu.memory_space<vmem>>, vector<1x16xf32>,
        %get3A_551 = arith.index_cast %add3A_538 : i32 to index
        %get3A_552 = arith.constant 16 : index
        %get3A_553 = tpu.vector_load %arg10[%get3A_551, %get3A_552] {strides = array<i32>} : memref<128x128xf32, #tpu.memory_space<vmem>>, vector<1x16xf32>,
        %get3A_554 = vector.shape_cast %get3A_553 : vector<1x16xf32> to vector<16xf32>
        %mul3A_555 = arith.constant 11.3137083 : f32
        %mul3A_556 = vector.broadcast %mul3A_555 : f32 to vector<16xf32>
        %mul3A_557 = arith.mulf %get3A_554, %mul3A_556 : vector<16xf32>
        %swap3A_558 = arith.index_cast %add3A_538 : i32 to index
        %swap3A_559 = arith.constant 16 : index
        %swap3A_560 = tpu.vector_load %arg10[%swap3A_558, %swap3A_559] {strides = array<i32>} : memref<128x128xf32, #tpu.memory_space<vmem>>, vector<1x16xf32>,
        %swap3A_561 = vector.shape_cast %swap3A_560 : vector<1x16xf32> to vector<16xf32>
        %swap3A_562 = vector.shape_cast %mul3A_557 : vector<16xf32> to vector<1x16xf32>
        tpu.vector_store %arg10[%swap3A_558, %swap3A_559], %swap3A_562 {strides = array<i32>} : memref<128x128xf32, #tpu.memory_space<vmem>>, vector<1x16xf32>,
        %get3A_563 = arith.index_cast %add3A_538 : i32 to index
        %get3A_564 = arith.constant 32 : index
        %get3A_565 = tpu.vector_load %arg10[%get3A_563, %get3A_564] {strides = array<i32>} : memref<128x128xf32, #tpu.memory_space<vmem>>, vector<1x16xf32>,
        %get3A_566 = vector.shape_cast %get3A_565 : vector<1x16xf32> to vector<16xf32>
        %mul3A_567 = arith.constant 11.3137083 : f32
        %mul3A_568 = vector.broadcast %mul3A_567 : f32 to vector<16xf32>
        %mul3A_569 = arith.mulf %get3A_566, %mul3A_568 : vector<16xf32>
        %swap3A_570 = arith.index_cast %add3A_538 : i32 to index
        %swap3A_571 = arith.constant 32 : index
        %swap3A_572 = tpu.vector_load %arg10[%swap3A_570, %swap3A_571] {strides = array<i32>} : memref<128x128xf32, #tpu.memory_space<vmem>>, vector<1x16xf32>,
        %swap3A_573 = vector.shape_cast %swap3A_572 : vector<1x16xf32> to vector<16xf32>
        %swap3A_574 = vector.shape_cast %mul3A_569 : vector<16xf32> to vector<1x16xf32>
        tpu.vector_store %arg10[%swap3A_570, %swap3A_571], %swap3A_574 {strides = array<i32>} : memref<128x128xf32, #tpu.memory_space<vmem>>, vector<1x16xf32>,
        %get3A_575 = arith.index_cast %add3A_538 : i32 to index
        %get3A_576 = arith.constant 48 : index
        %get3A_577 = tpu.vector_load %arg10[%get3A_575, %get3A_576] {strides = array<i32>} : memref<128x128xf32, #tpu.memory_space<vmem>>, vector<1x16xf32>,
        %get3A_578 = vector.shape_cast %get3A_577 : vector<1x16xf32> to vector<16xf32>
        %mul3A_579 = arith.constant 11.3137083 : f32
        %mul3A_580 = vector.broadcast %mul3A_579 : f32 to vector<16xf32>
        %mul3A_581 = arith.mulf %get3A_578, %mul3A_580 : vector<16xf32>
        %swap3A_582 = arith.index_cast %add3A_538 : i32 to index
        %swap3A_583 = arith.constant 48 : index
        %swap3A_584 = tpu.vector_load %arg10[%swap3A_582, %swap3A_583] {strides = array<i32>} : memref<128x128xf32, #tpu.memory_space<vmem>>, vector<1x16xf32>,
        %swap3A_585 = vector.shape_cast %swap3A_584 : vector<1x16xf32> to vector<16xf32>
        %swap3A_586 = vector.shape_cast %mul3A_581 : vector<16xf32> to vector<1x16xf32>
        tpu.vector_store %arg10[%swap3A_582, %swap3A_583], %swap3A_586 {strides = array<i32>} : memref<128x128xf32, #tpu.memory_space<vmem>>, vector<1x16xf32>,
        %get3A_587 = arith.index_cast %add3A_538 : i32 to index
        %get3A_588 = arith.constant 64 : index
        %get3A_589 = tpu.vector_load %arg10[%get3A_587, %get3A_588] {strides = array<i32>} : memref<128x128xf32, #tpu.memory_space<vmem>>, vector<1x16xf32>,
        %get3A_590 = vector.shape_cast %get3A_589 : vector<1x16xf32> to vector<16xf32>
        %mul3A_591 = arith.constant 11.3137083 : f32
        %mul3A_592 = vector.broadcast %mul3A_591 : f32 to vector<16xf32>
        %mul3A_593 = arith.mulf %get3A_590, %mul3A_592 : vector<16xf32>
        %swap3A_594 = arith.index_cast %add3A_538 : i32 to index
        %swap3A_595 = arith.constant 64 : index
        %swap3A_596 = tpu.vector_load %arg10[%swap3A_594, %swap3A_595] {strides = array<i32>} : memref<128x128xf32, #tpu.memory_space<vmem>>, vector<1x16xf32>,
        %swap3A_597 = vector.shape_cast %swap3A_596 : vector<1x16xf32> to vector<16xf32>
        %swap3A_598 = vector.shape_cast %mul3A_593 : vector<16xf32> to vector<1x16xf32>
        tpu.vector_store %arg10[%swap3A_594, %swap3A_595], %swap3A_598 {strides = array<i32>} : memref<128x128xf32, #tpu.memory_space<vmem>>, vector<1x16xf32>,
        %get3A_599 = arith.index_cast %add3A_538 : i32 to index
        %get3A_600 = arith.constant 80 : index
        %get3A_601 = tpu.vector_load %arg10[%get3A_599, %get3A_600] {strides = array<i32>} : memref<128x128xf32, #tpu.memory_space<vmem>>, vector<1x16xf32>,
        %get3A_602 = vector.shape_cast %get3A_601 : vector<1x16xf32> to vector<16xf32>
        %mul3A_603 = arith.constant 11.3137083 : f32
        %mul3A_604 = vector.broadcast %mul3A_603 : f32 to vector<16xf32>
        %mul3A_605 = arith.mulf %get3A_602, %mul3A_604 : vector<16xf32>
        %swap3A_606 = arith.index_cast %add3A_538 : i32 to index
        %swap3A_607 = arith.constant 80 : index
        %swap3A_608 = tpu.vector_load %arg10[%swap3A_606, %swap3A_607] {strides = array<i32>} : memref<128x128xf32, #tpu.memory_space<vmem>>, vector<1x16xf32>,
        %swap3A_609 = vector.shape_cast %swap3A_608 : vector<1x16xf32> to vector<16xf32>
        %swap3A_610 = vector.shape_cast %mul3A_605 : vector<16xf32> to vector<1x16xf32>
        tpu.vector_store %arg10[%swap3A_606, %swap3A_607], %swap3A_610 {strides = array<i32>} : memref<128x128xf32, #tpu.memory_space<vmem>>, vector<1x16xf32>,
        %get3A_611 = arith.index_cast %add3A_538 : i32 to index
        %get3A_612 = arith.constant 96 : index
        %get3A_613 = tpu.vector_load %arg10[%get3A_611, %get3A_612] {strides = array<i32>} : memref<128x128xf32, #tpu.memory_space<vmem>>, vector<1x16xf32>,
        %get3A_614 = vector.shape_cast %get3A_613 : vector<1x16xf32> to vector<16xf32>
        %mul3A_615 = arith.constant 11.3137083 : f32
        %mul3A_616 = vector.broadcast %mul3A_615 : f32 to vector<16xf32>
        %mul3A_617 = arith.mulf %get3A_614, %mul3A_616 : vector<16xf32>
        %swap3A_618 = arith.index_cast %add3A_538 : i32 to index
        %swap3A_619 = arith.constant 96 : index
        %swap3A_620 = tpu.vector_load %arg10[%swap3A_618, %swap3A_619] {strides = array<i32>} : memref<128x128xf32, #tpu.memory_space<vmem>>, vector<1x16xf32>,
        %swap3A_621 = vector.shape_cast %swap3A_620 : vector<1x16xf32> to vector<16xf32>
        %swap3A_622 = vector.shape_cast %mul3A_617 : vector<16xf32> to vector<1x16xf32>
        tpu.vector_store %arg10[%swap3A_618, %swap3A_619], %swap3A_622 {strides = array<i32>} : memref<128x128xf32, #tpu.memory_space<vmem>>, vector<1x16xf32>,
        %get3A_623 = arith.index_cast %add3A_538 : i32 to index
        %get3A_624 = arith.constant 112 : index
        %get3A_625 = tpu.vector_load %arg10[%get3A_623, %get3A_624] {strides = array<i32>} : memref<128x128xf32, #tpu.memory_space<vmem>>, vector<1x16xf32>,
        %get3A_626 = vector.shape_cast %get3A_625 : vector<1x16xf32> to vector<16xf32>
        %mul3A_627 = arith.constant 11.3137083 : f32
        %mul3A_628 = vector.broadcast %mul3A_627 : f32 to vector<16xf32>
        %mul3A_629 = arith.mulf %get3A_626, %mul3A_628 : vector<16xf32>
        %swap3A_630 = arith.index_cast %add3A_538 : i32 to index
        %swap3A_631 = arith.constant 112 : index
        %swap3A_632 = tpu.vector_load %arg10[%swap3A_630, %swap3A_631] {strides = array<i32>} : memref<128x128xf32, #tpu.memory_space<vmem>>, vector<1x16xf32>,
        %swap3A_633 = vector.shape_cast %swap3A_632 : vector<1x16xf32> to vector<16xf32>
        %swap3A_634 = vector.shape_cast %mul3A_629 : vector<16xf32> to vector<1x16xf32>
        tpu.vector_store %arg10[%swap3A_630, %swap3A_631], %swap3A_634 {strides = array<i32>} : memref<128x128xf32, #tpu.memory_space<vmem>>, vector<1x16xf32>,
      }
      %scan3A_216 = arith.constant 32 : i32
      %mul3A_217 = arith.constant 128 : i32
      %mul3A_218 = arith.muli %add3A_203, %mul3A_217 : i32
      %add3A_219 = arith.addi %mul3A_2, %mul3A_218 : i32
      %dma_start3A_220 = arith.constant 0 : i32
      %dma_start3A_221 = tpu.memref_slice %arg4[%add3A_219, %dma_start3A_220] : memref<204800x128xf32, #tpu.memory_space<hbm>> -> memref<128x128xf32, #tpu.memory_space<hbm>>
      %dma_start3A_222 = arith.constant 0 : i32
      %dma_start3A_223 = tpu.memref_slice %arg4[%add3A_219, %dma_start3A_222] : memref<204800x128xf32, #tpu.memory_space<hbm>> -> memref<128x128xf32, #tpu.memory_space<hbm>>
      tpu.enqueue_dma source(%arg10 : memref<128x128xf32, #tpu.memory_space<vmem>>) target(%dma_start3A_223 : memref<128x128xf32, #tpu.memory_space<hbm>>) target_semaphore(%arg20 : memref<!tpu.dma_semaphore, #tpu.memory_space<semaphore_mem>>)
      %add3A_224 = arith.constant 5 : i32
      %add3A_225 = arith.addi %add3A_203, %add3A_224 : i32
      %sub3A_226 = arith.constant 1 : i32
      %sub3A_227 = arith.subi %add3A_225, %sub3A_226 : i32
      %ge3A_228 = arith.constant 5 : i32
      %ge3A_229 = arith.cmpi sge, %sub3A_227, %ge3A_228 : i32
      %lt3A_230 = arith.constant 50 : i32
      %lt3A_231 = arith.cmpi slt, %sub3A_227, %lt3A_230 : i32
      %and3A_232 = arith.andi %ge3A_229, %lt3A_231 : i1
      %convert_element_type3A_233 = arith.extui %and3A_232 : i1 to i32
      %cond3A_234 = arith.constant 0 : i32
      %cond3A_235 = arith.cmpi ne, %convert_element_type3A_233, %cond3A_234 : i32
      scf.if %cond3A_235 {
        %dma_wait3A_236 = arith.constant 0 : i32
        %dma_wait3A_237 = tpu.memref_slice %arg4[%mul3A_2, %dma_wait3A_236] : memref<204800x128xf32, #tpu.memory_space<hbm>> -> memref<128x128xf32, #tpu.memory_space<hbm>>
        %dma_wait3A_238 = arith.constant 0 : i32
        %dma_wait3A_239 = tpu.memref_slice %arg4[%mul3A_2, %dma_wait3A_238] : memref<204800x128xf32, #tpu.memory_space<hbm>> -> memref<128x128xf32, #tpu.memory_space<hbm>>
        tpu.wait_dma2 semaphore(%arg19 : memref<!tpu.dma_semaphore, #tpu.memory_space<semaphore_mem>>) src(%arg9 : memref<128x128xf32, #tpu.memory_space<vmem>>) dst(%dma_wait3A_239 : memref<128x128xf32, #tpu.memory_space<hbm>>)
        %dma_start3A_240 = arith.constant 0 : i32
        %dma_start3A_241 = tpu.memref_slice %arg5[%sub3A_227, %dma_start3A_240] : memref<50x128xi32, #tpu.memory_space<vmem>> -> memref<1x128xi32, #tpu.memory_space<vmem>>
        %dma_start3A_242 = tpu.memref_squeeze %dma_start3A_241 : memref<1x128xi32, #tpu.memory_space<vmem>> -> memref<128xi32, #tpu.memory_space<vmem>>
        %dma_start3A_243 = arith.constant 0 : i32
        %dma_start3A_244 = arith.constant 0 : i32
        %dma_start3A_245 = tpu.memref_slice %arg3[%dma_start3A_243, %dma_start3A_244] : memref<100000x128xf32, #tpu.memory_space<hbm>> -> memref<100000x128xf32, #tpu.memory_space<hbm>>
        tpu.enqueue_indirect_dma source(%dma_start3A_245 : memref<100000x128xf32, #tpu.memory_space<hbm>>) target(%arg9 : memref<128x128xf32, #tpu.memory_space<vmem>>) offsets(%dma_start3A_242 : memref<128xi32, #tpu.memory_space<vmem>>) semaphore(%arg14 : memref<!tpu.dma_semaphore, #tpu.memory_space<semaphore_mem>>)
      } else {
      }
    }
    %scan3A_41 = arith.constant 10 : i32
    %dma_wait3A = arith.constant 0 : i32
    %dma_wait3A_42 = tpu.memref_slice %arg4[%mul3A_2, %dma_wait3A] : memref<204800x128xf32, #tpu.memory_space<hbm>> -> memref<128x128xf32, #tpu.memory_space<hbm>>
    %dma_wait3A_43 = arith.constant 0 : i32
    %dma_wait3A_44 = tpu.memref_slice %arg4[%mul3A_2, %dma_wait3A_43] : memref<204800x128xf32, #tpu.memory_space<hbm>> -> memref<128x128xf32, #tpu.memory_space<hbm>>
    tpu.wait_dma2 semaphore(%arg16 : memref<!tpu.dma_semaphore, #tpu.memory_space<semaphore_mem>>) src(%arg6 : memref<128x128xf32, #tpu.memory_space<vmem>>) dst(%dma_wait3A_44 : memref<128x128xf32, #tpu.memory_space<hbm>>)
    %dma_wait3A_45 = arith.constant 0 : i32
    %dma_wait3A_46 = tpu.memref_slice %arg4[%mul3A_2, %dma_wait3A_45] : memref<204800x128xf32, #tpu.memory_space<hbm>> -> memref<128x128xf32, #tpu.memory_space<hbm>>
    %dma_wait3A_47 = arith.constant 0 : i32
    %dma_wait3A_48 = tpu.memref_slice %arg4[%mul3A_2, %dma_wait3A_47] : memref<204800x128xf32, #tpu.memory_space<hbm>> -> memref<128x128xf32, #tpu.memory_space<hbm>>
    tpu.wait_dma2 semaphore(%arg17 : memref<!tpu.dma_semaphore, #tpu.memory_space<semaphore_mem>>) src(%arg7 : memref<128x128xf32, #tpu.memory_space<vmem>>) dst(%dma_wait3A_48 : memref<128x128xf32, #tpu.memory_space<hbm>>)
    %dma_wait3A_49 = arith.constant 0 : i32
    %dma_wait3A_50 = tpu.memref_slice %arg4[%mul3A_2, %dma_wait3A_49] : memref<204800x128xf32, #tpu.memory_space<hbm>> -> memref<128x128xf32, #tpu.memory_space<hbm>>
    %dma_wait3A_51 = arith.constant 0 : i32
    %dma_wait3A_52 = tpu.memref_slice %arg4[%mul3A_2, %dma_wait3A_51] : memref<204800x128xf32, #tpu.memory_space<hbm>> -> memref<128x128xf32, #tpu.memory_space<hbm>>
    tpu.wait_dma2 semaphore(%arg18 : memref<!tpu.dma_semaphore, #tpu.memory_space<semaphore_mem>>) src(%arg8 : memref<128x128xf32, #tpu.memory_space<vmem>>) dst(%dma_wait3A_52 : memref<128x128xf32, #tpu.memory_space<hbm>>)
    %dma_wait3A_53 = arith.constant 0 : i32
    %dma_wait3A_54 = tpu.memref_slice %arg4[%mul3A_2, %dma_wait3A_53] : memref<204800x128xf32, #tpu.memory_space<hbm>> -> memref<128x128xf32, #tpu.memory_space<hbm>>
    %dma_wait3A_55 = arith.constant 0 : i32
    %dma_wait3A_56 = tpu.memref_slice %arg4[%mul3A_2, %dma_wait3A_55] : memref<204800x128xf32, #tpu.memory_space<hbm>> -> memref<128x128xf32, #tpu.memory_space<hbm>>
    tpu.wait_dma2 semaphore(%arg19 : memref<!tpu.dma_semaphore, #tpu.memory_space<semaphore_mem>>) src(%arg9 : memref<128x128xf32, #tpu.memory_space<vmem>>) dst(%dma_wait3A_56 : memref<128x128xf32, #tpu.memory_space<hbm>>)
    %dma_wait3A_57 = arith.constant 0 : i32
    %dma_wait3A_58 = tpu.memref_slice %arg4[%mul3A_2, %dma_wait3A_57] : memref<204800x128xf32, #tpu.memory_space<hbm>> -> memref<128x128xf32, #tpu.memory_space<hbm>>
    %dma_wait3A_59 = arith.constant 0 : i32
    %dma_wait3A_60 = tpu.memref_slice %arg4[%mul3A_2, %dma_wait3A_59] : memref<204800x128xf32, #tpu.memory_space<hbm>> -> memref<128x128xf32, #tpu.memory_space<hbm>>
    tpu.wait_dma2 semaphore(%arg20 : memref<!tpu.dma_semaphore, #tpu.memory_space<semaphore_mem>>) src(%arg10 : memref<128x128xf32, #tpu.memory_space<vmem>>) dst(%dma_wait3A_60 : memref<128x128xf32, #tpu.memory_space<hbm>>)
    return
  }
}

</mosaic_0001>

<sc_bundles>
// kernel: kernel.3.cloned.1.call-start
scs
__scs_entry_jumppad:
0x0: {  	(pc) =	sbr.rel $0x88, $3  }
0x1: {  	(tag) =	ssettag $0x0;
	lr =	simm.s32 $0x1  }
0x2: {  	[smem:$0x3F9F] =	sst lr;
	_ =	strace $0xD0000000  }
0x3: {  	_ = 	snop  }
0x4: {  	_ = 	snop  }
0x5: {  	_ = 	snop  }
0x6: {  	_ = 	snop  }
0x7: {  	_ = 	snop  }
__scs_overlays_trampoline_lowered:
0x8: {  	[smem:$0x3FAE] =	sst s0  }
0x9: {  	[smem:$0x3FAF] =	sst s1  }
0xa: {  	[smem:$0x3FB0] =	sst s2  }
0xb: {  	[smem:$0x3FB1] =	sst s3  }
0xc: {  	[smem:$0x3FB2] =	sst s4  }
0xd: {  	[smem:$0x3FB3] =	sst s5  }
0xe: {  	[smem:$0x3FB4] =	sst s6  }
0xf: {  	[smem:$0x3FB5] =	sst s7  }
0x10: {  	[smem:$0x3FB6] =	sst s8  }
0x11: {  	[smem:$0x3FB7] =	sst s9;
	s0 =	simm.s32 @!p0 $0x0  }
0x12: {  	s1 =	sld [smem:$0x3F9D];
	s0 =	simm.s32 @p0 $0x1  }
0x13: {  	[smem:$0x3FB8] =	sst s0;
	s0 =	simm.s32 @!p1 $0x0  }
0x14: {  	s2 =	sld [smem:$0x3F9C];
	s0 =	simm.s32 @p1 $0x1  }
0x15: {  	[smem:$0x3FB9] =	sst s0;
	s0 =	simm.s32 @!p2 $0x0  }
0x16: {  	s3 =	sld [smem:$0x3FDB];
	s0 =	simm.s32 @p2 $0x1  }
0x17: {  	s4 =	simm.s32 $0x1BF5;
	[smem:$0x3FBB] =	sst s0  }
0x18: {  	s0 =	sld [smem:$0x3F9E];
	_ =	swait.ge [sflag:s4], $0x0  }
0x19: {  	s7 =	sld [smem:$0x3F9F]  }
0x1a: {  	s8 =	sadd.s32 $0xFFFFE003, lr  }
0x1b: {  	s9 =	sadd.s32 $0xFFFFFEF7, lr;
	s5 =	simm.s32 $0xFFFFFFFF;
	p2 =	slt.u32 s8, $0xFFFFF086  }
0x1c: {  	p1 =	slt.u32 s9, $0xF7A;
	s5 =	simm.s32 @!p2 $0x0  }
0x1d: {  	s5 =	simm.s32 @p1 $0x1;
	p0 =	seq.s32 s7, s2  }
0x1e: {  	s7 =	smul.u32 @!p0 $0xF7A, s2;
	p2 =	seq.s32 @!p0 s5, $0x0  }
0x1f: {  	s9 =	smul.u32 $0xF7A, s1;
	s8 =	simm.s32 @!p0 $0x1BF5;
	p2 =	por !p2, p0  }
0x20: {  	[sflag:s8] =	ssyncset.s32 @!p0 $0xFFFFF086;
	s6 =	sadd.s32 @!p0 s3, s7;
	s7 =	simm.s32 @!p0 $0x108  }
0x21: {  	s3 =	sadd.s32 s3, s9;
	s6 =	sadd.s32 @!p0 $0x88, s6;
	s7 =	simm.s32 @p2 $0x1082  }
0x22: {  	[simem:s7], [sflag:s8] =	dma.local @!p0 [hbm:s6], $0xF7A  }
0x23: {  	s9 =	sor.u32 $0xD0000000, s2;
	s6 =	simm.s32 $0x108;
	_ =	swait.ge @!p0 [sflag:s8], $0x0  }
0x24: {  	s3 =	sadd.s32 $0x88, s3;
	s6 =	simm.s32 @!p1 $0x1082;
	[sflag:s4] =	ssyncset.s32 $0xFFFFF086  }
0x25: {  	[simem:s6], [sflag:s4] =	dma.local [hbm:s3], $0xF7A  }
0x26: {  	[smem:$0x3F9F] =	sst s1;
	(tag) =	ssettag s2;
	_ =	strace s9  }
0x27: {  	s1 =	sld [smem:$0x3FAF]  }
0x28: {  	s2 =	sld [smem:$0x3FB0]  }
0x29: {  	s4 =	sld [smem:$0x3FB2]  }
0x2a: {  	p0 =	seq.s32 s5, $0x0;
	s5 =	sld [smem:$0x3FB3]  }
0x2b: {  	s6 =	sld [smem:$0x3FB4]  }
0x2c: {  	s7 =	sld [smem:$0x3FB5]  }
0x2d: {  	s3 =	simm.s32 $0x108;
	s8 =	sld [smem:$0x3FB6]  }
0x2e: {  	s3 =	simm.s32 @!p0 $0x1082;
	s9 =	sld [smem:$0x3FB7]  }
0x2f: {  	lr =	sadd.s32 s0, s3;
	s0 =	sld [smem:$0x3FAE]  }
0x30: {  	s3 =	sld [smem:$0x3FB1]  }
0x31: {  	[smem:$0x3FBA] =	sst s10  }
0x32: {  	s10 =	sld [smem:$0x3FB8];
	_ =	sdelay $0x3  }
0x33: {  	p0 =	seq.s32 s10, $0x1;
	s10 =	sld [smem:$0x3FBA];
	_ =	sdelay $0x3  }
0x34: {  	[smem:$0x3FBA] =	sst s10  }
0x35: {  	s10 =	sld [smem:$0x3FB9];
	_ =	sdelay $0x3  }
0x36: {  	p1 =	seq.s32 s10, $0x1;
	s10 =	sld [smem:$0x3FBA];
	_ =	sdelay $0x3  }
0x37: {  	[smem:$0x3FBA] =	sst s10  }
0x38: {  	s10 =	sld [smem:$0x3FBB]  }
0x39: {  	_ = 	snop;
	(pc) =	sbr.ind lr, $3  }
0x3a: {  	_ = 	snop  }
0x3b: {  	_ = 	snop  }
0x3c: {  	p2 =	seq.s32 s10, $0x1;
	s10 =	sld [smem:$0x3FBA]  }
0x3d: {  	_ =	shalt  }
0x3e: {  	_ =	shalt  }
0x3f: {  	_ =	shalt  }
0x40: {  	_ =	shalt  }
0x41: {  	_ =	shalt  }
0x42: {  	_ =	shalt  }
0x43: {  	_ =	shalt  }
0x44: {  	_ =	shalt  }
0x45: {  	_ =	shalt  }
0x46: {  	_ =	shalt  }
0x47: {  	_ =	shalt  }
0x48: {  	_ =	shalt  }
0x49: {  	_ =	shalt  }
0x4a: {  	_ =	shalt  }
0x4b: {  	_ =	shalt  }
0x4c: {  	_ =	shalt  }
0x4d: {  	_ =	shalt  }
0x4e: {  	_ =	shalt  }
0x4f: {  	_ =	shalt  }
0x50: {  	_ =	shalt  }
0x51: {  	_ =	shalt  }
0x52: {  	_ =	shalt  }
0x53: {  	_ =	shalt  }
0x54: {  	_ =	shalt  }
0x55: {  	_ =	shalt  }
0x56: {  	_ =	shalt  }
0x57: {  	_ =	shalt  }
0x58: {  	_ =	shalt  }
0x59: {  	_ =	shalt  }
0x5a: {  	_ =	shalt  }
0x5b: {  	_ =	shalt  }
0x5c: {  	_ =	shalt  }
0x5d: {  	_ =	shalt  }
0x5e: {  	_ =	shalt  }
0x5f: {  	_ =	shalt  }
0x60: {  	_ =	shalt  }
0x61: {  	_ =	shalt  }
0x62: {  	_ =	shalt  }
0x63: {  	_ =	shalt  }
0x64: {  	_ =	shalt  }
0x65: {  	_ =	shalt  }
0x66: {  	_ =	shalt  }
0x67: {  	_ =	shalt  }
0x68: {  	_ =	shalt  }
0x69: {  	_ =	shalt  }
0x6a: {  	_ =	shalt  }
0x6b: {  	_ =	shalt  }
0x6c: {  	_ =	shalt  }
0x6d: {  	_ =	shalt  }
0x6e: {  	_ =	shalt  }
0x6f: {  	_ =	shalt  }
0x70: {  	_ =	shalt  }
0x71: {  	_ =	shalt  }
0x72: {  	_ =	shalt  }
0x73: {  	_ =	shalt  }
0x74: {  	_ =	shalt  }
0x75: {  	_ =	shalt  }
0x76: {  	_ =	shalt  }
0x77: {  	_ =	shalt  }
0x78: {  	_ =	shalt  }
0x79: {  	_ =	shalt  }
0x7a: {  	_ =	shalt  }
0x7b: {  	_ =	shalt  }
0x7c: {  	_ =	shalt  }
0x7d: {  	_ =	shalt  }
0x7e: {  	_ =	shalt  }
0x7f: {  	_ =	shalt  }
0x80: {  	_ =	shalt  }
0x81: {  	_ =	shalt  }
0x82: {  	_ =	shalt  }
0x83: {  	_ =	shalt  }
0x84: {  	_ =	shalt  }
0x85: {  	_ =	shalt  }
0x86: {  	_ =	shalt  }
0x87: {  	_ =	shalt  }
.Lfunc_end0:
.L_simem_size_0:
called_computation_lowered:
.L_overlay_start_0:
0x88: {  	s2 =	sld [smem:$0x3FD9]  }
0x89: {  	s3 =	sld [smem:$0x3FFE];
	_ =	sdelay $0x1  }
0x8a: {  	s1 =	srdreg.scid  }
0x8b: {  	s0 =	sand.u32 $0x1, s1  }
0x8c: {  	s17 =	sshll.u32 s0, $0xA;
	s2 =	sadd.s32 s3, s2  }
0x8d: {  	s2 =	sadd.s32 s2, s17  }
0x8e: {  	[smem:$0x3FC6] =	sst s2  }
0x8f: {  	_ = 	snop  }
0x90: {  	s2 =	sld [smem:$0x3FC8]  }
0x91: {  	s18 =	sld [smem:$0x3FD0];
	(tm) =	ssettm $0x1  }
0x92: {  	s4 =	sld [smem:$0x3FFB];
	_ =	sdelay $0x3  }
0x93: {  	_ =	strace s4  }
0x94: {  	s4 =	sld [smem:$0x3FFC];
	_ =	sdelay $0x3  }
0x95: {  	_ =	strace s4  }
0x96: {  	s4 =	sld [smem:$0x3FFD];
	_ =	sdelay $0x3  }
0x97: {  	_ =	strace s4  }
0x98: {  	_ =	strace $0x8FFFFFFF  }
0x99: {  	s19 =	sld [smem:$0x3FDB];
	_ =	sdelay $0x1  }
0x9a: {  	s5 =	simm.s32 $_scs_section_size  }
0x9b: {  	s6 =	simm.s32 $_size__tile_overlayer_lowered;
	s7 =	simm.s32 $_tile_overlayer_lowered  }
0x9c: {  	s22 =	simm.s32 $0x1BFF;
	s21 =	sshll.u32 s7, $0x1;
	s4 =	sadd.s32 s5, s19  }
0x9d: {  	s8 =	simm.s32 $0x0;
	s20 =	sshll.u32 s6, $0x1;
	s6 =	sadd.s32 s21, s4  }
0x9e: {  	[timem:s8], [sflag:s22] =	dma.local [hbm:s6], s20  }
0x9f: {  	_ =	swait.ge [sflag:s22], s20  }
0xa0: {  	s5 =	ssub.s32 $0x0, s20;
	[sflag:s22] =	ssyncset.done $0x0  }
0xa1: {  	[sflag:s22] =	ssyncadd.s32 s5;
	_ =	sdelay $0x1  }
0xa2: {  	s23 =	simm.s32 $0x1B8B  }
0xa3: {  	_ =	swait.ge [sflag:s23], $0x1  }
0xa4: {  	[sflag:s23] =	ssyncset.done $0x0  }
0xa5: {  	s25 =	simm.s32 $0x1B8E;
	s24 =	sld [smem:$0x3FFE];
	[sflag:s23] =	ssyncadd.s32 $0xFFFFFFFF  }
0xa6: {  	s26 =	simm.s32 $execute0_lowered;
	[smem:$0x3FD2] =	sst s25  }
0xa7: {  	s6 =	sshll.u32 s26, $0x1;
	_ =	strace $0x80000046;
	[dreg:$0x1] =	wrdreg $0xFFFFFFFF  }
0xa8: {  	s28 =	simm.s32 $_size_execute0_lowered;
	s4 =	sadd.s32 s4, s6;
	[dreg:$0x0] =	wrdreg $0x0  }
0xa9: {  	s6 =	sshll.u32 s28, $0x1;
	[dreg:$0x2] =	wrdreg s4  }
0xaa: {  	[dreg:$0x3] =	wrdreg s6  }
0xab: {  	[dreg:$0x4] =	wrdreg $0xC0  }
0xac: {  	_ =	task [dreg:s8], $0x5FFFF  }
0xad: {  	[dreg:$0x1] =	wrdreg $0xFFFFFFFF  }
0xae: {  	[dreg:$0x0] =	wrdreg $0x60  }
0xaf: {  	[dreg:$0x2] =	wrdreg s24  }
0xb0: {  	[dreg:$0x3] =	wrdreg s2  }
0xb1: {  	[dreg:$0x4] =	wrdreg s18  }
0xb2: {  	[dreg:$0x5] =	wrdreg $0x9  }
0xb3: {  	_ =	task.clear_ibuf [dreg:s8], $0x6FFFF;
	_ =	strace $0x90000046  }
0xb4: {  	s29 =	simm.s32 $0x9;
	_ =	strace $0x80000048  }
0xb5: {  	_ =	swait.ge [sflag:s29], $0x1  }
0xb6: {  	[sflag:s29] =	ssyncadd.s32 $0xFFFFFFFF  }
0xb7: {  	_ =	strace $0x90000048  }
0xb8: {  	_ =	sfence  }
0xb9: {  	s30 =	sld [smem:$0x0];
	_ =	sdelay $0x2  }
0xba: {  	s31 =	sshll.u32 s1, $0xD;
	s1 =	sshrl.u32 s1, $0x2  }
0xbb: {  	s3 =	sand.u32 $0x4000, s31;
	s1 =	sadd.s32 s1, s30  }
0xbc: {  	s0 =	sor.u32 s3, s0;
	s1 =	sshll.u32 s1, $0x11  }
0xbd: {  	s0 =	sor.u32 s1, s0  }
0xbe: {  	s0 =	sadd.s32 $0x8F2B, s0  }
0xbf: {  	[sflag:s0] =	ssyncadd.remote.s32 $0x1  }
0xc0: {  	_ =	sfence.sel $0xFFFF  }
0xc1: {  	[dreg:$0x0] =	wrdreg $0xFFFFFFFF;
	(pc) =	sbr.abs _section_cstart, $3  }
0xc2: {  	[dreg:$0x1] =	wrdreg $0xFFFFFFFF  }
0xc3: {  	_ =	task.clear_ibuf [dreg:s8], $0x2FFFF;
	_ =	strace $0x9FFFFFFF  }
0xc4: {  	(tm) =	ssettm $0x7FFFFFFF  }
0xc5: {  	_ =	shalt  }
tec
execute0_lowered:
.L_overlay_start_1:
0x0: {  	(tag) =	ssettag $0x1  }
0x1: {  	s0 =	rddreg [dreg:$0x0]  }
0x2: {  	s2 =	rddreg [dreg:$0x1];
	s1 =	srdreg.scid  }
0x3: {  	s4 =	stileid.u32;
	s3 =	rddreg [dreg:$0x2];
	s13 =	simm.s32 $0x80  }
0x4: {  	s14 =	simm.s32 $0x1C00;
	s15 =	simm.s32 $0x5C00;
	s17 =	simm.s32 $0x9C00  }
0x5: {  	s19 =	simm.s32 $0xDC00;
	s21 =	simm.s32 $0x11C00;
	s22 =	simm.s32 $0x1  }
0x6: {  	s23 =	simm.s32 $0x2;
	s1 =	sand.u32 $0x1, s1;
	s4 =	sshll.u32 s4, $0x1  }
0x7: {  	s24 =	simm.s32 $0x3;
	s25 =	simm.s32 $0x4;
	s6 =	sor.u32 s1, s4  }
0x8: {  	s26 =	simm.s32 $0x5;
	s29 =	simm.s32 $0x7;
	s7 =	smul.u32 $0x380, s6  }
0x9: {  	s30 =	simm.s32 $0x8;
	s31 =	simm.s32 $0x9;
	s5 =	smul.u32 $0x1900, s6  }
0xa: {  	s4 =	simm.s32 $0x0;
	s1 =	ssub.s32 $0x2, s1;
	s10 =	smul.u32 $0xC8000, s6  }
.Ltmp0:
0xb: {  	[smem:$0x7FF] =	sst s4;
	s8 =	sshrl.u32 s1, $0x1;
	(pc) =	sbr.rel .LBB2_1-.Ltmp0, $4  }
0xc: {  	_ =	strace $0x80000047;
	s1 =	ssub.s32 s1, s8;
	s0 =	sadd.s32 s7, s0  }
0xd: {  	s7 =	sor.u32 $0x80, s5;
	s8 =	sadd.s32 $0x100, s5;
	s28 =	smax.u32 s1, $0x1  }
0xe: {  	s9 =	sadd.s32 $0x180, s5;
	s0 =	sadd.s32 $0x400, s0;
	[dreg:$0x5] =	wrdreg s28  }
0xf: {  	s1 =	simm.s32 $0xA;
	[dreg:$0x4] =	wrdreg s0;
	s0 =	simm.s32 $0x0  }
.LBB2_14:
0x10: {  	s6 =	simm.s32 $0x6  }
0x11: {  	_ =	swait.ge [sflag:s6], $0x4000  }
0x12: {  	[sflag:s6] =	ssyncset.done $0x0  }
0x13: {  	[sflag:s6] =	ssyncadd.s32 $0xFFFFC000  }
0x14: {  	_ =	swait.ge [sflag:s29], $0x4000  }
0x15: {  	[sflag:s29] =	ssyncset.done $0x0  }
0x16: {  	[sflag:s29] =	ssyncadd.s32 $0xFFFFC000  }
0x17: {  	_ =	swait.ge [sflag:s30], $0x4000  }
0x18: {  	[sflag:s30] =	ssyncset.done $0x0  }
0x19: {  	[sflag:s30] =	ssyncadd.s32 $0xFFFFC000  }
0x1a: {  	_ =	swait.ge [sflag:s31], $0x4000  }
0x1b: {  	[sflag:s31] =	ssyncset.done $0x0  }
0x1c: {  	[sflag:s31] =	ssyncadd.s32 $0xFFFFC000  }
0x1d: {  	_ =	swait.ge [sflag:s1], $0x4000  }
0x1e: {  	s0 =	sadd.s32 $0x1, s0;
	s28 =	rddreg [dreg:$0x5]  }
0x1f: {  	p0 =	sne.s32 s0, s28  }
.Ltmp1:
0x20: {  	_ = 	snop;
	(pc) =	sbr.rel @!p0 .LBB2_15-.Ltmp1, $3  }
0x21: {  	_ =	sdelay $0x1  }
0x22: {  	[sflag:s1] =	ssyncset.done $0x0  }
0x23: {  	[sflag:s1] =	ssyncadd.s32 $0xFFFFC000  }
.LBB2_1:
0x24: {  	s6 =	rddreg [dreg:$0x4];
	s16 =	simm.s32 $0xB  }
0x25: {  	[tilespmem:s4], [sflag:$0xB] =	stream.linear.gather [hbm4b:s6+s4], $0x1900, $0x38;
	[tilespmem:$0x15C00] =	vst v63  }
0x26: {  	_ =	swait.ge [sflag:s16], $0x1900  }
0x27: {  	[sflag:s16] =	ssyncset.done $0x0  }
0x28: {  	[sflag:s16] =	ssyncadd.s32 $0xFFFFE700  }
0x29: {  	[tilespmem:s14], [sflag:$0x1] =	stream.indirect.gather [hbm4b:s2+s13], $0x80, s4, s13, $0xb8;
	[tilespmem:$0x15C00] =	vst v63  }
0x2a: {  	_ = 	snop  }
0x2b: {  	[tilespmem:s15], [sflag:$0x2] =	stream.indirect.gather [hbm4b:s2+s13], $0x80, s13, s13, $0xb8;
	[tilespmem:$0x15C00] =	vst v63  }
0x2c: {  	s18 =	simm.s32 $0x100  }
0x2d: {  	[tilespmem:s17], [sflag:$0x3] =	stream.indirect.gather [hbm4b:s2+s13], $0x80, s18, s13, $0xb8;
	[tilespmem:$0x15C00] =	vst v63  }
0x2e: {  	s20 =	simm.s32 $0x180  }
0x2f: {  	[tilespmem:s19], [sflag:$0x4] =	stream.indirect.gather [hbm4b:s2+s13], $0x80, s20, s13, $0xb8;
	[tilespmem:$0x15C00] =	vst v63  }
0x30: {  	s28 =	simm.s32 $0x200;
	s16 =	simm.s32 $0x0  }
0x31: {  	[tilespmem:s21], [sflag:$0x5] =	stream.indirect.gather [hbm4b:s2+s13], $0x80, s28, s13, $0xb8;
	[tilespmem:$0x15C00] =	vst v63  }
.LBB2_2:
0x32: {  	_ =	swait.ge [sflag:s22], $0x4000  }
0x33: {  	[sflag:s22] =	ssyncset.done $0x0  }
0x34: {  	s6 =	simm.s32 $0x0;
	[sflag:s22] =	ssyncadd.s32 $0xFFFFC000  }
0x35: {  	v0 =	vld [tilespmem:s6+$0x1C00]  }
0x36: {  	v1 =	vld [tilespmem:s6+$0x1C10]  }
0x37: {  	v2 =	vld [tilespmem:s6+$0x1C20]  }
0x38: {  	v3 =	vld [tilespmem:s6+$0x1C30]  }
0x39: {  	v4 =	vld [tilespmem:s6+$0x1C40]  }
0x3a: {  	v5 =	vld [tilespmem:s6+$0x1C50];
	v0 =	vmul.f32 $1.131370830e+01, v0  }
0x3b: {  	v6 =	vld [tilespmem:s6+$0x1C60];
	v1 =	vmul.f32 $1.131370830e+01, v1  }
0x3c: {  	v2 =	vmul.f32 $1.131370830e+01, v2;
	[tilespmem:s6+$0x1C00] =	vst v0;
	v0 =	vld [tilespmem:s6+$0x1C70]  }
0x3d: {  	v3 =	vmul.f32 $1.131370830e+01, v3;
	[tilespmem:s6+$0x1C10] =	vst v1;
	v1 =	vld [tilespmem:s6+$0x1C80]  }
0x3e: {  	v4 =	vmul.f32 $1.131370830e+01, v4;
	[tilespmem:s6+$0x1C20] =	vst v2;
	v2 =	vld [tilespmem:s6+$0x1C90]  }
0x3f: {  	v5 =	vmul.f32 $1.131370830e+01, v5;
	[tilespmem:s6+$0x1C30] =	vst v3;
	v3 =	vld [tilespmem:s6+$0x1CA0]  }
0x40: {  	v6 =	vmul.f32 $1.131370830e+01, v6;
	[tilespmem:s6+$0x1C40] =	vst v4;
	v4 =	vld [tilespmem:s6+$0x1CB0]  }
0x41: {  	[tilespmem:s6+$0x1C50] =	vst v5;
	v5 =	vld [tilespmem:s6+$0x1CC0];
	v0 =	vmul.f32 $1.131370830e+01, v0  }
0x42: {  	[tilespmem:s6+$0x1C60] =	vst v6;
	v6 =	vld [tilespmem:s6+$0x1CD0];
	v1 =	vmul.f32 $1.131370830e+01, v1  }
0x43: {  	v2 =	vmul.f32 $1.131370830e+01, v2;
	[tilespmem:s6+$0x1C70] =	vst v0;
	v0 =	vld [tilespmem:s6+$0x1CE0]  }
0x44: {  	v3 =	vmul.f32 $1.131370830e+01, v3;
	[tilespmem:s6+$0x1C80] =	vst v1;
	v1 =	vld [tilespmem:s6+$0x1CF0]  }
0x45: {  	v4 =	vmul.f32 $1.131370830e+01, v4;
	[tilespmem:s6+$0x1C90] =	vst v2;
	v2 =	vld [tilespmem:s6+$0x1D00]  }
0x46: {  	v5 =	vmul.f32 $1.131370830e+01, v5;
	[tilespmem:s6+$0x1CA0] =	vst v3;
	v3 =	vld [tilespmem:s6+$0x1D10]  }
0x47: {  	v6 =	vmul.f32 $1.131370830e+01, v6;
	[tilespmem:s6+$0x1CB0] =	vst v4;
	v4 =	vld [tilespmem:s6+$0x1D20]  }
0x48: {  	[tilespmem:s6+$0x1CC0] =	vst v5;
	v5 =	vld [tilespmem:s6+$0x1D30];
	v0 =	vmul.f32 $1.131370830e+01, v0  }
0x49: {  	[tilespmem:s6+$0x1CD0] =	vst v6;
	v6 =	vld [tilespmem:s6+$0x1D40]  }
0x4a: {  	v1 =	vmul.f32 $1.131370830e+01, v1;
	[tilespmem:s6+$0x1CE0] =	vst v0;
	v0 =	vld [tilespmem:s6+$0x1D50]  }
0x4b: {  	v2 =	vmul.f32 $1.131370830e+01, v2  }
0x4c: {  	[tilespmem:s6+$0x1CF0] =	vst v1;
	v1 =	vmul.f32 $1.131370830e+01, v3;
	v3 =	vld [tilespmem:s6+$0x1D70]  }
0x4d: {  	v7 =	vld [tilespmem:s6+$0x1D60];
	[tilespmem:s6+$0x1D00] =	vst v2;
	v2 =	vmul.f32 $1.131370830e+01, v4  }
0x4e: {  	v4 =	vld [tilespmem:s6+$0x1D80];
	[tilespmem:s6+$0x1D10] =	vst v1;
	v1 =	vmul.f32 $1.131370830e+01, v5  }
0x4f: {  	[tilespmem:s6+$0x1D20] =	vst v2;
	v5 =	vld [tilespmem:s6+$0x1D90];
	v2 =	vmul.f32 $1.131370830e+01, v6;
	v6 =	vmul.f32 $1.131370830e+01, v0  }
0x50: {  	[tilespmem:s6+$0x1D30] =	vst v1;
	v1 =	vld [tilespmem:s6+$0x1DA0]  }
0x51: {  	v0 =	vld [tilespmem:s6+$0x1DB0];
	[tilespmem:s6+$0x1D50] =	vst v6;
	v6 =	vmul.f32 $1.131370830e+01, v3  }
0x52: {  	v7 =	vmul.f32 $1.131370830e+01, v7;
	[tilespmem:s6+$0x1D40] =	vst v2;
	v2 =	vld [tilespmem:s6+$0x1DC0]  }
0x53: {  	v3 =	vld [tilespmem:s6+$0x1DD0];
	[tilespmem:s6+$0x1D70] =	vst v6;
	v6 =	vmul.f32 $1.131370830e+01, v4  }
0x54: {  	s11 =	simm.s32 $0x800;
	[tilespmem:s6+$0x1D60] =	vst v7;
	v5 =	vmul.f32 $1.131370830e+01, v5;
	v4 =	vld [tilespmem:s6+$0x1DE0]  }
.LBB2_3:
0x55: {  	s12 =	sshra.s32 s11, $0x2;
	p0 =	sne.s32 s11, $0xF800;
	[tilespmem:s6+$0x1D80] =	vst v6;
	v1 =	vmul.f32 $1.131370830e+01, v1;
	v6 =	vld [tilespmem:s6+$0x1DF0]  }
0x56: {  	v7 =	vld [tilespmem:s12+$0x1C00];
	[tilespmem:s6+$0x1D90] =	vst v5;
	v0 =	vmul.f32 $1.131370830e+01, v0  }
0x57: {  	v5 =	vld [tilespmem:s12+$0x1C10];
	[tilespmem:s6+$0x1DA0] =	vst v1;
	v1 =	vmul.f32 $1.131370830e+01, v2  }
0x58: {  	v2 =	vld [tilespmem:s12+$0x1C20];
	[tilespmem:s6+$0x1DB0] =	vst v0;
	v0 =	vmul.f32 $1.131370830e+01, v3  }
0x59: {  	v3 =	vld [tilespmem:s12+$0x1C30];
	[tilespmem:s6+$0x1DC0] =	vst v1;
	v1 =	vmul.f32 $1.131370830e+01, v4  }
0x5a: {  	v4 =	vld [tilespmem:s12+$0x1C40];
	[tilespmem:s6+$0x1DD0] =	vst v0;
	v0 =	vmul.f32 $1.131370830e+01, v6  }
0x5b: {  	v6 =	vmul.f32 $1.131370830e+01, v7;
	v7 =	vld [tilespmem:s12+$0x1C50];
	[tilespmem:s6+$0x1DE0] =	vst v1  }
0x5c: {  	v1 =	vmul.f32 $1.131370830e+01, v5;
	v5 =	vld [tilespmem:s12+$0x1C60];
	[tilespmem:s6+$0x1DF0] =	vst v0;
	s6 =	smov.u32 s12  }
0x5d: {  	[tilespmem:s6+$0x1C00] =	vst v6;
	v0 =	vmul.f32 $1.131370830e+01, v2;
	v2 =	vld [tilespmem:s6+$0x1C70]  }
0x5e: {  	[tilespmem:s6+$0x1C10] =	vst v1;
	v1 =	vmul.f32 $1.131370830e+01, v3;
	v3 =	vld [tilespmem:s6+$0x1C80]  }
0x5f: {  	[tilespmem:s6+$0x1C20] =	vst v0;
	v0 =	vmul.f32 $1.131370830e+01, v4;
	v4 =	vld [tilespmem:s6+$0x1C90]  }
0x60: {  	[tilespmem:s6+$0x1C30] =	vst v1;
	v1 =	vmul.f32 $1.131370830e+01, v7;
	v6 =	vld [tilespmem:s6+$0x1CA0]  }
0x61: {  	[tilespmem:s6+$0x1C40] =	vst v0;
	v0 =	vmul.f32 $1.131370830e+01, v5;
	v5 =	vld [tilespmem:s6+$0x1CB0]  }
0x62: {  	[tilespmem:s6+$0x1C50] =	vst v1;
	v1 =	vmul.f32 $1.131370830e+01, v2;
	v2 =	vld [tilespmem:s6+$0x1CC0]  }
0x63: {  	[tilespmem:s6+$0x1C60] =	vst v0;
	v0 =	vmul.f32 $1.131370830e+01, v3;
	v3 =	vld [tilespmem:s6+$0x1CD0]  }
0x64: {  	[tilespmem:s6+$0x1C70] =	vst v1;
	v1 =	vmul.f32 $1.131370830e+01, v4;
	v4 =	vld [tilespmem:s6+$0x1CE0]  }
0x65: {  	[tilespmem:s6+$0x1C80] =	vst v0;
	v0 =	vmul.f32 $1.131370830e+01, v6;
	v6 =	vld [tilespmem:s6+$0x1CF0]  }
0x66: {  	[tilespmem:s6+$0x1C90] =	vst v1;
	v1 =	vmul.f32 $1.131370830e+01, v5;
	v5 =	vld [tilespmem:s6+$0x1D00]  }
0x67: {  	[tilespmem:s6+$0x1CA0] =	vst v0;
	v0 =	vmul.f32 $1.131370830e+01, v2;
	v2 =	vld [tilespmem:s6+$0x1D10]  }
0x68: {  	[tilespmem:s6+$0x1CB0] =	vst v1;
	v1 =	vmul.f32 $1.131370830e+01, v3;
	v3 =	vld [tilespmem:s6+$0x1D20]  }
0x69: {  	[tilespmem:s6+$0x1CC0] =	vst v0;
	v0 =	vmul.f32 $1.131370830e+01, v4;
	v4 =	vld [tilespmem:s6+$0x1D30]  }
0x6a: {  	[tilespmem:s6+$0x1CD0] =	vst v1;
	v1 =	vmul.f32 $1.131370830e+01, v6;
	v6 =	vld [tilespmem:s6+$0x1D40]  }
0x6b: {  	[tilespmem:s6+$0x1CE0] =	vst v0;
	v0 =	vmul.f32 $1.131370830e+01, v5;
	v5 =	vld [tilespmem:s6+$0x1D50]  }
0x6c: {  	[tilespmem:s6+$0x1CF0] =	vst v1;
	v1 =	vmul.f32 $1.131370830e+01, v2;
	v2 =	vld [tilespmem:s6+$0x1D60]  }
0x6d: {  	[tilespmem:s6+$0x1D00] =	vst v0;
	v0 =	vmul.f32 $1.131370830e+01, v3;
	v3 =	vld [tilespmem:s6+$0x1D70]  }
0x6e: {  	[tilespmem:s6+$0x1D10] =	vst v1;
	v1 =	vmul.f32 $1.131370830e+01, v4;
	v4 =	vld [tilespmem:s6+$0x1D80]  }
0x6f: {  	[tilespmem:s6+$0x1D20] =	vst v0;
	v0 =	vmul.f32 $1.131370830e+01, v6;
	v7 =	vld [tilespmem:s6+$0x1D90]  }
.Ltmp2:
0x70: {  	[tilespmem:s6+$0x1D30] =	vst v1;
	v5 =	vmul.f32 $1.131370830e+01, v5;
	v1 =	vld [tilespmem:s6+$0x1DA0];
	(pc) =	sbr.rel @p0 .LBB2_3-.Ltmp2, $4  }
0x71: {  	[tilespmem:s6+$0x1D40] =	vst v0;
	v6 =	vmul.f32 $1.131370830e+01, v2;
	v0 =	vld [tilespmem:s6+$0x1DB0]  }
0x72: {  	[tilespmem:s6+$0x1D50] =	vst v5;
	v5 =	vmul.f32 $1.131370830e+01, v3;
	v2 =	vld [tilespmem:s6+$0x1DC0]  }
0x73: {  	[tilespmem:s6+$0x1D60] =	vst v6;
	v6 =	vmul.f32 $1.131370830e+01, v4;
	v3 =	vld [tilespmem:s6+$0x1DD0]  }
0x74: {  	s11 =	sadd.s32 $0x800, s11;
	[tilespmem:s6+$0x1D70] =	vst v5;
	v5 =	vmul.f32 $1.131370830e+01, v7;
	v4 =	vld [tilespmem:s6+$0x1DE0]  }
0x75: {  	[tilespmem:s6+$0x1D80] =	vst v6;
	v1 =	vmul.f32 $1.131370830e+01, v1;
	v6 =	vld [tilespmem:s6+$0x1DF0]  }
0x76: {  	[tilespmem:s6+$0x1D90] =	vst v5;
	v0 =	vmul.f32 $1.131370830e+01, v0  }
0x77: {  	[tilespmem:s6+$0x1DA0] =	vst v1;
	v1 =	vmul.f32 $1.131370830e+01, v2  }
0x78: {  	s20 =	smul.u32 $0x280, s16;
	[tilespmem:s6+$0x1DB0] =	vst v0;
	v0 =	vmul.f32 $1.131370830e+01, v3  }
0x79: {  	s18 =	smul.u32 $0x5, s16;
	[tilespmem:s6+$0x1DC0] =	vst v1;
	v1 =	vmul.f32 $1.131370830e+01, v4  }
0x7a: {  	s11 =	sadd.s32 s5, s20;
	[tilespmem:s6+$0x1DD0] =	vst v0;
	v0 =	vmul.f32 $1.131370830e+01, v6  }
0x7b: {  	s28 =	sadd.s32 $0xFFFFFFFF, s18;
	s11 =	sshll.u32 s11, $0x4;
	[tilespmem:s6+$0x1DE0] =	vst v1  }
0x7c: {  	p0 =	sgt.u32 s28, $0x2C;
	s11 =	sadd.s32 s3, s11;
	[tilespmem:s6+$0x1DF0] =	vst v0  }
0x7d: {  	[hbm4b:s11+s4] =	stream.linear.scatter [tilespmem:s14], [sflag:$0x6], $0x4000, $0x38;
	[tilespmem:$0x15C00] =	vst v63  }
0x7e: {  	s11 =	simm.s32 @!p0 $0xA  }
0x7f: {  	s18 =	sadd.s32 $0x4, s18;
	_ =	swait.ge @!p0 [sflag:s11], $0x4000  }
0x80: {  	s12 =	simm.s32 @!p0 $0x11C00;
	s6 =	sshll.u32 @!p0 s18, $0x7;
	[sflag:s11] =	ssyncset.done @!p0 $0x0  }
0x81: {  	s6 =	sand.u32 @!p0 $0x3FFFFF80, s6;
	[sflag:s11] =	ssyncadd.s32 @!p0 $0xFFFFC000;
	s11 =	simm.s32 @!p0 $0x80  }
0x82: {  	[tilespmem:s12], [sflag:$0x5] =	stream.indirect.gather @!p0 [hbm4b:s2+s11], $0x80, s6, s11, $0xb8;
	[tilespmem:$0x15C00] =	vst v63  }
0x83: {  	_ =	swait.ge [sflag:s23], $0x4000  }
0x84: {  	[sflag:s23] =	ssyncset.done $0x0  }
0x85: {  	s6 =	simm.s32 $0x0;
	[sflag:s23] =	ssyncadd.s32 $0xFFFFC000  }
0x86: {  	v0 =	vld [tilespmem:s6+$0x5C00]  }
0x87: {  	v1 =	vld [tilespmem:s6+$0x5C10]  }
0x88: {  	v2 =	vld [tilespmem:s6+$0x5C20]  }
0x89: {  	v3 =	vld [tilespmem:s6+$0x5C30]  }
0x8a: {  	v4 =	vld [tilespmem:s6+$0x5C40]  }
0x8b: {  	v5 =	vld [tilespmem:s6+$0x5C50];
	v0 =	vmul.f32 $1.131370830e+01, v0  }
0x8c: {  	v6 =	vld [tilespmem:s6+$0x5C60];
	v1 =	vmul.f32 $1.131370830e+01, v1  }
0x8d: {  	v2 =	vmul.f32 $1.131370830e+01, v2;
	[tilespmem:s6+$0x5C00] =	vst v0;
	v0 =	vld [tilespmem:s6+$0x5C70]  }
0x8e: {  	v3 =	vmul.f32 $1.131370830e+01, v3;
	[tilespmem:s6+$0x5C10] =	vst v1;
	v1 =	vld [tilespmem:s6+$0x5C80]  }
0x8f: {  	v4 =	vmul.f32 $1.131370830e+01, v4;
	[tilespmem:s6+$0x5C20] =	vst v2;
	v2 =	vld [tilespmem:s6+$0x5C90]  }
0x90: {  	v5 =	vmul.f32 $1.131370830e+01, v5;
	[tilespmem:s6+$0x5C30] =	vst v3;
	v3 =	vld [tilespmem:s6+$0x5CA0]  }
0x91: {  	v6 =	vmul.f32 $1.131370830e+01, v6;
	[tilespmem:s6+$0x5C40] =	vst v4;
	v4 =	vld [tilespmem:s6+$0x5CB0]  }
0x92: {  	[tilespmem:s6+$0x5C50] =	vst v5;
	v5 =	vld [tilespmem:s6+$0x5CC0];
	v0 =	vmul.f32 $1.131370830e+01, v0  }
0x93: {  	[tilespmem:s6+$0x5C60] =	vst v6;
	v6 =	vld [tilespmem:s6+$0x5CD0];
	v1 =	vmul.f32 $1.131370830e+01, v1  }
0x94: {  	v2 =	vmul.f32 $1.131370830e+01, v2;
	[tilespmem:s6+$0x5C70] =	vst v0;
	v0 =	vld [tilespmem:s6+$0x5CE0]  }
0x95: {  	v3 =	vmul.f32 $1.131370830e+01, v3;
	[tilespmem:s6+$0x5C80] =	vst v1;
	v1 =	vld [tilespmem:s6+$0x5CF0]  }
0x96: {  	v4 =	vmul.f32 $1.131370830e+01, v4;
	[tilespmem:s6+$0x5C90] =	vst v2;
	v2 =	vld [tilespmem:s6+$0x5D00]  }
0x97: {  	v5 =	vmul.f32 $1.131370830e+01, v5;
	[tilespmem:s6+$0x5CA0] =	vst v3;
	v3 =	vld [tilespmem:s6+$0x5D10]  }
0x98: {  	v6 =	vmul.f32 $1.131370830e+01, v6;
	[tilespmem:s6+$0x5CB0] =	vst v4;
	v4 =	vld [tilespmem:s6+$0x5D20]  }
0x99: {  	[tilespmem:s6+$0x5CC0] =	vst v5;
	v5 =	vld [tilespmem:s6+$0x5D30];
	v0 =	vmul.f32 $1.131370830e+01, v0  }
0x9a: {  	[tilespmem:s6+$0x5CD0] =	vst v6;
	v6 =	vld [tilespmem:s6+$0x5D40]  }
0x9b: {  	v1 =	vmul.f32 $1.131370830e+01, v1;
	[tilespmem:s6+$0x5CE0] =	vst v0;
	v0 =	vld [tilespmem:s6+$0x5D50]  }
0x9c: {  	v2 =	vmul.f32 $1.131370830e+01, v2  }
0x9d: {  	[tilespmem:s6+$0x5CF0] =	vst v1;
	v1 =	vmul.f32 $1.131370830e+01, v3;
	v3 =	vld [tilespmem:s6+$0x5D70]  }
0x9e: {  	v7 =	vld [tilespmem:s6+$0x5D60];
	[tilespmem:s6+$0x5D00] =	vst v2;
	v2 =	vmul.f32 $1.131370830e+01, v4  }
0x9f: {  	v4 =	vld [tilespmem:s6+$0x5D80];
	[tilespmem:s6+$0x5D10] =	vst v1;
	v1 =	vmul.f32 $1.131370830e+01, v5  }
0xa0: {  	[tilespmem:s6+$0x5D20] =	vst v2;
	v5 =	vld [tilespmem:s6+$0x5D90];
	v2 =	vmul.f32 $1.131370830e+01, v6;
	v6 =	vmul.f32 $1.131370830e+01, v0  }
0xa1: {  	[tilespmem:s6+$0x5D30] =	vst v1;
	v1 =	vld [tilespmem:s6+$0x5DA0]  }
0xa2: {  	v0 =	vld [tilespmem:s6+$0x5DB0];
	[tilespmem:s6+$0x5D50] =	vst v6;
	v6 =	vmul.f32 $1.131370830e+01, v3  }
0xa3: {  	v7 =	vmul.f32 $1.131370830e+01, v7;
	[tilespmem:s6+$0x5D40] =	vst v2;
	v2 =	vld [tilespmem:s6+$0x5DC0]  }
0xa4: {  	v3 =	vld [tilespmem:s6+$0x5DD0];
	[tilespmem:s6+$0x5D70] =	vst v6;
	v6 =	vmul.f32 $1.131370830e+01, v4  }
0xa5: {  	s11 =	simm.s32 $0x800;
	[tilespmem:s6+$0x5D60] =	vst v7;
	v5 =	vmul.f32 $1.131370830e+01, v5;
	v4 =	vld [tilespmem:s6+$0x5DE0]  }
.LBB2_5:
0xa6: {  	s12 =	sshra.s32 s11, $0x2;
	p0 =	sne.s32 s11, $0xF800;
	[tilespmem:s6+$0x5D80] =	vst v6;
	v1 =	vmul.f32 $1.131370830e+01, v1;
	v6 =	vld [tilespmem:s6+$0x5DF0]  }
0xa7: {  	v7 =	vld [tilespmem:s12+$0x5C00];
	[tilespmem:s6+$0x5D90] =	vst v5;
	v0 =	vmul.f32 $1.131370830e+01, v0  }
0xa8: {  	v5 =	vld [tilespmem:s12+$0x5C10];
	[tilespmem:s6+$0x5DA0] =	vst v1;
	v1 =	vmul.f32 $1.131370830e+01, v2  }
0xa9: {  	v2 =	vld [tilespmem:s12+$0x5C20];
	[tilespmem:s6+$0x5DB0] =	vst v0;
	v0 =	vmul.f32 $1.131370830e+01, v3  }
0xaa: {  	v3 =	vld [tilespmem:s12+$0x5C30];
	[tilespmem:s6+$0x5DC0] =	vst v1;
	v1 =	vmul.f32 $1.131370830e+01, v4  }
0xab: {  	v4 =	vld [tilespmem:s12+$0x5C40];
	[tilespmem:s6+$0x5DD0] =	vst v0;
	v0 =	vmul.f32 $1.131370830e+01, v6  }
0xac: {  	v6 =	vmul.f32 $1.131370830e+01, v7;
	v7 =	vld [tilespmem:s12+$0x5C50];
	[tilespmem:s6+$0x5DE0] =	vst v1  }
0xad: {  	v1 =	vmul.f32 $1.131370830e+01, v5;
	v5 =	vld [tilespmem:s12+$0x5C60];
	[tilespmem:s6+$0x5DF0] =	vst v0;
	s6 =	smov.u32 s12  }
0xae: {  	[tilespmem:s6+$0x5C00] =	vst v6;
	v0 =	vmul.f32 $1.131370830e+01, v2;
	v2 =	vld [tilespmem:s6+$0x5C70]  }
0xaf: {  	[tilespmem:s6+$0x5C10] =	vst v1;
	v1 =	vmul.f32 $1.131370830e+01, v3;
	v3 =	vld [tilespmem:s6+$0x5C80]  }
0xb0: {  	[tilespmem:s6+$0x5C20] =	vst v0;
	v0 =	vmul.f32 $1.131370830e+01, v4;
	v4 =	vld [tilespmem:s6+$0x5C90]  }
0xb1: {  	[tilespmem:s6+$0x5C30] =	vst v1;
	v1 =	vmul.f32 $1.131370830e+01, v7;
	v6 =	vld [tilespmem:s6+$0x5CA0]  }
0xb2: {  	[tilespmem:s6+$0x5C40] =	vst v0;
	v0 =	vmul.f32 $1.131370830e+01, v5;
	v5 =	vld [tilespmem:s6+$0x5CB0]  }
0xb3: {  	[tilespmem:s6+$0x5C50] =	vst v1;
	v1 =	vmul.f32 $1.131370830e+01, v2;
	v2 =	vld [tilespmem:s6+$0x5CC0]  }
0xb4: {  	[tilespmem:s6+$0x5C60] =	vst v0;
	v0 =	vmul.f32 $1.131370830e+01, v3;
	v3 =	vld [tilespmem:s6+$0x5CD0]  }
0xb5: {  	[tilespmem:s6+$0x5C70] =	vst v1;
	v1 =	vmul.f32 $1.131370830e+01, v4;
	v4 =	vld [tilespmem:s6+$0x5CE0]  }
0xb6: {  	[tilespmem:s6+$0x5C80] =	vst v0;
	v0 =	vmul.f32 $1.131370830e+01, v6;
	v6 =	vld [tilespmem:s6+$0x5CF0]  }
0xb7: {  	[tilespmem:s6+$0x5C90] =	vst v1;
	v1 =	vmul.f32 $1.131370830e+01, v5;
	v5 =	vld [tilespmem:s6+$0x5D00]  }
0xb8: {  	[tilespmem:s6+$0x5CA0] =	vst v0;
	v0 =	vmul.f32 $1.131370830e+01, v2;
	v2 =	vld [tilespmem:s6+$0x5D10]  }
0xb9: {  	[tilespmem:s6+$0x5CB0] =	vst v1;
	v1 =	vmul.f32 $1.131370830e+01, v3;
	v3 =	vld [tilespmem:s6+$0x5D20]  }
0xba: {  	[tilespmem:s6+$0x5CC0] =	vst v0;
	v0 =	vmul.f32 $1.131370830e+01, v4;
	v4 =	vld [tilespmem:s6+$0x5D30]  }
0xbb: {  	[tilespmem:s6+$0x5CD0] =	vst v1;
	v1 =	vmul.f32 $1.131370830e+01, v6;
	v6 =	vld [tilespmem:s6+$0x5D40]  }
0xbc: {  	[tilespmem:s6+$0x5CE0] =	vst v0;
	v0 =	vmul.f32 $1.131370830e+01, v5;
	v5 =	vld [tilespmem:s6+$0x5D50]  }
0xbd: {  	[tilespmem:s6+$0x5CF0] =	vst v1;
	v1 =	vmul.f32 $1.131370830e+01, v2;
	v2 =	vld [tilespmem:s6+$0x5D60]  }
0xbe: {  	[tilespmem:s6+$0x5D00] =	vst v0;
	v0 =	vmul.f32 $1.131370830e+01, v3;
	v3 =	vld [tilespmem:s6+$0x5D70]  }
0xbf: {  	[tilespmem:s6+$0x5D10] =	vst v1;
	v1 =	vmul.f32 $1.131370830e+01, v4;
	v4 =	vld [tilespmem:s6+$0x5D80]  }
0xc0: {  	[tilespmem:s6+$0x5D20] =	vst v0;
	v0 =	vmul.f32 $1.131370830e+01, v6;
	v7 =	vld [tilespmem:s6+$0x5D90]  }
.Ltmp3:
0xc1: {  	[tilespmem:s6+$0x5D30] =	vst v1;
	v5 =	vmul.f32 $1.131370830e+01, v5;
	v1 =	vld [tilespmem:s6+$0x5DA0];
	(pc) =	sbr.rel @p0 .LBB2_5-.Ltmp3, $4  }
0xc2: {  	[tilespmem:s6+$0x5D40] =	vst v0;
	v6 =	vmul.f32 $1.131370830e+01, v2;
	v0 =	vld [tilespmem:s6+$0x5DB0]  }
0xc3: {  	[tilespmem:s6+$0x5D50] =	vst v5;
	v5 =	vmul.f32 $1.131370830e+01, v3;
	v2 =	vld [tilespmem:s6+$0x5DC0]  }
0xc4: {  	[tilespmem:s6+$0x5D60] =	vst v6;
	v6 =	vmul.f32 $1.131370830e+01, v4;
	v3 =	vld [tilespmem:s6+$0x5DD0]  }
0xc5: {  	s11 =	sadd.s32 $0x800, s11;
	[tilespmem:s6+$0x5D70] =	vst v5;
	v5 =	vmul.f32 $1.131370830e+01, v7;
	v4 =	vld [tilespmem:s6+$0x5DE0]  }
0xc6: {  	[tilespmem:s6+$0x5D80] =	vst v6;
	v1 =	vmul.f32 $1.131370830e+01, v1;
	v6 =	vld [tilespmem:s6+$0x5DF0]  }
0xc7: {  	[tilespmem:s6+$0x5D90] =	vst v5;
	v0 =	vmul.f32 $1.131370830e+01, v0  }
0xc8: {  	[tilespmem:s6+$0x5DA0] =	vst v1;
	v1 =	vmul.f32 $1.131370830e+01, v2  }
0xc9: {  	[tilespmem:s6+$0x5DB0] =	vst v0;
	v0 =	vmul.f32 $1.131370830e+01, v3  }
0xca: {  	[tilespmem:s6+$0x5DC0] =	vst v1;
	v1 =	vmul.f32 $1.131370830e+01, v4  }
0xcb: {  	s11 =	sadd.s32 s20, s7;
	[tilespmem:s6+$0x5DD0] =	vst v0;
	v0 =	vmul.f32 $1.131370830e+01, v6  }
0xcc: {  	p0 =	seq.s32 s16, $0x9;
	s11 =	sshll.u32 s11, $0x4;
	[tilespmem:s6+$0x5DE0] =	vst v1  }
0xcd: {  	s28 =	sadd.s32 s3, s11;
	[tilespmem:s6+$0x5DF0] =	vst v0;
	s6 =	simm.s32 @!p0 $0x6  }
0xce: {  	[hbm4b:s28+s4] =	stream.linear.scatter [tilespmem:s15], [sflag:$0x7], $0x4000, $0x38;
	[tilespmem:$0x15C00] =	vst v63  }
0xcf: {  	s11 =	smul.u32 @!p0 $0xA00, s16;
	_ =	swait.ge @!p0 [sflag:s6], $0x4000  }
0xd0: {  	[sflag:s6] =	ssyncset.done @!p0 $0x0  }
0xd1: {  	[sflag:s6] =	ssyncadd.s32 @!p0 $0xFFFFC000;
	s6 =	sshra.s32 @!p0 s11, $0x2  }
0xd2: {  	s12 =	simm.s32 @!p0 $0x80;
	s28 =	simm.s32 @!p0 $0x1C00;
	s11 =	sadd.s32 @!p0 $0x280, s6  }
0xd3: {  	[tilespmem:s28], [sflag:$0x1] =	stream.indirect.gather @!p0 [hbm4b:s2+s12], $0x80, s11, s12, $0xb8;
	[tilespmem:$0x15C00] =	vst v63  }
0xd4: {  	_ =	swait.ge [sflag:s24], $0x4000  }
0xd5: {  	[sflag:s24] =	ssyncset.done $0x0  }
0xd6: {  	s11 =	simm.s32 $0x0;
	[sflag:s24] =	ssyncadd.s32 $0xFFFFC000  }
0xd7: {  	v0 =	vld [tilespmem:s11+$0x9C00]  }
0xd8: {  	v1 =	vld [tilespmem:s11+$0x9C10]  }
0xd9: {  	v2 =	vld [tilespmem:s11+$0x9C20]  }
0xda: {  	v3 =	vld [tilespmem:s11+$0x9C30]  }
0xdb: {  	v4 =	vld [tilespmem:s11+$0x9C40]  }
0xdc: {  	v5 =	vld [tilespmem:s11+$0x9C50];
	v0 =	vmul.f32 $1.131370830e+01, v0  }
0xdd: {  	v6 =	vld [tilespmem:s11+$0x9C60];
	v1 =	vmul.f32 $1.131370830e+01, v1  }
0xde: {  	v2 =	vmul.f32 $1.131370830e+01, v2;
	[tilespmem:s11+$0x9C00] =	vst v0;
	v0 =	vld [tilespmem:s11+$0x9C70]  }
0xdf: {  	v3 =	vmul.f32 $1.131370830e+01, v3;
	[tilespmem:s11+$0x9C10] =	vst v1;
	v1 =	vld [tilespmem:s11+$0x9C80]  }
0xe0: {  	v4 =	vmul.f32 $1.131370830e+01, v4;
	[tilespmem:s11+$0x9C20] =	vst v2;
	v2 =	vld [tilespmem:s11+$0x9C90]  }
0xe1: {  	v5 =	vmul.f32 $1.131370830e+01, v5;
	[tilespmem:s11+$0x9C30] =	vst v3;
	v3 =	vld [tilespmem:s11+$0x9CA0]  }
0xe2: {  	v6 =	vmul.f32 $1.131370830e+01, v6;
	[tilespmem:s11+$0x9C40] =	vst v4;
	v4 =	vld [tilespmem:s11+$0x9CB0]  }
0xe3: {  	[tilespmem:s11+$0x9C50] =	vst v5;
	v5 =	vld [tilespmem:s11+$0x9CC0];
	v0 =	vmul.f32 $1.131370830e+01, v0  }
0xe4: {  	[tilespmem:s11+$0x9C60] =	vst v6;
	v6 =	vld [tilespmem:s11+$0x9CD0];
	v1 =	vmul.f32 $1.131370830e+01, v1  }
0xe5: {  	v2 =	vmul.f32 $1.131370830e+01, v2;
	[tilespmem:s11+$0x9C70] =	vst v0;
	v0 =	vld [tilespmem:s11+$0x9CE0]  }
0xe6: {  	v3 =	vmul.f32 $1.131370830e+01, v3;
	[tilespmem:s11+$0x9C80] =	vst v1;
	v1 =	vld [tilespmem:s11+$0x9CF0]  }
0xe7: {  	v4 =	vmul.f32 $1.131370830e+01, v4;
	[tilespmem:s11+$0x9C90] =	vst v2;
	v2 =	vld [tilespmem:s11+$0x9D00]  }
0xe8: {  	v5 =	vmul.f32 $1.131370830e+01, v5;
	[tilespmem:s11+$0x9CA0] =	vst v3;
	v3 =	vld [tilespmem:s11+$0x9D10]  }
0xe9: {  	v6 =	vmul.f32 $1.131370830e+01, v6;
	[tilespmem:s11+$0x9CB0] =	vst v4;
	v4 =	vld [tilespmem:s11+$0x9D20]  }
0xea: {  	[tilespmem:s11+$0x9CC0] =	vst v5;
	v5 =	vld [tilespmem:s11+$0x9D30];
	v0 =	vmul.f32 $1.131370830e+01, v0  }
0xeb: {  	[tilespmem:s11+$0x9CD0] =	vst v6;
	v6 =	vld [tilespmem:s11+$0x9D40]  }
0xec: {  	v1 =	vmul.f32 $1.131370830e+01, v1;
	[tilespmem:s11+$0x9CE0] =	vst v0;
	v0 =	vld [tilespmem:s11+$0x9D50]  }
0xed: {  	v2 =	vmul.f32 $1.131370830e+01, v2  }
0xee: {  	[tilespmem:s11+$0x9CF0] =	vst v1;
	v1 =	vmul.f32 $1.131370830e+01, v3;
	v3 =	vld [tilespmem:s11+$0x9D70]  }
0xef: {  	v7 =	vld [tilespmem:s11+$0x9D60];
	[tilespmem:s11+$0x9D00] =	vst v2;
	v2 =	vmul.f32 $1.131370830e+01, v4  }
0xf0: {  	v4 =	vld [tilespmem:s11+$0x9D80];
	[tilespmem:s11+$0x9D10] =	vst v1;
	v1 =	vmul.f32 $1.131370830e+01, v5  }
0xf1: {  	[tilespmem:s11+$0x9D20] =	vst v2;
	v5 =	vld [tilespmem:s11+$0x9D90];
	v2 =	vmul.f32 $1.131370830e+01, v6;
	v6 =	vmul.f32 $1.131370830e+01, v0  }
0xf2: {  	[tilespmem:s11+$0x9D30] =	vst v1;
	v1 =	vld [tilespmem:s11+$0x9DA0]  }
0xf3: {  	v0 =	vld [tilespmem:s11+$0x9DB0];
	[tilespmem:s11+$0x9D50] =	vst v6;
	v6 =	vmul.f32 $1.131370830e+01, v3  }
0xf4: {  	v7 =	vmul.f32 $1.131370830e+01, v7;
	[tilespmem:s11+$0x9D40] =	vst v2;
	v2 =	vld [tilespmem:s11+$0x9DC0]  }
0xf5: {  	v3 =	vld [tilespmem:s11+$0x9DD0];
	[tilespmem:s11+$0x9D70] =	vst v6;
	v6 =	vmul.f32 $1.131370830e+01, v4  }
0xf6: {  	s12 =	simm.s32 $0x800;
	[tilespmem:s11+$0x9D60] =	vst v7;
	v5 =	vmul.f32 $1.131370830e+01, v5;
	v4 =	vld [tilespmem:s11+$0x9DE0]  }
.LBB2_7:
0xf7: {  	s28 =	sshra.s32 s12, $0x2;
	p1 =	sne.s32 s12, $0xF800;
	[tilespmem:s11+$0x9D80] =	vst v6;
	v1 =	vmul.f32 $1.131370830e+01, v1;
	v6 =	vld [tilespmem:s11+$0x9DF0]  }
0xf8: {  	v7 =	vld [tilespmem:s28+$0x9C00];
	[tilespmem:s11+$0x9D90] =	vst v5;
	v0 =	vmul.f32 $1.131370830e+01, v0  }
0xf9: {  	v5 =	vld [tilespmem:s28+$0x9C10];
	[tilespmem:s11+$0x9DA0] =	vst v1;
	v1 =	vmul.f32 $1.131370830e+01, v2  }
0xfa: {  	v2 =	vld [tilespmem:s28+$0x9C20];
	[tilespmem:s11+$0x9DB0] =	vst v0;
	v0 =	vmul.f32 $1.131370830e+01, v3  }
0xfb: {  	v3 =	vld [tilespmem:s28+$0x9C30];
	[tilespmem:s11+$0x9DC0] =	vst v1;
	v1 =	vmul.f32 $1.131370830e+01, v4  }
0xfc: {  	v4 =	vld [tilespmem:s28+$0x9C40];
	[tilespmem:s11+$0x9DD0] =	vst v0;
	v0 =	vmul.f32 $1.131370830e+01, v6  }
0xfd: {  	v6 =	vmul.f32 $1.131370830e+01, v7;
	v7 =	vld [tilespmem:s28+$0x9C50];
	[tilespmem:s11+$0x9DE0] =	vst v1  }
0xfe: {  	v1 =	vmul.f32 $1.131370830e+01, v5;
	v5 =	vld [tilespmem:s28+$0x9C60];
	[tilespmem:s11+$0x9DF0] =	vst v0;
	s11 =	smov.u32 s28  }
0xff: {  	[tilespmem:s11+$0x9C00] =	vst v6;
	v0 =	vmul.f32 $1.131370830e+01, v2;
	v2 =	vld [tilespmem:s11+$0x9C70]  }
0x100: {  	[tilespmem:s11+$0x9C10] =	vst v1;
	v1 =	vmul.f32 $1.131370830e+01, v3;
	v3 =	vld [tilespmem:s11+$0x9C80]  }
0x101: {  	[tilespmem:s11+$0x9C20] =	vst v0;
	v0 =	vmul.f32 $1.131370830e+01, v4;
	v4 =	vld [tilespmem:s11+$0x9C90]  }
0x102: {  	[tilespmem:s11+$0x9C30] =	vst v1;
	v1 =	vmul.f32 $1.131370830e+01, v7;
	v6 =	vld [tilespmem:s11+$0x9CA0]  }
0x103: {  	[tilespmem:s11+$0x9C40] =	vst v0;
	v0 =	vmul.f32 $1.131370830e+01, v5;
	v5 =	vld [tilespmem:s11+$0x9CB0]  }
0x104: {  	[tilespmem:s11+$0x9C50] =	vst v1;
	v1 =	vmul.f32 $1.131370830e+01, v2;
	v2 =	vld [tilespmem:s11+$0x9CC0]  }
0x105: {  	[tilespmem:s11+$0x9C60] =	vst v0;
	v0 =	vmul.f32 $1.131370830e+01, v3;
	v3 =	vld [tilespmem:s11+$0x9CD0]  }
0x106: {  	[tilespmem:s11+$0x9C70] =	vst v1;
	v1 =	vmul.f32 $1.131370830e+01, v4;
	v4 =	vld [tilespmem:s11+$0x9CE0]  }
0x107: {  	[tilespmem:s11+$0x9C80] =	vst v0;
	v0 =	vmul.f32 $1.131370830e+01, v6;
	v6 =	vld [tilespmem:s11+$0x9CF0]  }
0x108: {  	[tilespmem:s11+$0x9C90] =	vst v1;
	v1 =	vmul.f32 $1.131370830e+01, v5;
	v5 =	vld [tilespmem:s11+$0x9D00]  }
0x109: {  	[tilespmem:s11+$0x9CA0] =	vst v0;
	v0 =	vmul.f32 $1.131370830e+01, v2;
	v2 =	vld [tilespmem:s11+$0x9D10]  }
0x10a: {  	[tilespmem:s11+$0x9CB0] =	vst v1;
	v1 =	vmul.f32 $1.131370830e+01, v3;
	v3 =	vld [tilespmem:s11+$0x9D20]  }
0x10b: {  	[tilespmem:s11+$0x9CC0] =	vst v0;
	v0 =	vmul.f32 $1.131370830e+01, v4;
	v4 =	vld [tilespmem:s11+$0x9D30]  }
0x10c: {  	[tilespmem:s11+$0x9CD0] =	vst v1;
	v1 =	vmul.f32 $1.131370830e+01, v6;
	v6 =	vld [tilespmem:s11+$0x9D40]  }
0x10d: {  	[tilespmem:s11+$0x9CE0] =	vst v0;
	v0 =	vmul.f32 $1.131370830e+01, v5;
	v5 =	vld [tilespmem:s11+$0x9D50]  }
0x10e: {  	[tilespmem:s11+$0x9CF0] =	vst v1;
	v1 =	vmul.f32 $1.131370830e+01, v2;
	v2 =	vld [tilespmem:s11+$0x9D60]  }
0x10f: {  	[tilespmem:s11+$0x9D00] =	vst v0;
	v0 =	vmul.f32 $1.131370830e+01, v3;
	v3 =	vld [tilespmem:s11+$0x9D70]  }
0x110: {  	[tilespmem:s11+$0x9D10] =	vst v1;
	v1 =	vmul.f32 $1.131370830e+01, v4;
	v4 =	vld [tilespmem:s11+$0x9D80]  }
0x111: {  	[tilespmem:s11+$0x9D20] =	vst v0;
	v0 =	vmul.f32 $1.131370830e+01, v6;
	v7 =	vld [tilespmem:s11+$0x9D90]  }
.Ltmp4:
0x112: {  	[tilespmem:s11+$0x9D30] =	vst v1;
	v5 =	vmul.f32 $1.131370830e+01, v5;
	v1 =	vld [tilespmem:s11+$0x9DA0];
	(pc) =	sbr.rel @p1 .LBB2_7-.Ltmp4, $4  }
0x113: {  	[tilespmem:s11+$0x9D40] =	vst v0;
	v6 =	vmul.f32 $1.131370830e+01, v2;
	v0 =	vld [tilespmem:s11+$0x9DB0]  }
0x114: {  	[tilespmem:s11+$0x9D50] =	vst v5;
	v5 =	vmul.f32 $1.131370830e+01, v3;
	v2 =	vld [tilespmem:s11+$0x9DC0]  }
0x115: {  	[tilespmem:s11+$0x9D60] =	vst v6;
	v6 =	vmul.f32 $1.131370830e+01, v4;
	v3 =	vld [tilespmem:s11+$0x9DD0]  }
0x116: {  	s12 =	sadd.s32 $0x800, s12;
	[tilespmem:s11+$0x9D70] =	vst v5;
	v5 =	vmul.f32 $1.131370830e+01, v7;
	v4 =	vld [tilespmem:s11+$0x9DE0]  }
0x117: {  	[tilespmem:s11+$0x9D80] =	vst v6;
	v1 =	vmul.f32 $1.131370830e+01, v1;
	v6 =	vld [tilespmem:s11+$0x9DF0]  }
0x118: {  	[tilespmem:s11+$0x9D90] =	vst v5;
	v0 =	vmul.f32 $1.131370830e+01, v0  }
0x119: {  	[tilespmem:s11+$0x9DA0] =	vst v1;
	v1 =	vmul.f32 $1.131370830e+01, v2  }
0x11a: {  	[tilespmem:s11+$0x9DB0] =	vst v0;
	v0 =	vmul.f32 $1.131370830e+01, v3  }
0x11b: {  	[tilespmem:s11+$0x9DC0] =	vst v1;
	v1 =	vmul.f32 $1.131370830e+01, v4  }
0x11c: {  	s12 =	sadd.s32 s20, s8;
	[tilespmem:s11+$0x9DD0] =	vst v0;
	v0 =	vmul.f32 $1.131370830e+01, v6  }
0x11d: {  	s12 =	sshll.u32 s12, $0x4;
	[tilespmem:s11+$0x9DE0] =	vst v1  }
0x11e: {  	s28 =	sadd.s32 s3, s12;
	[tilespmem:s11+$0x9DF0] =	vst v0;
	s11 =	simm.s32 @!p0 $0x7  }
0x11f: {  	[hbm4b:s28+s4] =	stream.linear.scatter [tilespmem:s17], [sflag:$0x8], $0x4000, $0x38;
	[tilespmem:$0x15C00] =	vst v63  }
0x120: {  	_ =	swait.ge @!p0 [sflag:s11], $0x4000  }
0x121: {  	s12 =	simm.s32 @!p0 $0x80;
	[sflag:s11] =	ssyncset.done @!p0 $0x0  }
0x122: {  	s28 =	simm.s32 @!p0 $0x5C00;
	[sflag:s11] =	ssyncadd.s32 @!p0 $0xFFFFC000;
	s11 =	sadd.s32 @!p0 $0x300, s6  }
0x123: {  	[tilespmem:s28], [sflag:$0x2] =	stream.indirect.gather @!p0 [hbm4b:s2+s12], $0x80, s11, s12, $0xb8;
	[tilespmem:$0x15C00] =	vst v63  }
0x124: {  	_ =	swait.ge [sflag:s25], $0x4000  }
0x125: {  	[sflag:s25] =	ssyncset.done $0x0  }
0x126: {  	s11 =	simm.s32 $0x0;
	[sflag:s25] =	ssyncadd.s32 $0xFFFFC000  }
0x127: {  	v0 =	vld [tilespmem:s11+$0xDC00]  }
0x128: {  	v1 =	vld [tilespmem:s11+$0xDC10]  }
0x129: {  	v2 =	vld [tilespmem:s11+$0xDC20]  }
0x12a: {  	v3 =	vld [tilespmem:s11+$0xDC30]  }
0x12b: {  	v4 =	vld [tilespmem:s11+$0xDC40]  }
0x12c: {  	v5 =	vld [tilespmem:s11+$0xDC50];
	v0 =	vmul.f32 $1.131370830e+01, v0  }
0x12d: {  	v6 =	vld [tilespmem:s11+$0xDC60];
	v1 =	vmul.f32 $1.131370830e+01, v1  }
0x12e: {  	v2 =	vmul.f32 $1.131370830e+01, v2;
	[tilespmem:s11+$0xDC00] =	vst v0;
	v0 =	vld [tilespmem:s11+$0xDC70]  }
0x12f: {  	v3 =	vmul.f32 $1.131370830e+01, v3;
	[tilespmem:s11+$0xDC10] =	vst v1;
	v1 =	vld [tilespmem:s11+$0xDC80]  }
0x130: {  	v4 =	vmul.f32 $1.131370830e+01, v4;
	[tilespmem:s11+$0xDC20] =	vst v2;
	v2 =	vld [tilespmem:s11+$0xDC90]  }
0x131: {  	v5 =	vmul.f32 $1.131370830e+01, v5;
	[tilespmem:s11+$0xDC30] =	vst v3;
	v3 =	vld [tilespmem:s11+$0xDCA0]  }
0x132: {  	v6 =	vmul.f32 $1.131370830e+01, v6;
	[tilespmem:s11+$0xDC40] =	vst v4;
	v4 =	vld [tilespmem:s11+$0xDCB0]  }
0x133: {  	[tilespmem:s11+$0xDC50] =	vst v5;
	v5 =	vld [tilespmem:s11+$0xDCC0];
	v0 =	vmul.f32 $1.131370830e+01, v0  }
0x134: {  	[tilespmem:s11+$0xDC60] =	vst v6;
	v6 =	vld [tilespmem:s11+$0xDCD0];
	v1 =	vmul.f32 $1.131370830e+01, v1  }
0x135: {  	v2 =	vmul.f32 $1.131370830e+01, v2;
	[tilespmem:s11+$0xDC70] =	vst v0;
	v0 =	vld [tilespmem:s11+$0xDCE0]  }
0x136: {  	v3 =	vmul.f32 $1.131370830e+01, v3;
	[tilespmem:s11+$0xDC80] =	vst v1;
	v1 =	vld [tilespmem:s11+$0xDCF0]  }
0x137: {  	v4 =	vmul.f32 $1.131370830e+01, v4;
	[tilespmem:s11+$0xDC90] =	vst v2;
	v2 =	vld [tilespmem:s11+$0xDD00]  }
0x138: {  	v5 =	vmul.f32 $1.131370830e+01, v5;
	[tilespmem:s11+$0xDCA0] =	vst v3;
	v3 =	vld [tilespmem:s11+$0xDD10]  }
0x139: {  	v6 =	vmul.f32 $1.131370830e+01, v6;
	[tilespmem:s11+$0xDCB0] =	vst v4;
	v4 =	vld [tilespmem:s11+$0xDD20]  }
0x13a: {  	[tilespmem:s11+$0xDCC0] =	vst v5;
	v5 =	vld [tilespmem:s11+$0xDD30];
	v0 =	vmul.f32 $1.131370830e+01, v0  }
0x13b: {  	[tilespmem:s11+$0xDCD0] =	vst v6;
	v6 =	vld [tilespmem:s11+$0xDD40]  }
0x13c: {  	v1 =	vmul.f32 $1.131370830e+01, v1;
	[tilespmem:s11+$0xDCE0] =	vst v0;
	v0 =	vld [tilespmem:s11+$0xDD50]  }
0x13d: {  	v2 =	vmul.f32 $1.131370830e+01, v2  }
0x13e: {  	[tilespmem:s11+$0xDCF0] =	vst v1;
	v1 =	vmul.f32 $1.131370830e+01, v3;
	v3 =	vld [tilespmem:s11+$0xDD70]  }
0x13f: {  	v7 =	vld [tilespmem:s11+$0xDD60];
	[tilespmem:s11+$0xDD00] =	vst v2;
	v2 =	vmul.f32 $1.131370830e+01, v4  }
0x140: {  	v4 =	vld [tilespmem:s11+$0xDD80];
	[tilespmem:s11+$0xDD10] =	vst v1;
	v1 =	vmul.f32 $1.131370830e+01, v5  }
0x141: {  	[tilespmem:s11+$0xDD20] =	vst v2;
	v5 =	vld [tilespmem:s11+$0xDD90];
	v2 =	vmul.f32 $1.131370830e+01, v6;
	v6 =	vmul.f32 $1.131370830e+01, v0  }
0x142: {  	[tilespmem:s11+$0xDD30] =	vst v1;
	v1 =	vld [tilespmem:s11+$0xDDA0]  }
0x143: {  	v0 =	vld [tilespmem:s11+$0xDDB0];
	[tilespmem:s11+$0xDD50] =	vst v6;
	v6 =	vmul.f32 $1.131370830e+01, v3  }
0x144: {  	v7 =	vmul.f32 $1.131370830e+01, v7;
	[tilespmem:s11+$0xDD40] =	vst v2;
	v2 =	vld [tilespmem:s11+$0xDDC0]  }
0x145: {  	v3 =	vld [tilespmem:s11+$0xDDD0];
	[tilespmem:s11+$0xDD70] =	vst v6;
	v6 =	vmul.f32 $1.131370830e+01, v4  }
0x146: {  	s12 =	simm.s32 $0x800;
	[tilespmem:s11+$0xDD60] =	vst v7;
	v5 =	vmul.f32 $1.131370830e+01, v5;
	v4 =	vld [tilespmem:s11+$0xDDE0]  }
.LBB2_9:
0x147: {  	s28 =	sshra.s32 s12, $0x2;
	p1 =	sne.s32 s12, $0xF800;
	[tilespmem:s11+$0xDD80] =	vst v6;
	v1 =	vmul.f32 $1.131370830e+01, v1;
	v6 =	vld [tilespmem:s11+$0xDDF0]  }
0x148: {  	v7 =	vld [tilespmem:s28+$0xDC00];
	[tilespmem:s11+$0xDD90] =	vst v5;
	v0 =	vmul.f32 $1.131370830e+01, v0  }
0x149: {  	v5 =	vld [tilespmem:s28+$0xDC10];
	[tilespmem:s11+$0xDDA0] =	vst v1;
	v1 =	vmul.f32 $1.131370830e+01, v2  }
0x14a: {  	v2 =	vld [tilespmem:s28+$0xDC20];
	[tilespmem:s11+$0xDDB0] =	vst v0;
	v0 =	vmul.f32 $1.131370830e+01, v3  }
0x14b: {  	v3 =	vld [tilespmem:s28+$0xDC30];
	[tilespmem:s11+$0xDDC0] =	vst v1;
	v1 =	vmul.f32 $1.131370830e+01, v4  }
0x14c: {  	v4 =	vld [tilespmem:s28+$0xDC40];
	[tilespmem:s11+$0xDDD0] =	vst v0;
	v0 =	vmul.f32 $1.131370830e+01, v6  }
0x14d: {  	v6 =	vmul.f32 $1.131370830e+01, v7;
	v7 =	vld [tilespmem:s28+$0xDC50];
	[tilespmem:s11+$0xDDE0] =	vst v1  }
0x14e: {  	v1 =	vmul.f32 $1.131370830e+01, v5;
	v5 =	vld [tilespmem:s28+$0xDC60];
	[tilespmem:s11+$0xDDF0] =	vst v0;
	s11 =	smov.u32 s28  }
0x14f: {  	[tilespmem:s11+$0xDC00] =	vst v6;
	v0 =	vmul.f32 $1.131370830e+01, v2;
	v2 =	vld [tilespmem:s11+$0xDC70]  }
0x150: {  	[tilespmem:s11+$0xDC10] =	vst v1;
	v1 =	vmul.f32 $1.131370830e+01, v3;
	v3 =	vld [tilespmem:s11+$0xDC80]  }
0x151: {  	[tilespmem:s11+$0xDC20] =	vst v0;
	v0 =	vmul.f32 $1.131370830e+01, v4;
	v4 =	vld [tilespmem:s11+$0xDC90]  }
0x152: {  	[tilespmem:s11+$0xDC30] =	vst v1;
	v1 =	vmul.f32 $1.131370830e+01, v7;
	v6 =	vld [tilespmem:s11+$0xDCA0]  }
0x153: {  	[tilespmem:s11+$0xDC40] =	vst v0;
	v0 =	vmul.f32 $1.131370830e+01, v5;
	v5 =	vld [tilespmem:s11+$0xDCB0]  }
0x154: {  	[tilespmem:s11+$0xDC50] =	vst v1;
	v1 =	vmul.f32 $1.131370830e+01, v2;
	v2 =	vld [tilespmem:s11+$0xDCC0]  }
0x155: {  	[tilespmem:s11+$0xDC60] =	vst v0;
	v0 =	vmul.f32 $1.131370830e+01, v3;
	v3 =	vld [tilespmem:s11+$0xDCD0]  }
0x156: {  	[tilespmem:s11+$0xDC70] =	vst v1;
	v1 =	vmul.f32 $1.131370830e+01, v4;
	v4 =	vld [tilespmem:s11+$0xDCE0]  }
0x157: {  	[tilespmem:s11+$0xDC80] =	vst v0;
	v0 =	vmul.f32 $1.131370830e+01, v6;
	v6 =	vld [tilespmem:s11+$0xDCF0]  }
0x158: {  	[tilespmem:s11+$0xDC90] =	vst v1;
	v1 =	vmul.f32 $1.131370830e+01, v5;
	v5 =	vld [tilespmem:s11+$0xDD00]  }
0x159: {  	[tilespmem:s11+$0xDCA0] =	vst v0;
	v0 =	vmul.f32 $1.131370830e+01, v2;
	v2 =	vld [tilespmem:s11+$0xDD10]  }
0x15a: {  	[tilespmem:s11+$0xDCB0] =	vst v1;
	v1 =	vmul.f32 $1.131370830e+01, v3;
	v3 =	vld [tilespmem:s11+$0xDD20]  }
0x15b: {  	[tilespmem:s11+$0xDCC0] =	vst v0;
	v0 =	vmul.f32 $1.131370830e+01, v4;
	v4 =	vld [tilespmem:s11+$0xDD30]  }
0x15c: {  	[tilespmem:s11+$0xDCD0] =	vst v1;
	v1 =	vmul.f32 $1.131370830e+01, v6;
	v6 =	vld [tilespmem:s11+$0xDD40]  }
0x15d: {  	[tilespmem:s11+$0xDCE0] =	vst v0;
	v0 =	vmul.f32 $1.131370830e+01, v5;
	v5 =	vld [tilespmem:s11+$0xDD50]  }
0x15e: {  	[tilespmem:s11+$0xDCF0] =	vst v1;
	v1 =	vmul.f32 $1.131370830e+01, v2;
	v2 =	vld [tilespmem:s11+$0xDD60]  }
0x15f: {  	[tilespmem:s11+$0xDD00] =	vst v0;
	v0 =	vmul.f32 $1.131370830e+01, v3;
	v3 =	vld [tilespmem:s11+$0xDD70]  }
0x160: {  	[tilespmem:s11+$0xDD10] =	vst v1;
	v1 =	vmul.f32 $1.131370830e+01, v4;
	v4 =	vld [tilespmem:s11+$0xDD80]  }
0x161: {  	[tilespmem:s11+$0xDD20] =	vst v0;
	v0 =	vmul.f32 $1.131370830e+01, v6;
	v7 =	vld [tilespmem:s11+$0xDD90]  }
.Ltmp5:
0x162: {  	[tilespmem:s11+$0xDD30] =	vst v1;
	v5 =	vmul.f32 $1.131370830e+01, v5;
	v1 =	vld [tilespmem:s11+$0xDDA0];
	(pc) =	sbr.rel @p1 .LBB2_9-.Ltmp5, $4  }
0x163: {  	[tilespmem:s11+$0xDD40] =	vst v0;
	v6 =	vmul.f32 $1.131370830e+01, v2;
	v0 =	vld [tilespmem:s11+$0xDDB0]  }
0x164: {  	[tilespmem:s11+$0xDD50] =	vst v5;
	v5 =	vmul.f32 $1.131370830e+01, v3;
	v2 =	vld [tilespmem:s11+$0xDDC0]  }
0x165: {  	[tilespmem:s11+$0xDD60] =	vst v6;
	v6 =	vmul.f32 $1.131370830e+01, v4;
	v3 =	vld [tilespmem:s11+$0xDDD0]  }
0x166: {  	s12 =	sadd.s32 $0x800, s12;
	[tilespmem:s11+$0xDD70] =	vst v5;
	v5 =	vmul.f32 $1.131370830e+01, v7;
	v4 =	vld [tilespmem:s11+$0xDDE0]  }
0x167: {  	[tilespmem:s11+$0xDD80] =	vst v6;
	v1 =	vmul.f32 $1.131370830e+01, v1;
	v6 =	vld [tilespmem:s11+$0xDDF0]  }
0x168: {  	[tilespmem:s11+$0xDD90] =	vst v5;
	v0 =	vmul.f32 $1.131370830e+01, v0  }
0x169: {  	[tilespmem:s11+$0xDDA0] =	vst v1;
	v1 =	vmul.f32 $1.131370830e+01, v2  }
0x16a: {  	[tilespmem:s11+$0xDDB0] =	vst v0;
	v0 =	vmul.f32 $1.131370830e+01, v3  }
0x16b: {  	[tilespmem:s11+$0xDDC0] =	vst v1;
	v1 =	vmul.f32 $1.131370830e+01, v4  }
0x16c: {  	s12 =	sadd.s32 s20, s9;
	[tilespmem:s11+$0xDDD0] =	vst v0;
	v0 =	vmul.f32 $1.131370830e+01, v6  }
0x16d: {  	s12 =	sshll.u32 s12, $0x4;
	[tilespmem:s11+$0xDDE0] =	vst v1  }
0x16e: {  	s28 =	sadd.s32 s3, s12;
	[tilespmem:s11+$0xDDF0] =	vst v0;
	s11 =	simm.s32 @!p0 $0x8  }
0x16f: {  	[hbm4b:s28+s4] =	stream.linear.scatter [tilespmem:s19], [sflag:$0x9], $0x4000, $0x38;
	[tilespmem:$0x15C00] =	vst v63  }
0x170: {  	_ =	swait.ge @!p0 [sflag:s11], $0x4000  }
0x171: {  	s6 =	sadd.s32 @!p0 $0x380, s6;
	[sflag:s11] =	ssyncset.done @!p0 $0x0  }
0x172: {  	s12 =	simm.s32 @!p0 $0x9C00;
	[sflag:s11] =	ssyncadd.s32 @!p0 $0xFFFFC000;
	s11 =	simm.s32 @!p0 $0x80  }
0x173: {  	[tilespmem:s12], [sflag:$0x3] =	stream.indirect.gather @!p0 [hbm4b:s2+s11], $0x80, s6, s11, $0xb8;
	[tilespmem:$0x15C00] =	vst v63  }
0x174: {  	_ =	swait.ge [sflag:s26], $0x4000  }
0x175: {  	[sflag:s26] =	ssyncset.done $0x0  }
0x176: {  	s6 =	simm.s32 $0x0;
	[sflag:s26] =	ssyncadd.s32 $0xFFFFC000  }
0x177: {  	v0 =	vld [tilespmem:s6+$0x11C00]  }
0x178: {  	v1 =	vld [tilespmem:s6+$0x11C10]  }
0x179: {  	v2 =	vld [tilespmem:s6+$0x11C20]  }
0x17a: {  	v3 =	vld [tilespmem:s6+$0x11C30]  }
0x17b: {  	v4 =	vld [tilespmem:s6+$0x11C40]  }
0x17c: {  	v5 =	vld [tilespmem:s6+$0x11C50];
	v0 =	vmul.f32 $1.131370830e+01, v0  }
0x17d: {  	v6 =	vld [tilespmem:s6+$0x11C60];
	v1 =	vmul.f32 $1.131370830e+01, v1  }
0x17e: {  	v2 =	vmul.f32 $1.131370830e+01, v2;
	[tilespmem:s6+$0x11C00] =	vst v0;
	v0 =	vld [tilespmem:s6+$0x11C70]  }
0x17f: {  	v3 =	vmul.f32 $1.131370830e+01, v3;
	[tilespmem:s6+$0x11C10] =	vst v1;
	v1 =	vld [tilespmem:s6+$0x11C80]  }
0x180: {  	v4 =	vmul.f32 $1.131370830e+01, v4;
	[tilespmem:s6+$0x11C20] =	vst v2;
	v2 =	vld [tilespmem:s6+$0x11C90]  }
0x181: {  	v5 =	vmul.f32 $1.131370830e+01, v5;
	[tilespmem:s6+$0x11C30] =	vst v3;
	v3 =	vld [tilespmem:s6+$0x11CA0]  }
0x182: {  	v6 =	vmul.f32 $1.131370830e+01, v6;
	[tilespmem:s6+$0x11C40] =	vst v4;
	v4 =	vld [tilespmem:s6+$0x11CB0]  }
0x183: {  	[tilespmem:s6+$0x11C50] =	vst v5;
	v5 =	vld [tilespmem:s6+$0x11CC0];
	v0 =	vmul.f32 $1.131370830e+01, v0  }
0x184: {  	[tilespmem:s6+$0x11C60] =	vst v6;
	v6 =	vld [tilespmem:s6+$0x11CD0];
	v1 =	vmul.f32 $1.131370830e+01, v1  }
0x185: {  	v2 =	vmul.f32 $1.131370830e+01, v2;
	[tilespmem:s6+$0x11C70] =	vst v0;
	v0 =	vld [tilespmem:s6+$0x11CE0]  }
0x186: {  	v3 =	vmul.f32 $1.131370830e+01, v3;
	[tilespmem:s6+$0x11C80] =	vst v1;
	v1 =	vld [tilespmem:s6+$0x11CF0]  }
0x187: {  	v4 =	vmul.f32 $1.131370830e+01, v4;
	[tilespmem:s6+$0x11C90] =	vst v2;
	v2 =	vld [tilespmem:s6+$0x11D00]  }
0x188: {  	v5 =	vmul.f32 $1.131370830e+01, v5;
	[tilespmem:s6+$0x11CA0] =	vst v3;
	v3 =	vld [tilespmem:s6+$0x11D10]  }
0x189: {  	v6 =	vmul.f32 $1.131370830e+01, v6;
	[tilespmem:s6+$0x11CB0] =	vst v4;
	v4 =	vld [tilespmem:s6+$0x11D20]  }
0x18a: {  	[tilespmem:s6+$0x11CC0] =	vst v5;
	v5 =	vld [tilespmem:s6+$0x11D30];
	v0 =	vmul.f32 $1.131370830e+01, v0  }
0x18b: {  	[tilespmem:s6+$0x11CD0] =	vst v6;
	v6 =	vld [tilespmem:s6+$0x11D40]  }
0x18c: {  	v1 =	vmul.f32 $1.131370830e+01, v1;
	[tilespmem:s6+$0x11CE0] =	vst v0;
	v0 =	vld [tilespmem:s6+$0x11D50]  }
0x18d: {  	v2 =	vmul.f32 $1.131370830e+01, v2  }
0x18e: {  	[tilespmem:s6+$0x11CF0] =	vst v1;
	v1 =	vmul.f32 $1.131370830e+01, v3;
	v3 =	vld [tilespmem:s6+$0x11D70]  }
0x18f: {  	v7 =	vld [tilespmem:s6+$0x11D60];
	[tilespmem:s6+$0x11D00] =	vst v2;
	v2 =	vmul.f32 $1.131370830e+01, v4  }
0x190: {  	v4 =	vld [tilespmem:s6+$0x11D80];
	[tilespmem:s6+$0x11D10] =	vst v1;
	v1 =	vmul.f32 $1.131370830e+01, v5  }
0x191: {  	[tilespmem:s6+$0x11D20] =	vst v2;
	v5 =	vld [tilespmem:s6+$0x11D90];
	v2 =	vmul.f32 $1.131370830e+01, v6;
	v6 =	vmul.f32 $1.131370830e+01, v0  }
0x192: {  	[tilespmem:s6+$0x11D30] =	vst v1;
	v1 =	vld [tilespmem:s6+$0x11DA0]  }
0x193: {  	v0 =	vld [tilespmem:s6+$0x11DB0];
	[tilespmem:s6+$0x11D50] =	vst v6;
	v6 =	vmul.f32 $1.131370830e+01, v3  }
0x194: {  	v7 =	vmul.f32 $1.131370830e+01, v7;
	[tilespmem:s6+$0x11D40] =	vst v2;
	v2 =	vld [tilespmem:s6+$0x11DC0]  }
0x195: {  	v3 =	vld [tilespmem:s6+$0x11DD0];
	[tilespmem:s6+$0x11D70] =	vst v6;
	v6 =	vmul.f32 $1.131370830e+01, v4  }
0x196: {  	s11 =	simm.s32 $0x800;
	[tilespmem:s6+$0x11D60] =	vst v7;
	v5 =	vmul.f32 $1.131370830e+01, v5;
	v4 =	vld [tilespmem:s6+$0x11DE0]  }
.LBB2_11:
0x197: {  	s12 =	sshra.s32 s11, $0x2;
	p1 =	sne.s32 s11, $0xF800;
	[tilespmem:s6+$0x11D80] =	vst v6;
	v1 =	vmul.f32 $1.131370830e+01, v1;
	v6 =	vld [tilespmem:s6+$0x11DF0]  }
0x198: {  	v7 =	vld [tilespmem:s12+$0x11C00];
	[tilespmem:s6+$0x11D90] =	vst v5;
	v0 =	vmul.f32 $1.131370830e+01, v0  }
0x199: {  	v5 =	vld [tilespmem:s12+$0x11C10];
	[tilespmem:s6+$0x11DA0] =	vst v1;
	v1 =	vmul.f32 $1.131370830e+01, v2  }
0x19a: {  	v2 =	vld [tilespmem:s12+$0x11C20];
	[tilespmem:s6+$0x11DB0] =	vst v0;
	v0 =	vmul.f32 $1.131370830e+01, v3  }
0x19b: {  	v3 =	vld [tilespmem:s12+$0x11C30];
	[tilespmem:s6+$0x11DC0] =	vst v1;
	v1 =	vmul.f32 $1.131370830e+01, v4  }
0x19c: {  	v4 =	vld [tilespmem:s12+$0x11C40];
	[tilespmem:s6+$0x11DD0] =	vst v0;
	v0 =	vmul.f32 $1.131370830e+01, v6  }
0x19d: {  	v6 =	vmul.f32 $1.131370830e+01, v7;
	v7 =	vld [tilespmem:s12+$0x11C50];
	[tilespmem:s6+$0x11DE0] =	vst v1  }
0x19e: {  	v1 =	vmul.f32 $1.131370830e+01, v5;
	v5 =	vld [tilespmem:s12+$0x11C60];
	[tilespmem:s6+$0x11DF0] =	vst v0;
	s6 =	smov.u32 s12  }
0x19f: {  	[tilespmem:s6+$0x11C00] =	vst v6;
	v0 =	vmul.f32 $1.131370830e+01, v2;
	v2 =	vld [tilespmem:s6+$0x11C70]  }
0x1a0: {  	[tilespmem:s6+$0x11C10] =	vst v1;
	v1 =	vmul.f32 $1.131370830e+01, v3;
	v3 =	vld [tilespmem:s6+$0x11C80]  }
0x1a1: {  	[tilespmem:s6+$0x11C20] =	vst v0;
	v0 =	vmul.f32 $1.131370830e+01, v4;
	v4 =	vld [tilespmem:s6+$0x11C90]  }
0x1a2: {  	[tilespmem:s6+$0x11C30] =	vst v1;
	v1 =	vmul.f32 $1.131370830e+01, v7;
	v6 =	vld [tilespmem:s6+$0x11CA0]  }
0x1a3: {  	[tilespmem:s6+$0x11C40] =	vst v0;
	v0 =	vmul.f32 $1.131370830e+01, v5;
	v5 =	vld [tilespmem:s6+$0x11CB0]  }
0x1a4: {  	[tilespmem:s6+$0x11C50] =	vst v1;
	v1 =	vmul.f32 $1.131370830e+01, v2;
	v2 =	vld [tilespmem:s6+$0x11CC0]  }
0x1a5: {  	[tilespmem:s6+$0x11C60] =	vst v0;
	v0 =	vmul.f32 $1.131370830e+01, v3;
	v3 =	vld [tilespmem:s6+$0x11CD0]  }
0x1a6: {  	[tilespmem:s6+$0x11C70] =	vst v1;
	v1 =	vmul.f32 $1.131370830e+01, v4;
	v4 =	vld [tilespmem:s6+$0x11CE0]  }
0x1a7: {  	[tilespmem:s6+$0x11C80] =	vst v0;
	v0 =	vmul.f32 $1.131370830e+01, v6;
	v6 =	vld [tilespmem:s6+$0x11CF0]  }
0x1a8: {  	[tilespmem:s6+$0x11C90] =	vst v1;
	v1 =	vmul.f32 $1.131370830e+01, v5;
	v5 =	vld [tilespmem:s6+$0x11D00]  }
0x1a9: {  	[tilespmem:s6+$0x11CA0] =	vst v0;
	v0 =	vmul.f32 $1.131370830e+01, v2;
	v2 =	vld [tilespmem:s6+$0x11D10]  }
0x1aa: {  	[tilespmem:s6+$0x11CB0] =	vst v1;
	v1 =	vmul.f32 $1.131370830e+01, v3;
	v3 =	vld [tilespmem:s6+$0x11D20]  }
0x1ab: {  	[tilespmem:s6+$0x11CC0] =	vst v0;
	v0 =	vmul.f32 $1.131370830e+01, v4;
	v4 =	vld [tilespmem:s6+$0x11D30]  }
0x1ac: {  	[tilespmem:s6+$0x11CD0] =	vst v1;
	v1 =	vmul.f32 $1.131370830e+01, v6;
	v6 =	vld [tilespmem:s6+$0x11D40]  }
0x1ad: {  	[tilespmem:s6+$0x11CE0] =	vst v0;
	v0 =	vmul.f32 $1.131370830e+01, v5;
	v5 =	vld [tilespmem:s6+$0x11D50]  }
0x1ae: {  	[tilespmem:s6+$0x11CF0] =	vst v1;
	v1 =	vmul.f32 $1.131370830e+01, v2;
	v2 =	vld [tilespmem:s6+$0x11D60]  }
0x1af: {  	[tilespmem:s6+$0x11D00] =	vst v0;
	v0 =	vmul.f32 $1.131370830e+01, v3;
	v3 =	vld [tilespmem:s6+$0x11D70]  }
0x1b0: {  	[tilespmem:s6+$0x11D10] =	vst v1;
	v1 =	vmul.f32 $1.131370830e+01, v4;
	v4 =	vld [tilespmem:s6+$0x11D80]  }
0x1b1: {  	[tilespmem:s6+$0x11D20] =	vst v0;
	v0 =	vmul.f32 $1.131370830e+01, v6;
	v7 =	vld [tilespmem:s6+$0x11D90]  }
.Ltmp6:
0x1b2: {  	[tilespmem:s6+$0x11D30] =	vst v1;
	v5 =	vmul.f32 $1.131370830e+01, v5;
	v1 =	vld [tilespmem:s6+$0x11DA0];
	(pc) =	sbr.rel @p1 .LBB2_11-.Ltmp6, $4  }
0x1b3: {  	[tilespmem:s6+$0x11D40] =	vst v0;
	v6 =	vmul.f32 $1.131370830e+01, v2;
	v0 =	vld [tilespmem:s6+$0x11DB0]  }
0x1b4: {  	[tilespmem:s6+$0x11D50] =	vst v5;
	v5 =	vmul.f32 $1.131370830e+01, v3;
	v2 =	vld [tilespmem:s6+$0x11DC0]  }
0x1b5: {  	[tilespmem:s6+$0x11D60] =	vst v6;
	v6 =	vmul.f32 $1.131370830e+01, v4;
	v3 =	vld [tilespmem:s6+$0x11DD0]  }
0x1b6: {  	s11 =	sadd.s32 $0x800, s11;
	[tilespmem:s6+$0x11D70] =	vst v5;
	v5 =	vmul.f32 $1.131370830e+01, v7;
	v4 =	vld [tilespmem:s6+$0x11DE0]  }
0x1b7: {  	[tilespmem:s6+$0x11D80] =	vst v6;
	v1 =	vmul.f32 $1.131370830e+01, v1;
	v59 =	vld [tilespmem:s6+$0x11DF0]  }
0x1b8: {  	[tilespmem:s6+$0x11D90] =	vst v5;
	v0 =	vmul.f32 $1.131370830e+01, v0  }
0x1b9: {  	[tilespmem:s6+$0x11DA0] =	vst v1;
	v60 =	vmul.f32 $1.131370830e+01, v2  }
0x1ba: {  	[tilespmem:s6+$0x11DB0] =	vst v0;
	v61 =	vmul.f32 $1.131370830e+01, v3  }
.Ltmp7:
0x1bb: {  	s11 =	sshll.u32 s18, $0xE;
	[tilespmem:s6+$0x11DC0] =	vst v60;
	v62 =	vmul.f32 $1.131370830e+01, v4;
	(pc) =	sbr.rel @p0 .LBB2_14-.Ltmp7, $4  }
0x1bc: {  	s11 =	sadd.s32 s10, s11;
	[tilespmem:s6+$0x11DD0] =	vst v61;
	v63 =	vmul.f32 $1.131370830e+01, v59  }
0x1bd: {  	s11 =	sshrl.u32 s11, $0x3;
	[tilespmem:s6+$0x11DE0] =	vst v62  }
0x1be: {  	s28 =	sadd.s32 s3, s11;
	[tilespmem:s6+$0x11DF0] =	vst v63  }
0x1bf: {  	[hbm4b:s28+s4] =	stream.linear.scatter [tilespmem:s21], [sflag:$0xA], $0x4000, $0x38;
	[tilespmem:$0x15C00] =	vst v63  }
0x1c0: {  	s6 =	smul.u32 $0xA00, s16  }
.Ltmp8:
0x1c1: {  	_ = 	snop;
	(pc) =	sbr.rel .LBB2_2-.Ltmp8, $4  }
0x1c2: {  	_ =	swait.ge [sflag:s31], $0x4000  }
0x1c3: {  	[sflag:s31] =	ssyncset.done $0x0;
	s6 =	sshra.s32 s6, $0x2  }
0x1c4: {  	s16 =	sadd.s32 $0x1, s16;
	[sflag:s31] =	ssyncadd.s32 $0xFFFFC000;
	s6 =	sadd.s32 $0x400, s6  }
0x1c5: {  	[tilespmem:s19], [sflag:$0x4] =	stream.indirect.gather [hbm4b:s2+s13], $0x80, s6, s13, $0xb8;
	[tilespmem:$0x15C00] =	vst v63  }
.LBB2_15:
0x1c6: {  	_ =	sfence.sel $0x180000  }
0x1c7: {  	[bflag:$0x0] =	sbarrier.arrive $0xFFFF  }
0x1c8: {  	_ =	strace $0x90000047  }
0x1c9: {  	s0 =	stileid.u32;
	[bflag:$0x2] =	sbarrier.arrive $0xFFFF  }
0x1ca: {  	p0 =	sne.s32 s0, $0x0;
	s0 =	rddreg [dreg:$0x3]  }
0x1cb: {  	s0 =	sadd.s32 @!p0 $0x100000, s0  }
0x1cc: {  	[sflag:s0] =	ssyncadd.tile.s32 @!p0 $0x1;
	_ =	shalt  }
.Lfunc_end2:
_tile_overlayer_lowered:
.L_overlay_start_2:
0x1cd: {  	(tag) =	ssettag $0x2  }
0x1ce: {  	s0 =	rddreg [dreg:$0x0];
	s2 =	stileid.u32  }
0x1cf: {  	s1 =	rddreg [dreg:$0x1];
	p0 =	sne.s32 s2, $0x0  }
0x1d0: {  	s3 =	rddreg [dreg:$0x2];
	[bflag:$0x3] =	sbarrier.arrive $0xFFFF;
	s2 =	simm.s32 @!p0 $0x1C0B  }
0x1d1: {  	[timem:s3], [sflag:s2] =	dma.local @!p0 [hbm:s0], s1  }
0x1d2: {  	s0 =	simm.s32 @!p0 $0xB  }
0x1d3: {  	_ =	swait.ge @!p0 [sflag:s0], s1  }
0x1d4: {  	s1 =	ssub.s32 @!p0 $0x0, s1;
	[sflag:s0] =	ssyncset.done @!p0 $0x0  }
0x1d5: {  	[sflag:s0] =	ssyncadd.s32 @!p0 s1  }
0x1d6: {  	[bflag:$0x3] =	sbarrier.arrive $0xFFFF  }
0x1d7: {  	_ =	shalt  }

</sc_bundles>
